<compile_context>
chip_gen: v7x
topology: tpu7x:2x2x1
jax: 0.10.2.dev20260603
libtpu: 0.0.44.dev20260713+nightly
codegen_flags: <defaults>
</compile_context>

<pallas_src>
import functools

import jax
import jax.numpy as jnp
from jax import lax
from jax.experimental import pallas as pl
from jax.experimental.pallas import tpu as pltpu
from jax.experimental.pallas import tpu_sc as plsc

_POS = 65536
_NEG = 262144
_TOTAL = _POS + _NEG
_DIM = 64
_NC = 2
_NS = 16
_NW = _NC * _NS
_LANES = 16
_CH = 128
_POS_W = _POS // _NW
_NEG_W = _NEG // _NW
_PAIRS_W = _POS_W + _NEG_W
_POS_CHUNKS = _POS_W // _CH
_POS_MARGIN = 0.1
_NEG_MARGIN = 1.0

_TC_COLS = 128
_TC_ROWS = _TOTAL * _LANES // _TC_COLS
_TC_BR = 4096
_TC_GRID = _TC_ROWS // _TC_BR
_TC_POS_BLOCKS = _POS * _LANES // _TC_COLS // _TC_BR
_PAIRS_PER_ROW = _TC_COLS // _LANES


def _make_sc_kernel():
    mesh = plsc.VectorSubcoreMesh(
        core_axis_name="c", subcore_axis_name="s", num_cores=_NC,
        num_subcores=_NS)

    @functools.partial(
        pl.kernel,
        out_type=jax.ShapeDtypeStruct((_TC_ROWS, _TC_COLS), jnp.float32),
        mesh=mesh,
        compiler_params=pltpu.CompilerParams(use_tc_tiling_on_sc=False),
        scratch_types=[
            pltpu.VMEM((_PAIRS_W,), jnp.int32),
            pltpu.VMEM((_PAIRS_W,), jnp.int32),
            pltpu.VMEM((_CH, _DIM), jnp.float32),
            pltpu.VMEM((_CH, _DIM), jnp.float32),
            pltpu.VMEM((_CH, _DIM), jnp.float32),
            pltpu.VMEM((_CH, _DIM), jnp.float32),
            pltpu.VMEM((_CH * _LANES // _TC_COLS, _TC_COLS), jnp.float32),
            pltpu.VMEM((_CH * _LANES // _TC_COLS, _TC_COLS), jnp.float32),
            pltpu.SemaphoreType.DMA,
            pltpu.SemaphoreType.DMA,
            pltpu.SemaphoreType.DMA,
            pltpu.SemaphoreType.DMA,
            pltpu.SemaphoreType.DMA,
            pltpu.SemaphoreType.DMA,
        ],
    )
    def sc_kernel(table_hbm, pix0_hbm, pix1_hbm, nix0_hbm, nix1_hbm,
                  out_hbm, idx0_v, idx1_v, rows_a0, rows_b0, rows_a1,
                  rows_b1, sbuf0, sbuf1, sem_a0, sem_b0, sem_a1, sem_b1,
                  osem0, osem1):
        wid = lax.axis_index("s") * _NC + lax.axis_index("c")
        bufs = ((rows_a0, rows_b0, sem_a0, sem_b0),
                (rows_a1, rows_b1, sem_a1, sem_b1))
        sbufs = ((sbuf0, osem0), (sbuf1, osem1))

        pltpu.sync_copy(pix0_hbm.at[pl.ds(wid * _POS_W, _POS_W)],
                        idx0_v.at[pl.ds(0, _POS_W)])
        pltpu.sync_copy(pix1_hbm.at[pl.ds(wid * _POS_W, _POS_W)],
                        idx1_v.at[pl.ds(0, _POS_W)])
        pltpu.sync_copy(nix0_hbm.at[pl.ds(wid * _NEG_W, _NEG_W)],
                        idx0_v.at[pl.ds(_POS_W, _NEG_W)])
        pltpu.sync_copy(nix1_hbm.at[pl.ds(wid * _NEG_W, _NEG_W)],
                        idx1_v.at[pl.ds(_POS_W, _NEG_W)])

        pos_out = wid * _POS_W
        neg_out = _POS + wid * _NEG_W - _POS_W

        def out_row(c):
            return jnp.where(c < _POS_CHUNKS, pos_out + c * _CH,
                             neg_out + c * _CH)

        def start(c, bi):
            ra, rb, sa, sb = bufs[bi]
            pltpu.async_copy(
                table_hbm.at[idx0_v.at[pl.ds(c * _CH, _CH)]], ra, sa)
            pltpu.async_copy(
                table_hbm.at[idx1_v.at[pl.ds(c * _CH, _CH)]], rb, sb)

        def wait(bi):
            ra, rb, sa, sb = bufs[bi]
            pltpu.make_async_copy(
                table_hbm.at[idx0_v.at[pl.ds(0, _CH)]], ra, sa).wait()
            pltpu.make_async_copy(
                table_hbm.at[idx1_v.at[pl.ds(0, _CH)]], rb, sb).wait()

        _SBR = _CH * _LANES // _TC_COLS

        def start_out(c, sbi):
            sb, osem = sbufs[sbi]
            row = out_row(c) >> 3
            pltpu.async_copy(sb, out_hbm.at[pl.ds(row, _SBR)], osem)

        def wait_out(sbi):
            sb, osem = sbufs[sbi]
            pltpu.make_async_copy(
                sb, out_hbm.at[pl.ds(0, _SBR)], osem).wait()

        def compute(bi, sbi):
            ra, rb, _, _ = bufs[bi]
            sb, _ = sbufs[sbi]

            def group_body(g, carry):
                gbase = g * _LANES
                for j in range(_LANES):
                    p = gbase + j
                    s = None
                    for k in range(_DIM // _LANES):
                        va = ra[p, pl.ds(k * _LANES, _LANES)]
                        vb = rb[p, pl.ds(k * _LANES, _LANES)]
                        df = va - vb
                        s = df * df if s is None else s + df * df
                    sb[2 * g + (j >> 3), pl.ds((j & 7) * _LANES, _LANES)] = s
                return carry

            lax.fori_loop(0, _CH // _LANES, group_body, jnp.int32(0))

        nch2 = _PAIRS_W // _CH // 2
        start(0, 0)

        def chunk2_body(cc, carry):
            c0 = 2 * cc
            start(c0 + 1, 1)
            wait(0)

            @pl.when(cc > 0)
            def _():
                wait_out(0)

            compute(0, 0)
            start_out(c0, 0)

            @pl.when(cc + 1 < nch2)
            def _():
                start(c0 + 2, 0)

            wait(1)

            @pl.when(cc > 0)
            def _():
                wait_out(1)

            compute(1, 1)
            start_out(c0 + 1, 1)
            return carry

        lax.fori_loop(0, nch2, chunk2_body, jnp.int32(0))
        wait_out(0)
        wait_out(1)

    return sc_kernel


_SC_KERNEL = _make_sc_kernel()


def _tc_body(x_ref, out_ref):
    i = pl.program_id(0)
    x = x_ref[...]
    is_pos = i < _TC_POS_BLOCKS
    col = jax.lax.broadcasted_iota(jnp.int32, (_TC_COLS, _PAIRS_PER_ROW), 0)
    seg = jax.lax.broadcasted_iota(jnp.int32, (_TC_COLS, _PAIRS_PER_ROW), 1)
    m = (col // _LANES == seg).astype(jnp.float32)
    s = jnp.dot(x, m, preferred_element_type=jnp.float32,
                precision=jax.lax.Precision.HIGHEST) + 1e-12
    d = jnp.sqrt(s)
    t = jnp.where(is_pos,
                  jnp.maximum(d - _POS_MARGIN, 0.0),
                  jnp.maximum(_NEG_MARGIN - d, 0.0))
    tot = jnp.sum(t * t)
    prev = out_ref[...]
    out_ref[...] = jnp.where(i == 0, tot, prev[0, 0] + tot)[None, None]


def _tc_reduce(x):
    return pl.pallas_call(
        _tc_body,
        grid=(_TC_GRID,),
        in_specs=[pl.BlockSpec((_TC_BR, _TC_COLS), lambda i: (i, 0))],
        out_specs=pl.BlockSpec((1, 1), lambda i: (0, 0)),
        out_shape=jax.ShapeDtypeStruct((1, 1), jnp.float32),
    )(x)


def kernel(table, pos_ix0, pos_ix1, neg_ix0, neg_ix1):
    sq = _SC_KERNEL(table,
                    pos_ix0.astype(jnp.int32), pos_ix1.astype(jnp.int32),
                    neg_ix0.astype(jnp.int32), neg_ix1.astype(jnp.int32))
    return _tc_reduce(sq)[0, 0]

# --- scband reference (transcript-rebuilt; emitter-appended) ---
"""Pipeline reference for scband-contrastive-loss-45449343926972 (READ-ONLY COPY).

The authoritative reference and input builder live on the scoring server;
editing this copy changes nothing except your own understanding.
"""

import jax, jax.numpy as jnp
import numpy as np

NUM_NODES = 100000
EMBED_DIM = 64
POS_PAIRS = 65536
NEG_PAIRS = 262144
POS_MARGIN = 0.1
NEG_MARGIN = 1.0


def _distance(a, b):
    # euclidean L2 distance per row, eps for numerical safety at zero
    return jnp.sqrt(jnp.sum(jnp.square(a - b), axis=-1) + 1e-12)


def setup_inputs(seed: int = 0) -> dict:
    key = jax.random.key(seed)
    k1, k2, k3, k4, k5 = jax.random.split(key, 5)
    table = jax.random.normal(k1, (NUM_NODES, EMBED_DIM), dtype=jnp.float32) * 0.1
    pos_ix0 = jax.random.randint(k2, (POS_PAIRS,), 0, NUM_NODES, dtype=jnp.int64) if jax.config.jax_enable_x64 else jax.random.randint(k2, (POS_PAIRS,), 0, NUM_NODES).astype(jnp.int32)
    pos_ix1 = jax.random.randint(k3, (POS_PAIRS,), 0, NUM_NODES).astype(pos_ix0.dtype)
    neg_ix0 = jax.random.randint(k4, (NEG_PAIRS,), 0, NUM_NODES).astype(pos_ix0.dtype)
    neg_ix1 = jax.random.randint(k5, (NEG_PAIRS,), 0, NUM_NODES).astype(pos_ix0.dtype)
    return {
        "table": table,
        "pos_ix0": pos_ix0,
        "pos_ix1": pos_ix1,
        "neg_ix0": neg_ix0,
        "neg_ix1": neg_ix1,
    }


def reference(table, pos_ix0, pos_ix1, neg_ix0, neg_ix1):
    # embedding_model(ix) -> gather rows from the embedding table
    pos_a = jnp.take(table, pos_ix0, axis=0)
    pos_b = jnp.take(table, pos_ix1, axis=0)
    neg_a = jnp.take(table, neg_ix0, axis=0)
    neg_b = jnp.take(table, neg_ix1, axis=0)
    pos_distance = _distance(pos_a, pos_b)
    neg_distance = _distance(neg_a, neg_b)
    pos_loss = jnp.square(jax.nn.relu(pos_distance - POS_MARGIN))
    neg_loss = jnp.square(jax.nn.relu(NEG_MARGIN - neg_distance))
    loss = jnp.concatenate([pos_loss, neg_loss])
    return jnp.sum(loss)

if __name__ == "__main__":
    import jax
    _d = setup_inputs()
    print(jax.jit(kernel)(*tuple(_d.values())))

</pallas_src>

<mosaic_0001>
#map = affine_map<(d0, d1) -> (0, 0)>
#map1 = affine_map<(d0, d1) -> (0)>
module attributes {stable_mosaic.version = 14 : i64} {
  func.func @sc_kernel(%arg0: i32, %arg1: i32, %arg2: memref<100000x64xf32, #tpu.memory_space<hbm>>, %arg3: memref<65536xi32, #tpu.memory_space<hbm>>, %arg4: memref<65536xi32, #tpu.memory_space<hbm>>, %arg5: memref<262144xi32, #tpu.memory_space<hbm>>, %arg6: memref<262144xi32, #tpu.memory_space<hbm>>, %arg7: memref<40960x128xf32, #tpu.memory_space<hbm>>, %arg8: memref<10240xi32, #tpu.memory_space<vmem>>, %arg9: memref<10240xi32, #tpu.memory_space<vmem>>, %arg10: memref<128x64xf32, #tpu.memory_space<vmem>>, %arg11: memref<128x64xf32, #tpu.memory_space<vmem>>, %arg12: memref<128x64xf32, #tpu.memory_space<vmem>>, %arg13: memref<128x64xf32, #tpu.memory_space<vmem>>, %arg14: memref<16x128xf32, #tpu.memory_space<vmem>>, %arg15: memref<16x128xf32, #tpu.memory_space<vmem>>, %arg16: memref<!tpu.dma_semaphore, #tpu.memory_space<semaphore_mem>>, %arg17: memref<!tpu.dma_semaphore, #tpu.memory_space<semaphore_mem>>, %arg18: memref<!tpu.dma_semaphore, #tpu.memory_space<semaphore_mem>>, %arg19: memref<!tpu.dma_semaphore, #tpu.memory_space<semaphore_mem>>, %arg20: memref<!tpu.dma_semaphore, #tpu.memory_space<semaphore_mem>>, %arg21: memref<!tpu.dma_semaphore, #tpu.memory_space<semaphore_mem>>) attributes {dimension_semantics = [#tpu.dimension_semantics<core_parallel>, #tpu.dimension_semantics<subcore_parallel>], iteration_bounds = array<i64: 2, 16>, scalar_prefetch = 0 : i64, scratch_operands = 14 : i64, tpu.core_type = #tpu.core_type<sc_vector_subcore>, window_params = [{transform_indices = #map}, {transform_indices = #map1}, {transform_indices = #map1}, {transform_indices = #map1}, {transform_indices = #map1}, {transform_indices = #map}]} {
    %mul3A = arith.constant 2 : i32
    %mul3A_0 = arith.muli %arg1, %mul3A : i32
    %add3A = arith.addi %mul3A_0, %arg0 : i32
    %mul3A_1 = arith.constant 2048 : i32
    %mul3A_2 = arith.muli %add3A, %mul3A_1 : i32
    "tpu.region"() ({
      %run_scoped3A = tpu.sem_alloc : memref<!tpu.dma_semaphore, #tpu.memory_space<semaphore_mem>>
      %dma_start3A_41 = arith.constant 0 : i32
      %dma_start3A_42 = tpu.memref_slice %arg8[%dma_start3A_41] : memref<10240xi32, #tpu.memory_space<vmem>> -> memref<2048xi32, #tpu.memory_space<vmem>>
      %dma_start3A_43 = tpu.memref_slice %arg3[%mul3A_2] : memref<65536xi32, #tpu.memory_space<hbm>> -> memref<2048xi32, #tpu.memory_space<hbm>>
      %dma_start3A_44 = arith.constant 0 : i32
      %dma_start3A_45 = tpu.memref_slice %arg8[%dma_start3A_44] : memref<10240xi32, #tpu.memory_space<vmem>> -> memref<2048xi32, #tpu.memory_space<vmem>>
      %dma_start3A_46 = tpu.memref_slice %arg3[%mul3A_2] : memref<65536xi32, #tpu.memory_space<hbm>> -> memref<2048xi32, #tpu.memory_space<hbm>>
      tpu.enqueue_dma source(%dma_start3A_46 : memref<2048xi32, #tpu.memory_space<hbm>>) target(%dma_start3A_45 : memref<2048xi32, #tpu.memory_space<vmem>>) target_semaphore(%run_scoped3A : memref<!tpu.dma_semaphore, #tpu.memory_space<semaphore_mem>>)
      %dma_wait3A_47 = arith.constant 0 : i32
      %dma_wait3A_48 = tpu.memref_slice %arg8[%dma_wait3A_47] : memref<10240xi32, #tpu.memory_space<vmem>> -> memref<2048xi32, #tpu.memory_space<vmem>>
      %dma_wait3A_49 = tpu.memref_slice %arg3[%mul3A_2] : memref<65536xi32, #tpu.memory_space<hbm>> -> memref<2048xi32, #tpu.memory_space<hbm>>
      %dma_wait3A_50 = arith.constant 0 : i32
      %dma_wait3A_51 = tpu.memref_slice %arg8[%dma_wait3A_50] : memref<10240xi32, #tpu.memory_space<vmem>> -> memref<2048xi32, #tpu.memory_space<vmem>>
      %dma_wait3A_52 = tpu.memref_slice %arg3[%mul3A_2] : memref<65536xi32, #tpu.memory_space<hbm>> -> memref<2048xi32, #tpu.memory_space<hbm>>
      tpu.wait_dma2 semaphore(%run_scoped3A : memref<!tpu.dma_semaphore, #tpu.memory_space<semaphore_mem>>) src(%dma_wait3A_52 : memref<2048xi32, #tpu.memory_space<hbm>>) dst(%dma_wait3A_51 : memref<2048xi32, #tpu.memory_space<vmem>>)
      tpu.yield
    }) : () -> ()
    %mul3A_3 = arith.constant 2048 : i32
    %mul3A_4 = arith.muli %add3A, %mul3A_3 : i32
    "tpu.region"() ({
      %run_scoped3A = tpu.sem_alloc : memref<!tpu.dma_semaphore, #tpu.memory_space<semaphore_mem>>
      %dma_start3A_41 = arith.constant 0 : i32
      %dma_start3A_42 = tpu.memref_slice %arg9[%dma_start3A_41] : memref<10240xi32, #tpu.memory_space<vmem>> -> memref<2048xi32, #tpu.memory_space<vmem>>
      %dma_start3A_43 = tpu.memref_slice %arg4[%mul3A_4] : memref<65536xi32, #tpu.memory_space<hbm>> -> memref<2048xi32, #tpu.memory_space<hbm>>
      %dma_start3A_44 = arith.constant 0 : i32
      %dma_start3A_45 = tpu.memref_slice %arg9[%dma_start3A_44] : memref<10240xi32, #tpu.memory_space<vmem>> -> memref<2048xi32, #tpu.memory_space<vmem>>
      %dma_start3A_46 = tpu.memref_slice %arg4[%mul3A_4] : memref<65536xi32, #tpu.memory_space<hbm>> -> memref<2048xi32, #tpu.memory_space<hbm>>
      tpu.enqueue_dma source(%dma_start3A_46 : memref<2048xi32, #tpu.memory_space<hbm>>) target(%dma_start3A_45 : memref<2048xi32, #tpu.memory_space<vmem>>) target_semaphore(%run_scoped3A : memref<!tpu.dma_semaphore, #tpu.memory_space<semaphore_mem>>)
      %dma_wait3A_47 = arith.constant 0 : i32
      %dma_wait3A_48 = tpu.memref_slice %arg9[%dma_wait3A_47] : memref<10240xi32, #tpu.memory_space<vmem>> -> memref<2048xi32, #tpu.memory_space<vmem>>
      %dma_wait3A_49 = tpu.memref_slice %arg4[%mul3A_4] : memref<65536xi32, #tpu.memory_space<hbm>> -> memref<2048xi32, #tpu.memory_space<hbm>>
      %dma_wait3A_50 = arith.constant 0 : i32
      %dma_wait3A_51 = tpu.memref_slice %arg9[%dma_wait3A_50] : memref<10240xi32, #tpu.memory_space<vmem>> -> memref<2048xi32, #tpu.memory_space<vmem>>
      %dma_wait3A_52 = tpu.memref_slice %arg4[%mul3A_4] : memref<65536xi32, #tpu.memory_space<hbm>> -> memref<2048xi32, #tpu.memory_space<hbm>>
      tpu.wait_dma2 semaphore(%run_scoped3A : memref<!tpu.dma_semaphore, #tpu.memory_space<semaphore_mem>>) src(%dma_wait3A_52 : memref<2048xi32, #tpu.memory_space<hbm>>) dst(%dma_wait3A_51 : memref<2048xi32, #tpu.memory_space<vmem>>)
      tpu.yield
    }) : () -> ()
    %mul3A_5 = arith.constant 8192 : i32
    %mul3A_6 = arith.muli %add3A, %mul3A_5 : i32
    "tpu.region"() ({
      %run_scoped3A = tpu.sem_alloc : memref<!tpu.dma_semaphore, #tpu.memory_space<semaphore_mem>>
      %dma_start3A_41 = arith.constant 2048 : i32
      %dma_start3A_42 = tpu.memref_slice %arg8[%dma_start3A_41] : memref<10240xi32, #tpu.memory_space<vmem>> -> memref<8192xi32, #tpu.memory_space<vmem>>
      %dma_start3A_43 = tpu.memref_slice %arg5[%mul3A_6] : memref<262144xi32, #tpu.memory_space<hbm>> -> memref<8192xi32, #tpu.memory_space<hbm>>
      %dma_start3A_44 = arith.constant 2048 : i32
      %dma_start3A_45 = tpu.memref_slice %arg8[%dma_start3A_44] : memref<10240xi32, #tpu.memory_space<vmem>> -> memref<8192xi32, #tpu.memory_space<vmem>>
      %dma_start3A_46 = tpu.memref_slice %arg5[%mul3A_6] : memref<262144xi32, #tpu.memory_space<hbm>> -> memref<8192xi32, #tpu.memory_space<hbm>>
      tpu.enqueue_dma source(%dma_start3A_46 : memref<8192xi32, #tpu.memory_space<hbm>>) target(%dma_start3A_45 : memref<8192xi32, #tpu.memory_space<vmem>>) target_semaphore(%run_scoped3A : memref<!tpu.dma_semaphore, #tpu.memory_space<semaphore_mem>>)
      %dma_wait3A_47 = arith.constant 2048 : i32
      %dma_wait3A_48 = tpu.memref_slice %arg8[%dma_wait3A_47] : memref<10240xi32, #tpu.memory_space<vmem>> -> memref<8192xi32, #tpu.memory_space<vmem>>
      %dma_wait3A_49 = tpu.memref_slice %arg5[%mul3A_6] : memref<262144xi32, #tpu.memory_space<hbm>> -> memref<8192xi32, #tpu.memory_space<hbm>>
      %dma_wait3A_50 = arith.constant 2048 : i32
      %dma_wait3A_51 = tpu.memref_slice %arg8[%dma_wait3A_50] : memref<10240xi32, #tpu.memory_space<vmem>> -> memref<8192xi32, #tpu.memory_space<vmem>>
      %dma_wait3A_52 = tpu.memref_slice %arg5[%mul3A_6] : memref<262144xi32, #tpu.memory_space<hbm>> -> memref<8192xi32, #tpu.memory_space<hbm>>
      tpu.wait_dma2 semaphore(%run_scoped3A : memref<!tpu.dma_semaphore, #tpu.memory_space<semaphore_mem>>) src(%dma_wait3A_52 : memref<8192xi32, #tpu.memory_space<hbm>>) dst(%dma_wait3A_51 : memref<8192xi32, #tpu.memory_space<vmem>>)
      tpu.yield
    }) : () -> ()
    %mul3A_7 = arith.constant 8192 : i32
    %mul3A_8 = arith.muli %add3A, %mul3A_7 : i32
    "tpu.region"() ({
      %run_scoped3A = tpu.sem_alloc : memref<!tpu.dma_semaphore, #tpu.memory_space<semaphore_mem>>
      %dma_start3A_41 = arith.constant 2048 : i32
      %dma_start3A_42 = tpu.memref_slice %arg9[%dma_start3A_41] : memref<10240xi32, #tpu.memory_space<vmem>> -> memref<8192xi32, #tpu.memory_space<vmem>>
      %dma_start3A_43 = tpu.memref_slice %arg6[%mul3A_8] : memref<262144xi32, #tpu.memory_space<hbm>> -> memref<8192xi32, #tpu.memory_space<hbm>>
      %dma_start3A_44 = arith.constant 2048 : i32
      %dma_start3A_45 = tpu.memref_slice %arg9[%dma_start3A_44] : memref<10240xi32, #tpu.memory_space<vmem>> -> memref<8192xi32, #tpu.memory_space<vmem>>
      %dma_start3A_46 = tpu.memref_slice %arg6[%mul3A_8] : memref<262144xi32, #tpu.memory_space<hbm>> -> memref<8192xi32, #tpu.memory_space<hbm>>
      tpu.enqueue_dma source(%dma_start3A_46 : memref<8192xi32, #tpu.memory_space<hbm>>) target(%dma_start3A_45 : memref<8192xi32, #tpu.memory_space<vmem>>) target_semaphore(%run_scoped3A : memref<!tpu.dma_semaphore, #tpu.memory_space<semaphore_mem>>)
      %dma_wait3A_47 = arith.constant 2048 : i32
      %dma_wait3A_48 = tpu.memref_slice %arg9[%dma_wait3A_47] : memref<10240xi32, #tpu.memory_space<vmem>> -> memref<8192xi32, #tpu.memory_space<vmem>>
      %dma_wait3A_49 = tpu.memref_slice %arg6[%mul3A_8] : memref<262144xi32, #tpu.memory_space<hbm>> -> memref<8192xi32, #tpu.memory_space<hbm>>
      %dma_wait3A_50 = arith.constant 2048 : i32
      %dma_wait3A_51 = tpu.memref_slice %arg9[%dma_wait3A_50] : memref<10240xi32, #tpu.memory_space<vmem>> -> memref<8192xi32, #tpu.memory_space<vmem>>
      %dma_wait3A_52 = tpu.memref_slice %arg6[%mul3A_8] : memref<262144xi32, #tpu.memory_space<hbm>> -> memref<8192xi32, #tpu.memory_space<hbm>>
      tpu.wait_dma2 semaphore(%run_scoped3A : memref<!tpu.dma_semaphore, #tpu.memory_space<semaphore_mem>>) src(%dma_wait3A_52 : memref<8192xi32, #tpu.memory_space<hbm>>) dst(%dma_wait3A_51 : memref<8192xi32, #tpu.memory_space<vmem>>)
      tpu.yield
    }) : () -> ()
    %mul3A_9 = arith.constant 2048 : i32
    %mul3A_10 = arith.muli %add3A, %mul3A_9 : i32
    %mul3A_11 = arith.constant 8192 : i32
    %mul3A_12 = arith.muli %add3A, %mul3A_11 : i32
    %add3A_13 = arith.constant 65536 : i32
    %add3A_14 = arith.addi %add3A_13, %mul3A_12 : i32
    %sub3A = arith.constant 2048 : i32
    %sub3A_15 = arith.subi %add3A_14, %sub3A : i32
    %dma_start3A = arith.constant 0 : i32
    %dma_start3A_16 = tpu.memref_slice %arg8[%dma_start3A] : memref<10240xi32, #tpu.memory_space<vmem>> -> memref<128xi32, #tpu.memory_space<vmem>>
    %dma_start3A_17 = arith.constant 0 : i32
    %dma_start3A_18 = arith.constant 0 : i32
    %dma_start3A_19 = tpu.memref_slice %arg2[%dma_start3A_17, %dma_start3A_18] : memref<100000x64xf32, #tpu.memory_space<hbm>> -> memref<100000x64xf32, #tpu.memory_space<hbm>>
    tpu.enqueue_indirect_dma source(%dma_start3A_19 : memref<100000x64xf32, #tpu.memory_space<hbm>>) target(%arg10 : memref<128x64xf32, #tpu.memory_space<vmem>>) offsets(%dma_start3A_16 : memref<128xi32, #tpu.memory_space<vmem>>) semaphore(%arg16 : memref<!tpu.dma_semaphore, #tpu.memory_space<semaphore_mem>>)
    %dma_start3A_20 = arith.constant 0 : i32
    %dma_start3A_21 = tpu.memref_slice %arg9[%dma_start3A_20] : memref<10240xi32, #tpu.memory_space<vmem>> -> memref<128xi32, #tpu.memory_space<vmem>>
    %dma_start3A_22 = arith.constant 0 : i32
    %dma_start3A_23 = arith.constant 0 : i32
    %dma_start3A_24 = tpu.memref_slice %arg2[%dma_start3A_22, %dma_start3A_23] : memref<100000x64xf32, #tpu.memory_space<hbm>> -> memref<100000x64xf32, #tpu.memory_space<hbm>>
    tpu.enqueue_indirect_dma source(%dma_start3A_24 : memref<100000x64xf32, #tpu.memory_space<hbm>>) target(%arg11 : memref<128x64xf32, #tpu.memory_space<vmem>>) offsets(%dma_start3A_21 : memref<128xi32, #tpu.memory_space<vmem>>) semaphore(%arg17 : memref<!tpu.dma_semaphore, #tpu.memory_space<semaphore_mem>>)
    %scan3A = arith.constant 0 : i32
    %scan3A_25 = arith.constant 0 : i32
    %scan3A_26 = arith.constant 40 : i32
    %scan3A_27 = arith.addi %scan3A_25, %scan3A_26 : i32
    %scan3A_28 = arith.constant 1 : i32
    scf.for %scan3A_41 = %scan3A_25 to %scan3A_27 step %scan3A_28  : i32 {
      %mul3A_42 = arith.constant 2 : i32
      %mul3A_43 = arith.muli %mul3A_42, %scan3A_41 : i32
      %add3A_44 = arith.constant 1 : i32
      %add3A_45 = arith.addi %mul3A_43, %add3A_44 : i32
      %mul3A_46 = arith.constant 128 : i32
      %mul3A_47 = arith.muli %add3A_45, %mul3A_46 : i32
      %dma_start3A_48 = tpu.memref_slice %arg8[%mul3A_47] : memref<10240xi32, #tpu.memory_space<vmem>> -> memref<128xi32, #tpu.memory_space<vmem>>
      %dma_start3A_49 = arith.constant 0 : i32
      %dma_start3A_50 = arith.constant 0 : i32
      %dma_start3A_51 = tpu.memref_slice %arg2[%dma_start3A_49, %dma_start3A_50] : memref<100000x64xf32, #tpu.memory_space<hbm>> -> memref<100000x64xf32, #tpu.memory_space<hbm>>
      tpu.enqueue_indirect_dma source(%dma_start3A_51 : memref<100000x64xf32, #tpu.memory_space<hbm>>) target(%arg12 : memref<128x64xf32, #tpu.memory_space<vmem>>) offsets(%dma_start3A_48 : memref<128xi32, #tpu.memory_space<vmem>>) semaphore(%arg18 : memref<!tpu.dma_semaphore, #tpu.memory_space<semaphore_mem>>)
      %mul3A_52 = arith.constant 128 : i32
      %mul3A_53 = arith.muli %add3A_45, %mul3A_52 : i32
      %dma_start3A_54 = tpu.memref_slice %arg9[%mul3A_53] : memref<10240xi32, #tpu.memory_space<vmem>> -> memref<128xi32, #tpu.memory_space<vmem>>
      %dma_start3A_55 = arith.constant 0 : i32
      %dma_start3A_56 = arith.constant 0 : i32
      %dma_start3A_57 = tpu.memref_slice %arg2[%dma_start3A_55, %dma_start3A_56] : memref<100000x64xf32, #tpu.memory_space<hbm>> -> memref<100000x64xf32, #tpu.memory_space<hbm>>
      tpu.enqueue_indirect_dma source(%dma_start3A_57 : memref<100000x64xf32, #tpu.memory_space<hbm>>) target(%arg13 : memref<128x64xf32, #tpu.memory_space<vmem>>) offsets(%dma_start3A_54 : memref<128xi32, #tpu.memory_space<vmem>>) semaphore(%arg19 : memref<!tpu.dma_semaphore, #tpu.memory_space<semaphore_mem>>)
      %dma_wait3A_58 = arith.constant 0 : i32
      %dma_wait3A_59 = tpu.memref_slice %arg8[%dma_wait3A_58] : memref<10240xi32, #tpu.memory_space<vmem>> -> memref<128xi32, #tpu.memory_space<vmem>>
      %dma_wait3A_60 = arith.constant 0 : i32
      %dma_wait3A_61 = arith.constant 0 : i32
      %dma_wait3A_62 = tpu.memref_slice %arg2[%dma_wait3A_60, %dma_wait3A_61] : memref<100000x64xf32, #tpu.memory_space<hbm>> -> memref<100000x64xf32, #tpu.memory_space<hbm>>
      tpu.wait_indirect_dma semaphore(%arg16 : memref<!tpu.dma_semaphore, #tpu.memory_space<semaphore_mem>>) src(%dma_wait3A_62 : memref<100000x64xf32, #tpu.memory_space<hbm>>) dst(%arg10 : memref<128x64xf32, #tpu.memory_space<vmem>>)
      %dma_wait3A_63 = arith.constant 0 : i32
      %dma_wait3A_64 = tpu.memref_slice %arg9[%dma_wait3A_63] : memref<10240xi32, #tpu.memory_space<vmem>> -> memref<128xi32, #tpu.memory_space<vmem>>
      %dma_wait3A_65 = arith.constant 0 : i32
      %dma_wait3A_66 = arith.constant 0 : i32
      %dma_wait3A_67 = tpu.memref_slice %arg2[%dma_wait3A_65, %dma_wait3A_66] : memref<100000x64xf32, #tpu.memory_space<hbm>> -> memref<100000x64xf32, #tpu.memory_space<hbm>>
      tpu.wait_indirect_dma semaphore(%arg17 : memref<!tpu.dma_semaphore, #tpu.memory_space<semaphore_mem>>) src(%dma_wait3A_67 : memref<100000x64xf32, #tpu.memory_space<hbm>>) dst(%arg11 : memref<128x64xf32, #tpu.memory_space<vmem>>)
      %gt3A = arith.constant 0 : i32
      %gt3A_68 = arith.cmpi sgt, %scan3A_41, %gt3A : i32
      %convert_element_type3A = arith.extui %gt3A_68 : i1 to i32
      %cond3A = arith.constant 0 : i32
      %cond3A_69 = arith.cmpi ne, %convert_element_type3A, %cond3A : i32
      scf.if %cond3A_69 {
        %dma_wait3A_133 = arith.constant 0 : i32
        %dma_wait3A_134 = arith.constant 0 : i32
        %dma_wait3A_135 = tpu.memref_slice %arg7[%dma_wait3A_133, %dma_wait3A_134] : memref<40960x128xf32, #tpu.memory_space<hbm>> -> memref<16x128xf32, #tpu.memory_space<hbm>>
        %dma_wait3A_136 = arith.constant 0 : i32
        %dma_wait3A_137 = arith.constant 0 : i32
        %dma_wait3A_138 = tpu.memref_slice %arg7[%dma_wait3A_136, %dma_wait3A_137] : memref<40960x128xf32, #tpu.memory_space<hbm>> -> memref<16x128xf32, #tpu.memory_space<hbm>>
        tpu.wait_dma2 semaphore(%arg20 : memref<!tpu.dma_semaphore, #tpu.memory_space<semaphore_mem>>) src(%arg14 : memref<16x128xf32, #tpu.memory_space<vmem>>) dst(%dma_wait3A_138 : memref<16x128xf32, #tpu.memory_space<hbm>>)
      } else {
      }
      %scan3A_70 = arith.constant 0 : i32
      %scan3A_71 = arith.constant 0 : i32
      %scan3A_72 = arith.constant 8 : i32
      %scan3A_73 = arith.addi %scan3A_71, %scan3A_72 : i32
      %scan3A_74 = arith.constant 1 : i32
      scf.for %scan3A_133 = %scan3A_71 to %scan3A_73 step %scan3A_74  : i32 {
        %mul3A_134 = arith.constant 16 : i32
        %mul3A_135 = arith.muli %scan3A_133, %mul3A_134 : i32
        %add3A_136 = arith.constant 0 : i32
        %add3A_137 = arith.addi %mul3A_135, %add3A_136 : i32
        %get3A = arith.index_cast %add3A_137 : i32 to index
        %get3A_138 = arith.constant 0 : index
        %get3A_139 = tpu.vector_load %arg10[%get3A, %get3A_138] {strides = array<i32>} : memref<128x64xf32, #tpu.memory_space<vmem>>, vector<1x16xf32>,
        %get3A_140 = vector.shape_cast %get3A_139 : vector<1x16xf32> to vector<16xf32>
        %get3A_141 = arith.index_cast %add3A_137 : i32 to index
        %get3A_142 = arith.constant 0 : index
        %get3A_143 = tpu.vector_load %arg11[%get3A_141, %get3A_142] {strides = array<i32>} : memref<128x64xf32, #tpu.memory_space<vmem>>, vector<1x16xf32>,
        %get3A_144 = vector.shape_cast %get3A_143 : vector<1x16xf32> to vector<16xf32>
        %sub3A_145 = arith.subf %get3A_140, %get3A_144 : vector<16xf32>
        %mul3A_146 = arith.mulf %sub3A_145, %sub3A_145 : vector<16xf32>
        %get3A_147 = arith.index_cast %add3A_137 : i32 to index
        %get3A_148 = arith.constant 16 : index
        %get3A_149 = tpu.vector_load %arg10[%get3A_147, %get3A_148] {strides = array<i32>} : memref<128x64xf32, #tpu.memory_space<vmem>>, vector<1x16xf32>,
        %get3A_150 = vector.shape_cast %get3A_149 : vector<1x16xf32> to vector<16xf32>
        %get3A_151 = arith.index_cast %add3A_137 : i32 to index
        %get3A_152 = arith.constant 16 : index
        %get3A_153 = tpu.vector_load %arg11[%get3A_151, %get3A_152] {strides = array<i32>} : memref<128x64xf32, #tpu.memory_space<vmem>>, vector<1x16xf32>,
        %get3A_154 = vector.shape_cast %get3A_153 : vector<1x16xf32> to vector<16xf32>
        %sub3A_155 = arith.subf %get3A_150, %get3A_154 : vector<16xf32>
        %mul3A_156 = arith.mulf %sub3A_155, %sub3A_155 : vector<16xf32>
        %add3A_157 = arith.addf %mul3A_146, %mul3A_156 : vector<16xf32>
        %get3A_158 = arith.index_cast %add3A_137 : i32 to index
        %get3A_159 = arith.constant 32 : index
        %get3A_160 = tpu.vector_load %arg10[%get3A_158, %get3A_159] {strides = array<i32>} : memref<128x64xf32, #tpu.memory_space<vmem>>, vector<1x16xf32>,
        %get3A_161 = vector.shape_cast %get3A_160 : vector<1x16xf32> to vector<16xf32>
        %get3A_162 = arith.index_cast %add3A_137 : i32 to index
        %get3A_163 = arith.constant 32 : index
        %get3A_164 = tpu.vector_load %arg11[%get3A_162, %get3A_163] {strides = array<i32>} : memref<128x64xf32, #tpu.memory_space<vmem>>, vector<1x16xf32>,
        %get3A_165 = vector.shape_cast %get3A_164 : vector<1x16xf32> to vector<16xf32>
        %sub3A_166 = arith.subf %get3A_161, %get3A_165 : vector<16xf32>
        %mul3A_167 = arith.mulf %sub3A_166, %sub3A_166 : vector<16xf32>
        %add3A_168 = arith.addf %add3A_157, %mul3A_167 : vector<16xf32>
        %get3A_169 = arith.index_cast %add3A_137 : i32 to index
        %get3A_170 = arith.constant 48 : index
        %get3A_171 = tpu.vector_load %arg10[%get3A_169, %get3A_170] {strides = array<i32>} : memref<128x64xf32, #tpu.memory_space<vmem>>, vector<1x16xf32>,
        %get3A_172 = vector.shape_cast %get3A_171 : vector<1x16xf32> to vector<16xf32>
        %get3A_173 = arith.index_cast %add3A_137 : i32 to index
        %get3A_174 = arith.constant 48 : index
        %get3A_175 = tpu.vector_load %arg11[%get3A_173, %get3A_174] {strides = array<i32>} : memref<128x64xf32, #tpu.memory_space<vmem>>, vector<1x16xf32>,
        %get3A_176 = vector.shape_cast %get3A_175 : vector<1x16xf32> to vector<16xf32>
        %sub3A_177 = arith.subf %get3A_172, %get3A_176 : vector<16xf32>
        %mul3A_178 = arith.mulf %sub3A_177, %sub3A_177 : vector<16xf32>
        %add3A_179 = arith.addf %add3A_168, %mul3A_178 : vector<16xf32>
        %mul3A_180 = arith.constant 2 : i32
        %mul3A_181 = arith.muli %mul3A_180, %scan3A_133 : i32
        %add3A_182 = arith.constant 0 : i32
        %add3A_183 = arith.addi %mul3A_181, %add3A_182 : i32
        %swap3A = arith.index_cast %add3A_183 : i32 to index
        %swap3A_184 = arith.constant 0 : index
        %swap3A_185 = tpu.vector_load %arg14[%swap3A, %swap3A_184] {strides = array<i32>} : memref<16x128xf32, #tpu.memory_space<vmem>>, vector<1x16xf32>,
        %swap3A_186 = vector.shape_cast %swap3A_185 : vector<1x16xf32> to vector<16xf32>
        %swap3A_187 = vector.shape_cast %add3A_179 : vector<16xf32> to vector<1x16xf32>
        tpu.vector_store %arg14[%swap3A, %swap3A_184], %swap3A_187 {strides = array<i32>} : memref<16x128xf32, #tpu.memory_space<vmem>>, vector<1x16xf32>,
        %add3A_188 = arith.constant 1 : i32
        %add3A_189 = arith.addi %mul3A_135, %add3A_188 : i32
        %get3A_190 = arith.index_cast %add3A_189 : i32 to index
        %get3A_191 = arith.constant 0 : index
        %get3A_192 = tpu.vector_load %arg10[%get3A_190, %get3A_191] {strides = array<i32>} : memref<128x64xf32, #tpu.memory_space<vmem>>, vector<1x16xf32>,
        %get3A_193 = vector.shape_cast %get3A_192 : vector<1x16xf32> to vector<16xf32>
        %get3A_194 = arith.index_cast %add3A_189 : i32 to index
        %get3A_195 = arith.constant 0 : index
        %get3A_196 = tpu.vector_load %arg11[%get3A_194, %get3A_195] {strides = array<i32>} : memref<128x64xf32, #tpu.memory_space<vmem>>, vector<1x16xf32>,
        %get3A_197 = vector.shape_cast %get3A_196 : vector<1x16xf32> to vector<16xf32>
        %sub3A_198 = arith.subf %get3A_193, %get3A_197 : vector<16xf32>
        %mul3A_199 = arith.mulf %sub3A_198, %sub3A_198 : vector<16xf32>
        %get3A_200 = arith.index_cast %add3A_189 : i32 to index
        %get3A_201 = arith.constant 16 : index
        %get3A_202 = tpu.vector_load %arg10[%get3A_200, %get3A_201] {strides = array<i32>} : memref<128x64xf32, #tpu.memory_space<vmem>>, vector<1x16xf32>,
        %get3A_203 = vector.shape_cast %get3A_202 : vector<1x16xf32> to vector<16xf32>
        %get3A_204 = arith.index_cast %add3A_189 : i32 to index
        %get3A_205 = arith.constant 16 : index
        %get3A_206 = tpu.vector_load %arg11[%get3A_204, %get3A_205] {strides = array<i32>} : memref<128x64xf32, #tpu.memory_space<vmem>>, vector<1x16xf32>,
        %get3A_207 = vector.shape_cast %get3A_206 : vector<1x16xf32> to vector<16xf32>
        %sub3A_208 = arith.subf %get3A_203, %get3A_207 : vector<16xf32>
        %mul3A_209 = arith.mulf %sub3A_208, %sub3A_208 : vector<16xf32>
        %add3A_210 = arith.addf %mul3A_199, %mul3A_209 : vector<16xf32>
        %get3A_211 = arith.index_cast %add3A_189 : i32 to index
        %get3A_212 = arith.constant 32 : index
        %get3A_213 = tpu.vector_load %arg10[%get3A_211, %get3A_212] {strides = array<i32>} : memref<128x64xf32, #tpu.memory_space<vmem>>, vector<1x16xf32>,
        %get3A_214 = vector.shape_cast %get3A_213 : vector<1x16xf32> to vector<16xf32>
        %get3A_215 = arith.index_cast %add3A_189 : i32 to index
        %get3A_216 = arith.constant 32 : index
        %get3A_217 = tpu.vector_load %arg11[%get3A_215, %get3A_216] {strides = array<i32>} : memref<128x64xf32, #tpu.memory_space<vmem>>, vector<1x16xf32>,
        %get3A_218 = vector.shape_cast %get3A_217 : vector<1x16xf32> to vector<16xf32>
        %sub3A_219 = arith.subf %get3A_214, %get3A_218 : vector<16xf32>
        %mul3A_220 = arith.mulf %sub3A_219, %sub3A_219 : vector<16xf32>
        %add3A_221 = arith.addf %add3A_210, %mul3A_220 : vector<16xf32>
        %get3A_222 = arith.index_cast %add3A_189 : i32 to index
        %get3A_223 = arith.constant 48 : index
        %get3A_224 = tpu.vector_load %arg10[%get3A_222, %get3A_223] {strides = array<i32>} : memref<128x64xf32, #tpu.memory_space<vmem>>, vector<1x16xf32>,
        %get3A_225 = vector.shape_cast %get3A_224 : vector<1x16xf32> to vector<16xf32>
        %get3A_226 = arith.index_cast %add3A_189 : i32 to index
        %get3A_227 = arith.constant 48 : index
        %get3A_228 = tpu.vector_load %arg11[%get3A_226, %get3A_227] {strides = array<i32>} : memref<128x64xf32, #tpu.memory_space<vmem>>, vector<1x16xf32>,
        %get3A_229 = vector.shape_cast %get3A_228 : vector<1x16xf32> to vector<16xf32>
        %sub3A_230 = arith.subf %get3A_225, %get3A_229 : vector<16xf32>
        %mul3A_231 = arith.mulf %sub3A_230, %sub3A_230 : vector<16xf32>
        %add3A_232 = arith.addf %add3A_221, %mul3A_231 : vector<16xf32>
        %mul3A_233 = arith.constant 2 : i32
        %mul3A_234 = arith.muli %mul3A_233, %scan3A_133 : i32
        %add3A_235 = arith.constant 0 : i32
        %add3A_236 = arith.addi %mul3A_234, %add3A_235 : i32
        %swap3A_237 = arith.index_cast %add3A_236 : i32 to index
        %swap3A_238 = arith.constant 16 : index
        %swap3A_239 = tpu.vector_load %arg14[%swap3A_237, %swap3A_238] {strides = array<i32>} : memref<16x128xf32, #tpu.memory_space<vmem>>, vector<1x16xf32>,
        %swap3A_240 = vector.shape_cast %swap3A_239 : vector<1x16xf32> to vector<16xf32>
        %swap3A_241 = vector.shape_cast %add3A_232 : vector<16xf32> to vector<1x16xf32>
        tpu.vector_store %arg14[%swap3A_237, %swap3A_238], %swap3A_241 {strides = array<i32>} : memref<16x128xf32, #tpu.memory_space<vmem>>, vector<1x16xf32>,
        %add3A_242 = arith.constant 2 : i32
        %add3A_243 = arith.addi %mul3A_135, %add3A_242 : i32
        %get3A_244 = arith.index_cast %add3A_243 : i32 to index
        %get3A_245 = arith.constant 0 : index
        %get3A_246 = tpu.vector_load %arg10[%get3A_244, %get3A_245] {strides = array<i32>} : memref<128x64xf32, #tpu.memory_space<vmem>>, vector<1x16xf32>,
        %get3A_247 = vector.shape_cast %get3A_246 : vector<1x16xf32> to vector<16xf32>
        %get3A_248 = arith.index_cast %add3A_243 : i32 to index
        %get3A_249 = arith.constant 0 : index
        %get3A_250 = tpu.vector_load %arg11[%get3A_248, %get3A_249] {strides = array<i32>} : memref<128x64xf32, #tpu.memory_space<vmem>>, vector<1x16xf32>,
        %get3A_251 = vector.shape_cast %get3A_250 : vector<1x16xf32> to vector<16xf32>
        %sub3A_252 = arith.subf %get3A_247, %get3A_251 : vector<16xf32>
        %mul3A_253 = arith.mulf %sub3A_252, %sub3A_252 : vector<16xf32>
        %get3A_254 = arith.index_cast %add3A_243 : i32 to index
        %get3A_255 = arith.constant 16 : index
        %get3A_256 = tpu.vector_load %arg10[%get3A_254, %get3A_255] {strides = array<i32>} : memref<128x64xf32, #tpu.memory_space<vmem>>, vector<1x16xf32>,
        %get3A_257 = vector.shape_cast %get3A_256 : vector<1x16xf32> to vector<16xf32>
        %get3A_258 = arith.index_cast %add3A_243 : i32 to index
        %get3A_259 = arith.constant 16 : index
        %get3A_260 = tpu.vector_load %arg11[%get3A_258, %get3A_259] {strides = array<i32>} : memref<128x64xf32, #tpu.memory_space<vmem>>, vector<1x16xf32>,
        %get3A_261 = vector.shape_cast %get3A_260 : vector<1x16xf32> to vector<16xf32>
        %sub3A_262 = arith.subf %get3A_257, %get3A_261 : vector<16xf32>
        %mul3A_263 = arith.mulf %sub3A_262, %sub3A_262 : vector<16xf32>
        %add3A_264 = arith.addf %mul3A_253, %mul3A_263 : vector<16xf32>
        %get3A_265 = arith.index_cast %add3A_243 : i32 to index
        %get3A_266 = arith.constant 32 : index
        %get3A_267 = tpu.vector_load %arg10[%get3A_265, %get3A_266] {strides = array<i32>} : memref<128x64xf32, #tpu.memory_space<vmem>>, vector<1x16xf32>,
        %get3A_268 = vector.shape_cast %get3A_267 : vector<1x16xf32> to vector<16xf32>
        %get3A_269 = arith.index_cast %add3A_243 : i32 to index
        %get3A_270 = arith.constant 32 : index
        %get3A_271 = tpu.vector_load %arg11[%get3A_269, %get3A_270] {strides = array<i32>} : memref<128x64xf32, #tpu.memory_space<vmem>>, vector<1x16xf32>,
        %get3A_272 = vector.shape_cast %get3A_271 : vector<1x16xf32> to vector<16xf32>
        %sub3A_273 = arith.subf %get3A_268, %get3A_272 : vector<16xf32>
        %mul3A_274 = arith.mulf %sub3A_273, %sub3A_273 : vector<16xf32>
        %add3A_275 = arith.addf %add3A_264, %mul3A_274 : vector<16xf32>
        %get3A_276 = arith.index_cast %add3A_243 : i32 to index
        %get3A_277 = arith.constant 48 : index
        %get3A_278 = tpu.vector_load %arg10[%get3A_276, %get3A_277] {strides = array<i32>} : memref<128x64xf32, #tpu.memory_space<vmem>>, vector<1x16xf32>,
        %get3A_279 = vector.shape_cast %get3A_278 : vector<1x16xf32> to vector<16xf32>
        %get3A_280 = arith.index_cast %add3A_243 : i32 to index
        %get3A_281 = arith.constant 48 : index
        %get3A_282 = tpu.vector_load %arg11[%get3A_280, %get3A_281] {strides = array<i32>} : memref<128x64xf32, #tpu.memory_space<vmem>>, vector<1x16xf32>,
        %get3A_283 = vector.shape_cast %get3A_282 : vector<1x16xf32> to vector<16xf32>
        %sub3A_284 = arith.subf %get3A_279, %get3A_283 : vector<16xf32>
        %mul3A_285 = arith.mulf %sub3A_284, %sub3A_284 : vector<16xf32>
        %add3A_286 = arith.addf %add3A_275, %mul3A_285 : vector<16xf32>
        %mul3A_287 = arith.constant 2 : i32
        %mul3A_288 = arith.muli %mul3A_287, %scan3A_133 : i32
        %add3A_289 = arith.constant 0 : i32
        %add3A_290 = arith.addi %mul3A_288, %add3A_289 : i32
        %swap3A_291 = arith.index_cast %add3A_290 : i32 to index
        %swap3A_292 = arith.constant 32 : index
        %swap3A_293 = tpu.vector_load %arg14[%swap3A_291, %swap3A_292] {strides = array<i32>} : memref<16x128xf32, #tpu.memory_space<vmem>>, vector<1x16xf32>,
        %swap3A_294 = vector.shape_cast %swap3A_293 : vector<1x16xf32> to vector<16xf32>
        %swap3A_295 = vector.shape_cast %add3A_286 : vector<16xf32> to vector<1x16xf32>
        tpu.vector_store %arg14[%swap3A_291, %swap3A_292], %swap3A_295 {strides = array<i32>} : memref<16x128xf32, #tpu.memory_space<vmem>>, vector<1x16xf32>,
        %add3A_296 = arith.constant 3 : i32
        %add3A_297 = arith.addi %mul3A_135, %add3A_296 : i32
        %get3A_298 = arith.index_cast %add3A_297 : i32 to index
        %get3A_299 = arith.constant 0 : index
        %get3A_300 = tpu.vector_load %arg10[%get3A_298, %get3A_299] {strides = array<i32>} : memref<128x64xf32, #tpu.memory_space<vmem>>, vector<1x16xf32>,
        %get3A_301 = vector.shape_cast %get3A_300 : vector<1x16xf32> to vector<16xf32>
        %get3A_302 = arith.index_cast %add3A_297 : i32 to index
        %get3A_303 = arith.constant 0 : index
        %get3A_304 = tpu.vector_load %arg11[%get3A_302, %get3A_303] {strides = array<i32>} : memref<128x64xf32, #tpu.memory_space<vmem>>, vector<1x16xf32>,
        %get3A_305 = vector.shape_cast %get3A_304 : vector<1x16xf32> to vector<16xf32>
        %sub3A_306 = arith.subf %get3A_301, %get3A_305 : vector<16xf32>
        %mul3A_307 = arith.mulf %sub3A_306, %sub3A_306 : vector<16xf32>
        %get3A_308 = arith.index_cast %add3A_297 : i32 to index
        %get3A_309 = arith.constant 16 : index
        %get3A_310 = tpu.vector_load %arg10[%get3A_308, %get3A_309] {strides = array<i32>} : memref<128x64xf32, #tpu.memory_space<vmem>>, vector<1x16xf32>,
        %get3A_311 = vector.shape_cast %get3A_310 : vector<1x16xf32> to vector<16xf32>
        %get3A_312 = arith.index_cast %add3A_297 : i32 to index
        %get3A_313 = arith.constant 16 : index
        %get3A_314 = tpu.vector_load %arg11[%get3A_312, %get3A_313] {strides = array<i32>} : memref<128x64xf32, #tpu.memory_space<vmem>>, vector<1x16xf32>,
        %get3A_315 = vector.shape_cast %get3A_314 : vector<1x16xf32> to vector<16xf32>
        %sub3A_316 = arith.subf %get3A_311, %get3A_315 : vector<16xf32>
        %mul3A_317 = arith.mulf %sub3A_316, %sub3A_316 : vector<16xf32>
        %add3A_318 = arith.addf %mul3A_307, %mul3A_317 : vector<16xf32>
        %get3A_319 = arith.index_cast %add3A_297 : i32 to index
        %get3A_320 = arith.constant 32 : index
        %get3A_321 = tpu.vector_load %arg10[%get3A_319, %get3A_320] {strides = array<i32>} : memref<128x64xf32, #tpu.memory_space<vmem>>, vector<1x16xf32>,
        %get3A_322 = vector.shape_cast %get3A_321 : vector<1x16xf32> to vector<16xf32>
        %get3A_323 = arith.index_cast %add3A_297 : i32 to index
        %get3A_324 = arith.constant 32 : index
        %get3A_325 = tpu.vector_load %arg11[%get3A_323, %get3A_324] {strides = array<i32>} : memref<128x64xf32, #tpu.memory_space<vmem>>, vector<1x16xf32>,
        %get3A_326 = vector.shape_cast %get3A_325 : vector<1x16xf32> to vector<16xf32>
        %sub3A_327 = arith.subf %get3A_322, %get3A_326 : vector<16xf32>
        %mul3A_328 = arith.mulf %sub3A_327, %sub3A_327 : vector<16xf32>
        %add3A_329 = arith.addf %add3A_318, %mul3A_328 : vector<16xf32>
        %get3A_330 = arith.index_cast %add3A_297 : i32 to index
        %get3A_331 = arith.constant 48 : index
        %get3A_332 = tpu.vector_load %arg10[%get3A_330, %get3A_331] {strides = array<i32>} : memref<128x64xf32, #tpu.memory_space<vmem>>, vector<1x16xf32>,
        %get3A_333 = vector.shape_cast %get3A_332 : vector<1x16xf32> to vector<16xf32>
        %get3A_334 = arith.index_cast %add3A_297 : i32 to index
        %get3A_335 = arith.constant 48 : index
        %get3A_336 = tpu.vector_load %arg11[%get3A_334, %get3A_335] {strides = array<i32>} : memref<128x64xf32, #tpu.memory_space<vmem>>, vector<1x16xf32>,
        %get3A_337 = vector.shape_cast %get3A_336 : vector<1x16xf32> to vector<16xf32>
        %sub3A_338 = arith.subf %get3A_333, %get3A_337 : vector<16xf32>
        %mul3A_339 = arith.mulf %sub3A_338, %sub3A_338 : vector<16xf32>
        %add3A_340 = arith.addf %add3A_329, %mul3A_339 : vector<16xf32>
        %mul3A_341 = arith.constant 2 : i32
        %mul3A_342 = arith.muli %mul3A_341, %scan3A_133 : i32
        %add3A_343 = arith.constant 0 : i32
        %add3A_344 = arith.addi %mul3A_342, %add3A_343 : i32
        %swap3A_345 = arith.index_cast %add3A_344 : i32 to index
        %swap3A_346 = arith.constant 48 : index
        %swap3A_347 = tpu.vector_load %arg14[%swap3A_345, %swap3A_346] {strides = array<i32>} : memref<16x128xf32, #tpu.memory_space<vmem>>, vector<1x16xf32>,
        %swap3A_348 = vector.shape_cast %swap3A_347 : vector<1x16xf32> to vector<16xf32>
        %swap3A_349 = vector.shape_cast %add3A_340 : vector<16xf32> to vector<1x16xf32>
        tpu.vector_store %arg14[%swap3A_345, %swap3A_346], %swap3A_349 {strides = array<i32>} : memref<16x128xf32, #tpu.memory_space<vmem>>, vector<1x16xf32>,
        %add3A_350 = arith.constant 4 : i32
        %add3A_351 = arith.addi %mul3A_135, %add3A_350 : i32
        %get3A_352 = arith.index_cast %add3A_351 : i32 to index
        %get3A_353 = arith.constant 0 : index
        %get3A_354 = tpu.vector_load %arg10[%get3A_352, %get3A_353] {strides = array<i32>} : memref<128x64xf32, #tpu.memory_space<vmem>>, vector<1x16xf32>,
        %get3A_355 = vector.shape_cast %get3A_354 : vector<1x16xf32> to vector<16xf32>
        %get3A_356 = arith.index_cast %add3A_351 : i32 to index
        %get3A_357 = arith.constant 0 : index
        %get3A_358 = tpu.vector_load %arg11[%get3A_356, %get3A_357] {strides = array<i32>} : memref<128x64xf32, #tpu.memory_space<vmem>>, vector<1x16xf32>,
        %get3A_359 = vector.shape_cast %get3A_358 : vector<1x16xf32> to vector<16xf32>
        %sub3A_360 = arith.subf %get3A_355, %get3A_359 : vector<16xf32>
        %mul3A_361 = arith.mulf %sub3A_360, %sub3A_360 : vector<16xf32>
        %get3A_362 = arith.index_cast %add3A_351 : i32 to index
        %get3A_363 = arith.constant 16 : index
        %get3A_364 = tpu.vector_load %arg10[%get3A_362, %get3A_363] {strides = array<i32>} : memref<128x64xf32, #tpu.memory_space<vmem>>, vector<1x16xf32>,
        %get3A_365 = vector.shape_cast %get3A_364 : vector<1x16xf32> to vector<16xf32>
        %get3A_366 = arith.index_cast %add3A_351 : i32 to index
        %get3A_367 = arith.constant 16 : index
        %get3A_368 = tpu.vector_load %arg11[%get3A_366, %get3A_367] {strides = array<i32>} : memref<128x64xf32, #tpu.memory_space<vmem>>, vector<1x16xf32>,
        %get3A_369 = vector.shape_cast %get3A_368 : vector<1x16xf32> to vector<16xf32>
        %sub3A_370 = arith.subf %get3A_365, %get3A_369 : vector<16xf32>
        %mul3A_371 = arith.mulf %sub3A_370, %sub3A_370 : vector<16xf32>
        %add3A_372 = arith.addf %mul3A_361, %mul3A_371 : vector<16xf32>
        %get3A_373 = arith.index_cast %add3A_351 : i32 to index
        %get3A_374 = arith.constant 32 : index
        %get3A_375 = tpu.vector_load %arg10[%get3A_373, %get3A_374] {strides = array<i32>} : memref<128x64xf32, #tpu.memory_space<vmem>>, vector<1x16xf32>,
        %get3A_376 = vector.shape_cast %get3A_375 : vector<1x16xf32> to vector<16xf32>
        %get3A_377 = arith.index_cast %add3A_351 : i32 to index
        %get3A_378 = arith.constant 32 : index
        %get3A_379 = tpu.vector_load %arg11[%get3A_377, %get3A_378] {strides = array<i32>} : memref<128x64xf32, #tpu.memory_space<vmem>>, vector<1x16xf32>,
        %get3A_380 = vector.shape_cast %get3A_379 : vector<1x16xf32> to vector<16xf32>
        %sub3A_381 = arith.subf %get3A_376, %get3A_380 : vector<16xf32>
        %mul3A_382 = arith.mulf %sub3A_381, %sub3A_381 : vector<16xf32>
        %add3A_383 = arith.addf %add3A_372, %mul3A_382 : vector<16xf32>
        %get3A_384 = arith.index_cast %add3A_351 : i32 to index
        %get3A_385 = arith.constant 48 : index
        %get3A_386 = tpu.vector_load %arg10[%get3A_384, %get3A_385] {strides = array<i32>} : memref<128x64xf32, #tpu.memory_space<vmem>>, vector<1x16xf32>,
        %get3A_387 = vector.shape_cast %get3A_386 : vector<1x16xf32> to vector<16xf32>
        %get3A_388 = arith.index_cast %add3A_351 : i32 to index
        %get3A_389 = arith.constant 48 : index
        %get3A_390 = tpu.vector_load %arg11[%get3A_388, %get3A_389] {strides = array<i32>} : memref<128x64xf32, #tpu.memory_space<vmem>>, vector<1x16xf32>,
        %get3A_391 = vector.shape_cast %get3A_390 : vector<1x16xf32> to vector<16xf32>
        %sub3A_392 = arith.subf %get3A_387, %get3A_391 : vector<16xf32>
        %mul3A_393 = arith.mulf %sub3A_392, %sub3A_392 : vector<16xf32>
        %add3A_394 = arith.addf %add3A_383, %mul3A_393 : vector<16xf32>
        %mul3A_395 = arith.constant 2 : i32
        %mul3A_396 = arith.muli %mul3A_395, %scan3A_133 : i32
        %add3A_397 = arith.constant 0 : i32
        %add3A_398 = arith.addi %mul3A_396, %add3A_397 : i32
        %swap3A_399 = arith.index_cast %add3A_398 : i32 to index
        %swap3A_400 = arith.constant 64 : index
        %swap3A_401 = tpu.vector_load %arg14[%swap3A_399, %swap3A_400] {strides = array<i32>} : memref<16x128xf32, #tpu.memory_space<vmem>>, vector<1x16xf32>,
        %swap3A_402 = vector.shape_cast %swap3A_401 : vector<1x16xf32> to vector<16xf32>
        %swap3A_403 = vector.shape_cast %add3A_394 : vector<16xf32> to vector<1x16xf32>
        tpu.vector_store %arg14[%swap3A_399, %swap3A_400], %swap3A_403 {strides = array<i32>} : memref<16x128xf32, #tpu.memory_space<vmem>>, vector<1x16xf32>,
        %add3A_404 = arith.constant 5 : i32
        %add3A_405 = arith.addi %mul3A_135, %add3A_404 : i32
        %get3A_406 = arith.index_cast %add3A_405 : i32 to index
        %get3A_407 = arith.constant 0 : index
        %get3A_408 = tpu.vector_load %arg10[%get3A_406, %get3A_407] {strides = array<i32>} : memref<128x64xf32, #tpu.memory_space<vmem>>, vector<1x16xf32>,
        %get3A_409 = vector.shape_cast %get3A_408 : vector<1x16xf32> to vector<16xf32>
        %get3A_410 = arith.index_cast %add3A_405 : i32 to index
        %get3A_411 = arith.constant 0 : index
        %get3A_412 = tpu.vector_load %arg11[%get3A_410, %get3A_411] {strides = array<i32>} : memref<128x64xf32, #tpu.memory_space<vmem>>, vector<1x16xf32>,
        %get3A_413 = vector.shape_cast %get3A_412 : vector<1x16xf32> to vector<16xf32>
        %sub3A_414 = arith.subf %get3A_409, %get3A_413 : vector<16xf32>
        %mul3A_415 = arith.mulf %sub3A_414, %sub3A_414 : vector<16xf32>
        %get3A_416 = arith.index_cast %add3A_405 : i32 to index
        %get3A_417 = arith.constant 16 : index
        %get3A_418 = tpu.vector_load %arg10[%get3A_416, %get3A_417] {strides = array<i32>} : memref<128x64xf32, #tpu.memory_space<vmem>>, vector<1x16xf32>,
        %get3A_419 = vector.shape_cast %get3A_418 : vector<1x16xf32> to vector<16xf32>
        %get3A_420 = arith.index_cast %add3A_405 : i32 to index
        %get3A_421 = arith.constant 16 : index
        %get3A_422 = tpu.vector_load %arg11[%get3A_420, %get3A_421] {strides = array<i32>} : memref<128x64xf32, #tpu.memory_space<vmem>>, vector<1x16xf32>,
        %get3A_423 = vector.shape_cast %get3A_422 : vector<1x16xf32> to vector<16xf32>
        %sub3A_424 = arith.subf %get3A_419, %get3A_423 : vector<16xf32>
        %mul3A_425 = arith.mulf %sub3A_424, %sub3A_424 : vector<16xf32>
        %add3A_426 = arith.addf %mul3A_415, %mul3A_425 : vector<16xf32>
        %get3A_427 = arith.index_cast %add3A_405 : i32 to index
        %get3A_428 = arith.constant 32 : index
        %get3A_429 = tpu.vector_load %arg10[%get3A_427, %get3A_428] {strides = array<i32>} : memref<128x64xf32, #tpu.memory_space<vmem>>, vector<1x16xf32>,
        %get3A_430 = vector.shape_cast %get3A_429 : vector<1x16xf32> to vector<16xf32>
        %get3A_431 = arith.index_cast %add3A_405 : i32 to index
        %get3A_432 = arith.constant 32 : index
        %get3A_433 = tpu.vector_load %arg11[%get3A_431, %get3A_432] {strides = array<i32>} : memref<128x64xf32, #tpu.memory_space<vmem>>, vector<1x16xf32>,
        %get3A_434 = vector.shape_cast %get3A_433 : vector<1x16xf32> to vector<16xf32>
        %sub3A_435 = arith.subf %get3A_430, %get3A_434 : vector<16xf32>
        %mul3A_436 = arith.mulf %sub3A_435, %sub3A_435 : vector<16xf32>
        %add3A_437 = arith.addf %add3A_426, %mul3A_436 : vector<16xf32>
        %get3A_438 = arith.index_cast %add3A_405 : i32 to index
        %get3A_439 = arith.constant 48 : index
        %get3A_440 = tpu.vector_load %arg10[%get3A_438, %get3A_439] {strides = array<i32>} : memref<128x64xf32, #tpu.memory_space<vmem>>, vector<1x16xf32>,
        %get3A_441 = vector.shape_cast %get3A_440 : vector<1x16xf32> to vector<16xf32>
        %get3A_442 = arith.index_cast %add3A_405 : i32 to index
        %get3A_443 = arith.constant 48 : index
        %get3A_444 = tpu.vector_load %arg11[%get3A_442, %get3A_443] {strides = array<i32>} : memref<128x64xf32, #tpu.memory_space<vmem>>, vector<1x16xf32>,
        %get3A_445 = vector.shape_cast %get3A_444 : vector<1x16xf32> to vector<16xf32>
        %sub3A_446 = arith.subf %get3A_441, %get3A_445 : vector<16xf32>
        %mul3A_447 = arith.mulf %sub3A_446, %sub3A_446 : vector<16xf32>
        %add3A_448 = arith.addf %add3A_437, %mul3A_447 : vector<16xf32>
        %mul3A_449 = arith.constant 2 : i32
        %mul3A_450 = arith.muli %mul3A_449, %scan3A_133 : i32
        %add3A_451 = arith.constant 0 : i32
        %add3A_452 = arith.addi %mul3A_450, %add3A_451 : i32
        %swap3A_453 = arith.index_cast %add3A_452 : i32 to index
        %swap3A_454 = arith.constant 80 : index
        %swap3A_455 = tpu.vector_load %arg14[%swap3A_453, %swap3A_454] {strides = array<i32>} : memref<16x128xf32, #tpu.memory_space<vmem>>, vector<1x16xf32>,
        %swap3A_456 = vector.shape_cast %swap3A_455 : vector<1x16xf32> to vector<16xf32>
        %swap3A_457 = vector.shape_cast %add3A_448 : vector<16xf32> to vector<1x16xf32>
        tpu.vector_store %arg14[%swap3A_453, %swap3A_454], %swap3A_457 {strides = array<i32>} : memref<16x128xf32, #tpu.memory_space<vmem>>, vector<1x16xf32>,
        %add3A_458 = arith.constant 6 : i32
        %add3A_459 = arith.addi %mul3A_135, %add3A_458 : i32
        %get3A_460 = arith.index_cast %add3A_459 : i32 to index
        %get3A_461 = arith.constant 0 : index
        %get3A_462 = tpu.vector_load %arg10[%get3A_460, %get3A_461] {strides = array<i32>} : memref<128x64xf32, #tpu.memory_space<vmem>>, vector<1x16xf32>,
        %get3A_463 = vector.shape_cast %get3A_462 : vector<1x16xf32> to vector<16xf32>
        %get3A_464 = arith.index_cast %add3A_459 : i32 to index
        %get3A_465 = arith.constant 0 : index
        %get3A_466 = tpu.vector_load %arg11[%get3A_464, %get3A_465] {strides = array<i32>} : memref<128x64xf32, #tpu.memory_space<vmem>>, vector<1x16xf32>,
        %get3A_467 = vector.shape_cast %get3A_466 : vector<1x16xf32> to vector<16xf32>
        %sub3A_468 = arith.subf %get3A_463, %get3A_467 : vector<16xf32>
        %mul3A_469 = arith.mulf %sub3A_468, %sub3A_468 : vector<16xf32>
        %get3A_470 = arith.index_cast %add3A_459 : i32 to index
        %get3A_471 = arith.constant 16 : index
        %get3A_472 = tpu.vector_load %arg10[%get3A_470, %get3A_471] {strides = array<i32>} : memref<128x64xf32, #tpu.memory_space<vmem>>, vector<1x16xf32>,
        %get3A_473 = vector.shape_cast %get3A_472 : vector<1x16xf32> to vector<16xf32>
        %get3A_474 = arith.index_cast %add3A_459 : i32 to index
        %get3A_475 = arith.constant 16 : index
        %get3A_476 = tpu.vector_load %arg11[%get3A_474, %get3A_475] {strides = array<i32>} : memref<128x64xf32, #tpu.memory_space<vmem>>, vector<1x16xf32>,
        %get3A_477 = vector.shape_cast %get3A_476 : vector<1x16xf32> to vector<16xf32>
        %sub3A_478 = arith.subf %get3A_473, %get3A_477 : vector<16xf32>
        %mul3A_479 = arith.mulf %sub3A_478, %sub3A_478 : vector<16xf32>
        %add3A_480 = arith.addf %mul3A_469, %mul3A_479 : vector<16xf32>
        %get3A_481 = arith.index_cast %add3A_459 : i32 to index
        %get3A_482 = arith.constant 32 : index
        %get3A_483 = tpu.vector_load %arg10[%get3A_481, %get3A_482] {strides = array<i32>} : memref<128x64xf32, #tpu.memory_space<vmem>>, vector<1x16xf32>,
        %get3A_484 = vector.shape_cast %get3A_483 : vector<1x16xf32> to vector<16xf32>
        %get3A_485 = arith.index_cast %add3A_459 : i32 to index
        %get3A_486 = arith.constant 32 : index
        %get3A_487 = tpu.vector_load %arg11[%get3A_485, %get3A_486] {strides = array<i32>} : memref<128x64xf32, #tpu.memory_space<vmem>>, vector<1x16xf32>,
        %get3A_488 = vector.shape_cast %get3A_487 : vector<1x16xf32> to vector<16xf32>
        %sub3A_489 = arith.subf %get3A_484, %get3A_488 : vector<16xf32>
        %mul3A_490 = arith.mulf %sub3A_489, %sub3A_489 : vector<16xf32>
        %add3A_491 = arith.addf %add3A_480, %mul3A_490 : vector<16xf32>
        %get3A_492 = arith.index_cast %add3A_459 : i32 to index
        %get3A_493 = arith.constant 48 : index
        %get3A_494 = tpu.vector_load %arg10[%get3A_492, %get3A_493] {strides = array<i32>} : memref<128x64xf32, #tpu.memory_space<vmem>>, vector<1x16xf32>,
        %get3A_495 = vector.shape_cast %get3A_494 : vector<1x16xf32> to vector<16xf32>
        %get3A_496 = arith.index_cast %add3A_459 : i32 to index
        %get3A_497 = arith.constant 48 : index
        %get3A_498 = tpu.vector_load %arg11[%get3A_496, %get3A_497] {strides = array<i32>} : memref<128x64xf32, #tpu.memory_space<vmem>>, vector<1x16xf32>,
        %get3A_499 = vector.shape_cast %get3A_498 : vector<1x16xf32> to vector<16xf32>
        %sub3A_500 = arith.subf %get3A_495, %get3A_499 : vector<16xf32>
        %mul3A_501 = arith.mulf %sub3A_500, %sub3A_500 : vector<16xf32>
        %add3A_502 = arith.addf %add3A_491, %mul3A_501 : vector<16xf32>
        %mul3A_503 = arith.constant 2 : i32
        %mul3A_504 = arith.muli %mul3A_503, %scan3A_133 : i32
        %add3A_505 = arith.constant 0 : i32
        %add3A_506 = arith.addi %mul3A_504, %add3A_505 : i32
        %swap3A_507 = arith.index_cast %add3A_506 : i32 to index
        %swap3A_508 = arith.constant 96 : index
        %swap3A_509 = tpu.vector_load %arg14[%swap3A_507, %swap3A_508] {strides = array<i32>} : memref<16x128xf32, #tpu.memory_space<vmem>>, vector<1x16xf32>,
        %swap3A_510 = vector.shape_cast %swap3A_509 : vector<1x16xf32> to vector<16xf32>
        %swap3A_511 = vector.shape_cast %add3A_502 : vector<16xf32> to vector<1x16xf32>
        tpu.vector_store %arg14[%swap3A_507, %swap3A_508], %swap3A_511 {strides = array<i32>} : memref<16x128xf32, #tpu.memory_space<vmem>>, vector<1x16xf32>,
        %add3A_512 = arith.constant 7 : i32
        %add3A_513 = arith.addi %mul3A_135, %add3A_512 : i32
        %get3A_514 = arith.index_cast %add3A_513 : i32 to index
        %get3A_515 = arith.constant 0 : index
        %get3A_516 = tpu.vector_load %arg10[%get3A_514, %get3A_515] {strides = array<i32>} : memref<128x64xf32, #tpu.memory_space<vmem>>, vector<1x16xf32>,
        %get3A_517 = vector.shape_cast %get3A_516 : vector<1x16xf32> to vector<16xf32>
        %get3A_518 = arith.index_cast %add3A_513 : i32 to index
        %get3A_519 = arith.constant 0 : index
        %get3A_520 = tpu.vector_load %arg11[%get3A_518, %get3A_519] {strides = array<i32>} : memref<128x64xf32, #tpu.memory_space<vmem>>, vector<1x16xf32>,
        %get3A_521 = vector.shape_cast %get3A_520 : vector<1x16xf32> to vector<16xf32>
        %sub3A_522 = arith.subf %get3A_517, %get3A_521 : vector<16xf32>
        %mul3A_523 = arith.mulf %sub3A_522, %sub3A_522 : vector<16xf32>
        %get3A_524 = arith.index_cast %add3A_513 : i32 to index
        %get3A_525 = arith.constant 16 : index
        %get3A_526 = tpu.vector_load %arg10[%get3A_524, %get3A_525] {strides = array<i32>} : memref<128x64xf32, #tpu.memory_space<vmem>>, vector<1x16xf32>,
        %get3A_527 = vector.shape_cast %get3A_526 : vector<1x16xf32> to vector<16xf32>
        %get3A_528 = arith.index_cast %add3A_513 : i32 to index
        %get3A_529 = arith.constant 16 : index
        %get3A_530 = tpu.vector_load %arg11[%get3A_528, %get3A_529] {strides = array<i32>} : memref<128x64xf32, #tpu.memory_space<vmem>>, vector<1x16xf32>,
        %get3A_531 = vector.shape_cast %get3A_530 : vector<1x16xf32> to vector<16xf32>
        %sub3A_532 = arith.subf %get3A_527, %get3A_531 : vector<16xf32>
        %mul3A_533 = arith.mulf %sub3A_532, %sub3A_532 : vector<16xf32>
        %add3A_534 = arith.addf %mul3A_523, %mul3A_533 : vector<16xf32>
        %get3A_535 = arith.index_cast %add3A_513 : i32 to index
        %get3A_536 = arith.constant 32 : index
        %get3A_537 = tpu.vector_load %arg10[%get3A_535, %get3A_536] {strides = array<i32>} : memref<128x64xf32, #tpu.memory_space<vmem>>, vector<1x16xf32>,
        %get3A_538 = vector.shape_cast %get3A_537 : vector<1x16xf32> to vector<16xf32>
        %get3A_539 = arith.index_cast %add3A_513 : i32 to index
        %get3A_540 = arith.constant 32 : index
        %get3A_541 = tpu.vector_load %arg11[%get3A_539, %get3A_540] {strides = array<i32>} : memref<128x64xf32, #tpu.memory_space<vmem>>, vector<1x16xf32>,
        %get3A_542 = vector.shape_cast %get3A_541 : vector<1x16xf32> to vector<16xf32>
        %sub3A_543 = arith.subf %get3A_538, %get3A_542 : vector<16xf32>
        %mul3A_544 = arith.mulf %sub3A_543, %sub3A_543 : vector<16xf32>
        %add3A_545 = arith.addf %add3A_534, %mul3A_544 : vector<16xf32>
        %get3A_546 = arith.index_cast %add3A_513 : i32 to index
        %get3A_547 = arith.constant 48 : index
        %get3A_548 = tpu.vector_load %arg10[%get3A_546, %get3A_547] {strides = array<i32>} : memref<128x64xf32, #tpu.memory_space<vmem>>, vector<1x16xf32>,
        %get3A_549 = vector.shape_cast %get3A_548 : vector<1x16xf32> to vector<16xf32>
        %get3A_550 = arith.index_cast %add3A_513 : i32 to index
        %get3A_551 = arith.constant 48 : index
        %get3A_552 = tpu.vector_load %arg11[%get3A_550, %get3A_551] {strides = array<i32>} : memref<128x64xf32, #tpu.memory_space<vmem>>, vector<1x16xf32>,
        %get3A_553 = vector.shape_cast %get3A_552 : vector<1x16xf32> to vector<16xf32>
        %sub3A_554 = arith.subf %get3A_549, %get3A_553 : vector<16xf32>
        %mul3A_555 = arith.mulf %sub3A_554, %sub3A_554 : vector<16xf32>
        %add3A_556 = arith.addf %add3A_545, %mul3A_555 : vector<16xf32>
        %mul3A_557 = arith.constant 2 : i32
        %mul3A_558 = arith.muli %mul3A_557, %scan3A_133 : i32
        %add3A_559 = arith.constant 0 : i32
        %add3A_560 = arith.addi %mul3A_558, %add3A_559 : i32
        %swap3A_561 = arith.index_cast %add3A_560 : i32 to index
        %swap3A_562 = arith.constant 112 : index
        %swap3A_563 = tpu.vector_load %arg14[%swap3A_561, %swap3A_562] {strides = array<i32>} : memref<16x128xf32, #tpu.memory_space<vmem>>, vector<1x16xf32>,
        %swap3A_564 = vector.shape_cast %swap3A_563 : vector<1x16xf32> to vector<16xf32>
        %swap3A_565 = vector.shape_cast %add3A_556 : vector<16xf32> to vector<1x16xf32>
        tpu.vector_store %arg14[%swap3A_561, %swap3A_562], %swap3A_565 {strides = array<i32>} : memref<16x128xf32, #tpu.memory_space<vmem>>, vector<1x16xf32>,
        %add3A_566 = arith.constant 8 : i32
        %add3A_567 = arith.addi %mul3A_135, %add3A_566 : i32
        %get3A_568 = arith.index_cast %add3A_567 : i32 to index
        %get3A_569 = arith.constant 0 : index
        %get3A_570 = tpu.vector_load %arg10[%get3A_568, %get3A_569] {strides = array<i32>} : memref<128x64xf32, #tpu.memory_space<vmem>>, vector<1x16xf32>,
        %get3A_571 = vector.shape_cast %get3A_570 : vector<1x16xf32> to vector<16xf32>
        %get3A_572 = arith.index_cast %add3A_567 : i32 to index
        %get3A_573 = arith.constant 0 : index
        %get3A_574 = tpu.vector_load %arg11[%get3A_572, %get3A_573] {strides = array<i32>} : memref<128x64xf32, #tpu.memory_space<vmem>>, vector<1x16xf32>,
        %get3A_575 = vector.shape_cast %get3A_574 : vector<1x16xf32> to vector<16xf32>
        %sub3A_576 = arith.subf %get3A_571, %get3A_575 : vector<16xf32>
        %mul3A_577 = arith.mulf %sub3A_576, %sub3A_576 : vector<16xf32>
        %get3A_578 = arith.index_cast %add3A_567 : i32 to index
        %get3A_579 = arith.constant 16 : index
        %get3A_580 = tpu.vector_load %arg10[%get3A_578, %get3A_579] {strides = array<i32>} : memref<128x64xf32, #tpu.memory_space<vmem>>, vector<1x16xf32>,
        %get3A_581 = vector.shape_cast %get3A_580 : vector<1x16xf32> to vector<16xf32>
        %get3A_582 = arith.index_cast %add3A_567 : i32 to index
        %get3A_583 = arith.constant 16 : index
        %get3A_584 = tpu.vector_load %arg11[%get3A_582, %get3A_583] {strides = array<i32>} : memref<128x64xf32, #tpu.memory_space<vmem>>, vector<1x16xf32>,
        %get3A_585 = vector.shape_cast %get3A_584 : vector<1x16xf32> to vector<16xf32>
        %sub3A_586 = arith.subf %get3A_581, %get3A_585 : vector<16xf32>
        %mul3A_587 = arith.mulf %sub3A_586, %sub3A_586 : vector<16xf32>
        %add3A_588 = arith.addf %mul3A_577, %mul3A_587 : vector<16xf32>
        %get3A_589 = arith.index_cast %add3A_567 : i32 to index
        %get3A_590 = arith.constant 32 : index
        %get3A_591 = tpu.vector_load %arg10[%get3A_589, %get3A_590] {strides = array<i32>} : memref<128x64xf32, #tpu.memory_space<vmem>>, vector<1x16xf32>,
        %get3A_592 = vector.shape_cast %get3A_591 : vector<1x16xf32> to vector<16xf32>
        %get3A_593 = arith.index_cast %add3A_567 : i32 to index
        %get3A_594 = arith.constant 32 : index
        %get3A_595 = tpu.vector_load %arg11[%get3A_593, %get3A_594] {strides = array<i32>} : memref<128x64xf32, #tpu.memory_space<vmem>>, vector<1x16xf32>,
        %get3A_596 = vector.shape_cast %get3A_595 : vector<1x16xf32> to vector<16xf32>
        %sub3A_597 = arith.subf %get3A_592, %get3A_596 : vector<16xf32>
        %mul3A_598 = arith.mulf %sub3A_597, %sub3A_597 : vector<16xf32>
        %add3A_599 = arith.addf %add3A_588, %mul3A_598 : vector<16xf32>
        %get3A_600 = arith.index_cast %add3A_567 : i32 to index
        %get3A_601 = arith.constant 48 : index
        %get3A_602 = tpu.vector_load %arg10[%get3A_600, %get3A_601] {strides = array<i32>} : memref<128x64xf32, #tpu.memory_space<vmem>>, vector<1x16xf32>,
        %get3A_603 = vector.shape_cast %get3A_602 : vector<1x16xf32> to vector<16xf32>
        %get3A_604 = arith.index_cast %add3A_567 : i32 to index
        %get3A_605 = arith.constant 48 : index
        %get3A_606 = tpu.vector_load %arg11[%get3A_604, %get3A_605] {strides = array<i32>} : memref<128x64xf32, #tpu.memory_space<vmem>>, vector<1x16xf32>,
        %get3A_607 = vector.shape_cast %get3A_606 : vector<1x16xf32> to vector<16xf32>
        %sub3A_608 = arith.subf %get3A_603, %get3A_607 : vector<16xf32>
        %mul3A_609 = arith.mulf %sub3A_608, %sub3A_608 : vector<16xf32>
        %add3A_610 = arith.addf %add3A_599, %mul3A_609 : vector<16xf32>
        %mul3A_611 = arith.constant 2 : i32
        %mul3A_612 = arith.muli %mul3A_611, %scan3A_133 : i32
        %add3A_613 = arith.constant 1 : i32
        %add3A_614 = arith.addi %mul3A_612, %add3A_613 : i32
        %swap3A_615 = arith.index_cast %add3A_614 : i32 to index
        %swap3A_616 = arith.constant 0 : index
        %swap3A_617 = tpu.vector_load %arg14[%swap3A_615, %swap3A_616] {strides = array<i32>} : memref<16x128xf32, #tpu.memory_space<vmem>>, vector<1x16xf32>,
        %swap3A_618 = vector.shape_cast %swap3A_617 : vector<1x16xf32> to vector<16xf32>
        %swap3A_619 = vector.shape_cast %add3A_610 : vector<16xf32> to vector<1x16xf32>
        tpu.vector_store %arg14[%swap3A_615, %swap3A_616], %swap3A_619 {strides = array<i32>} : memref<16x128xf32, #tpu.memory_space<vmem>>, vector<1x16xf32>,
        %add3A_620 = arith.constant 9 : i32
        %add3A_621 = arith.addi %mul3A_135, %add3A_620 : i32
        %get3A_622 = arith.index_cast %add3A_621 : i32 to index
        %get3A_623 = arith.constant 0 : index
        %get3A_624 = tpu.vector_load %arg10[%get3A_622, %get3A_623] {strides = array<i32>} : memref<128x64xf32, #tpu.memory_space<vmem>>, vector<1x16xf32>,
        %get3A_625 = vector.shape_cast %get3A_624 : vector<1x16xf32> to vector<16xf32>
        %get3A_626 = arith.index_cast %add3A_621 : i32 to index
        %get3A_627 = arith.constant 0 : index
        %get3A_628 = tpu.vector_load %arg11[%get3A_626, %get3A_627] {strides = array<i32>} : memref<128x64xf32, #tpu.memory_space<vmem>>, vector<1x16xf32>,
        %get3A_629 = vector.shape_cast %get3A_628 : vector<1x16xf32> to vector<16xf32>
        %sub3A_630 = arith.subf %get3A_625, %get3A_629 : vector<16xf32>
        %mul3A_631 = arith.mulf %sub3A_630, %sub3A_630 : vector<16xf32>
        %get3A_632 = arith.index_cast %add3A_621 : i32 to index
        %get3A_633 = arith.constant 16 : index
        %get3A_634 = tpu.vector_load %arg10[%get3A_632, %get3A_633] {strides = array<i32>} : memref<128x64xf32, #tpu.memory_space<vmem>>, vector<1x16xf32>,
        %get3A_635 = vector.shape_cast %get3A_634 : vector<1x16xf32> to vector<16xf32>
        %get3A_636 = arith.index_cast %add3A_621 : i32 to index
        %get3A_637 = arith.constant 16 : index
        %get3A_638 = tpu.vector_load %arg11[%get3A_636, %get3A_637] {strides = array<i32>} : memref<128x64xf32, #tpu.memory_space<vmem>>, vector<1x16xf32>,
        %get3A_639 = vector.shape_cast %get3A_638 : vector<1x16xf32> to vector<16xf32>
        %sub3A_640 = arith.subf %get3A_635, %get3A_639 : vector<16xf32>
        %mul3A_641 = arith.mulf %sub3A_640, %sub3A_640 : vector<16xf32>
        %add3A_642 = arith.addf %mul3A_631, %mul3A_641 : vector<16xf32>
        %get3A_643 = arith.index_cast %add3A_621 : i32 to index
        %get3A_644 = arith.constant 32 : index
        %get3A_645 = tpu.vector_load %arg10[%get3A_643, %get3A_644] {strides = array<i32>} : memref<128x64xf32, #tpu.memory_space<vmem>>, vector<1x16xf32>,
        %get3A_646 = vector.shape_cast %get3A_645 : vector<1x16xf32> to vector<16xf32>
        %get3A_647 = arith.index_cast %add3A_621 : i32 to index
        %get3A_648 = arith.constant 32 : index
        %get3A_649 = tpu.vector_load %arg11[%get3A_647, %get3A_648] {strides = array<i32>} : memref<128x64xf32, #tpu.memory_space<vmem>>, vector<1x16xf32>,
        %get3A_650 = vector.shape_cast %get3A_649 : vector<1x16xf32> to vector<16xf32>
        %sub3A_651 = arith.subf %get3A_646, %get3A_650 : vector<16xf32>
        %mul3A_652 = arith.mulf %sub3A_651, %sub3A_651 : vector<16xf32>
        %add3A_653 = arith.addf %add3A_642, %mul3A_652 : vector<16xf32>
        %get3A_654 = arith.index_cast %add3A_621 : i32 to index
        %get3A_655 = arith.constant 48 : index
        %get3A_656 = tpu.vector_load %arg10[%get3A_654, %get3A_655] {strides = array<i32>} : memref<128x64xf32, #tpu.memory_space<vmem>>, vector<1x16xf32>,
        %get3A_657 = vector.shape_cast %get3A_656 : vector<1x16xf32> to vector<16xf32>
        %get3A_658 = arith.index_cast %add3A_621 : i32 to index
        %get3A_659 = arith.constant 48 : index
        %get3A_660 = tpu.vector_load %arg11[%get3A_658, %get3A_659] {strides = array<i32>} : memref<128x64xf32, #tpu.memory_space<vmem>>, vector<1x16xf32>,
        %get3A_661 = vector.shape_cast %get3A_660 : vector<1x16xf32> to vector<16xf32>
        %sub3A_662 = arith.subf %get3A_657, %get3A_661 : vector<16xf32>
        %mul3A_663 = arith.mulf %sub3A_662, %sub3A_662 : vector<16xf32>
        %add3A_664 = arith.addf %add3A_653, %mul3A_663 : vector<16xf32>
        %mul3A_665 = arith.constant 2 : i32
        %mul3A_666 = arith.muli %mul3A_665, %scan3A_133 : i32
        %add3A_667 = arith.constant 1 : i32
        %add3A_668 = arith.addi %mul3A_666, %add3A_667 : i32
        %swap3A_669 = arith.index_cast %add3A_668 : i32 to index
        %swap3A_670 = arith.constant 16 : index
        %swap3A_671 = tpu.vector_load %arg14[%swap3A_669, %swap3A_670] {strides = array<i32>} : memref<16x128xf32, #tpu.memory_space<vmem>>, vector<1x16xf32>,
        %swap3A_672 = vector.shape_cast %swap3A_671 : vector<1x16xf32> to vector<16xf32>
        %swap3A_673 = vector.shape_cast %add3A_664 : vector<16xf32> to vector<1x16xf32>
        tpu.vector_store %arg14[%swap3A_669, %swap3A_670], %swap3A_673 {strides = array<i32>} : memref<16x128xf32, #tpu.memory_space<vmem>>, vector<1x16xf32>,
        %add3A_674 = arith.constant 10 : i32
        %add3A_675 = arith.addi %mul3A_135, %add3A_674 : i32
        %get3A_676 = arith.index_cast %add3A_675 : i32 to index
        %get3A_677 = arith.constant 0 : index
        %get3A_678 = tpu.vector_load %arg10[%get3A_676, %get3A_677] {strides = array<i32>} : memref<128x64xf32, #tpu.memory_space<vmem>>, vector<1x16xf32>,
        %get3A_679 = vector.shape_cast %get3A_678 : vector<1x16xf32> to vector<16xf32>
        %get3A_680 = arith.index_cast %add3A_675 : i32 to index
        %get3A_681 = arith.constant 0 : index
        %get3A_682 = tpu.vector_load %arg11[%get3A_680, %get3A_681] {strides = array<i32>} : memref<128x64xf32, #tpu.memory_space<vmem>>, vector<1x16xf32>,
        %get3A_683 = vector.shape_cast %get3A_682 : vector<1x16xf32> to vector<16xf32>
        %sub3A_684 = arith.subf %get3A_679, %get3A_683 : vector<16xf32>
        %mul3A_685 = arith.mulf %sub3A_684, %sub3A_684 : vector<16xf32>
        %get3A_686 = arith.index_cast %add3A_675 : i32 to index
        %get3A_687 = arith.constant 16 : index
        %get3A_688 = tpu.vector_load %arg10[%get3A_686, %get3A_687] {strides = array<i32>} : memref<128x64xf32, #tpu.memory_space<vmem>>, vector<1x16xf32>,
        %get3A_689 = vector.shape_cast %get3A_688 : vector<1x16xf32> to vector<16xf32>
        %get3A_690 = arith.index_cast %add3A_675 : i32 to index
        %get3A_691 = arith.constant 16 : index
        %get3A_692 = tpu.vector_load %arg11[%get3A_690, %get3A_691] {strides = array<i32>} : memref<128x64xf32, #tpu.memory_space<vmem>>, vector<1x16xf32>,
        %get3A_693 = vector.shape_cast %get3A_692 : vector<1x16xf32> to vector<16xf32>
        %sub3A_694 = arith.subf %get3A_689, %get3A_693 : vector<16xf32>
        %mul3A_695 = arith.mulf %sub3A_694, %sub3A_694 : vector<16xf32>
        %add3A_696 = arith.addf %mul3A_685, %mul3A_695 : vector<16xf32>
        %get3A_697 = arith.index_cast %add3A_675 : i32 to index
        %get3A_698 = arith.constant 32 : index
        %get3A_699 = tpu.vector_load %arg10[%get3A_697, %get3A_698] {strides = array<i32>} : memref<128x64xf32, #tpu.memory_space<vmem>>, vector<1x16xf32>,
        %get3A_700 = vector.shape_cast %get3A_699 : vector<1x16xf32> to vector<16xf32>
        %get3A_701 = arith.index_cast %add3A_675 : i32 to index
        %get3A_702 = arith.constant 32 : index
        %get3A_703 = tpu.vector_load %arg11[%get3A_701, %get3A_702] {strides = array<i32>} : memref<128x64xf32, #tpu.memory_space<vmem>>, vector<1x16xf32>,
        %get3A_704 = vector.shape_cast %get3A_703 : vector<1x16xf32> to vector<16xf32>
        %sub3A_705 = arith.subf %get3A_700, %get3A_704 : vector<16xf32>
        %mul3A_706 = arith.mulf %sub3A_705, %sub3A_705 : vector<16xf32>
        %add3A_707 = arith.addf %add3A_696, %mul3A_706 : vector<16xf32>
        %get3A_708 = arith.index_cast %add3A_675 : i32 to index
        %get3A_709 = arith.constant 48 : index
        %get3A_710 = tpu.vector_load %arg10[%get3A_708, %get3A_709] {strides = array<i32>} : memref<128x64xf32, #tpu.memory_space<vmem>>, vector<1x16xf32>,
        %get3A_711 = vector.shape_cast %get3A_710 : vector<1x16xf32> to vector<16xf32>
        %get3A_712 = arith.index_cast %add3A_675 : i32 to index
        %get3A_713 = arith.constant 48 : index
        %get3A_714 = tpu.vector_load %arg11[%get3A_712, %get3A_713] {strides = array<i32>} : memref<128x64xf32, #tpu.memory_space<vmem>>, vector<1x16xf32>,
        %get3A_715 = vector.shape_cast %get3A_714 : vector<1x16xf32> to vector<16xf32>
        %sub3A_716 = arith.subf %get3A_711, %get3A_715 : vector<16xf32>
        %mul3A_717 = arith.mulf %sub3A_716, %sub3A_716 : vector<16xf32>
        %add3A_718 = arith.addf %add3A_707, %mul3A_717 : vector<16xf32>
        %mul3A_719 = arith.constant 2 : i32
        %mul3A_720 = arith.muli %mul3A_719, %scan3A_133 : i32
        %add3A_721 = arith.constant 1 : i32
        %add3A_722 = arith.addi %mul3A_720, %add3A_721 : i32
        %swap3A_723 = arith.index_cast %add3A_722 : i32 to index
        %swap3A_724 = arith.constant 32 : index
        %swap3A_725 = tpu.vector_load %arg14[%swap3A_723, %swap3A_724] {strides = array<i32>} : memref<16x128xf32, #tpu.memory_space<vmem>>, vector<1x16xf32>,
        %swap3A_726 = vector.shape_cast %swap3A_725 : vector<1x16xf32> to vector<16xf32>
        %swap3A_727 = vector.shape_cast %add3A_718 : vector<16xf32> to vector<1x16xf32>
        tpu.vector_store %arg14[%swap3A_723, %swap3A_724], %swap3A_727 {strides = array<i32>} : memref<16x128xf32, #tpu.memory_space<vmem>>, vector<1x16xf32>,
        %add3A_728 = arith.constant 11 : i32
        %add3A_729 = arith.addi %mul3A_135, %add3A_728 : i32
        %get3A_730 = arith.index_cast %add3A_729 : i32 to index
        %get3A_731 = arith.constant 0 : index
        %get3A_732 = tpu.vector_load %arg10[%get3A_730, %get3A_731] {strides = array<i32>} : memref<128x64xf32, #tpu.memory_space<vmem>>, vector<1x16xf32>,
        %get3A_733 = vector.shape_cast %get3A_732 : vector<1x16xf32> to vector<16xf32>
        %get3A_734 = arith.index_cast %add3A_729 : i32 to index
        %get3A_735 = arith.constant 0 : index
        %get3A_736 = tpu.vector_load %arg11[%get3A_734, %get3A_735] {strides = array<i32>} : memref<128x64xf32, #tpu.memory_space<vmem>>, vector<1x16xf32>,
        %get3A_737 = vector.shape_cast %get3A_736 : vector<1x16xf32> to vector<16xf32>
        %sub3A_738 = arith.subf %get3A_733, %get3A_737 : vector<16xf32>
        %mul3A_739 = arith.mulf %sub3A_738, %sub3A_738 : vector<16xf32>
        %get3A_740 = arith.index_cast %add3A_729 : i32 to index
        %get3A_741 = arith.constant 16 : index
        %get3A_742 = tpu.vector_load %arg10[%get3A_740, %get3A_741] {strides = array<i32>} : memref<128x64xf32, #tpu.memory_space<vmem>>, vector<1x16xf32>,
        %get3A_743 = vector.shape_cast %get3A_742 : vector<1x16xf32> to vector<16xf32>
        %get3A_744 = arith.index_cast %add3A_729 : i32 to index
        %get3A_745 = arith.constant 16 : index
        %get3A_746 = tpu.vector_load %arg11[%get3A_744, %get3A_745] {strides = array<i32>} : memref<128x64xf32, #tpu.memory_space<vmem>>, vector<1x16xf32>,
        %get3A_747 = vector.shape_cast %get3A_746 : vector<1x16xf32> to vector<16xf32>
        %sub3A_748 = arith.subf %get3A_743, %get3A_747 : vector<16xf32>
        %mul3A_749 = arith.mulf %sub3A_748, %sub3A_748 : vector<16xf32>
        %add3A_750 = arith.addf %mul3A_739, %mul3A_749 : vector<16xf32>
        %get3A_751 = arith.index_cast %add3A_729 : i32 to index
        %get3A_752 = arith.constant 32 : index
        %get3A_753 = tpu.vector_load %arg10[%get3A_751, %get3A_752] {strides = array<i32>} : memref<128x64xf32, #tpu.memory_space<vmem>>, vector<1x16xf32>,
        %get3A_754 = vector.shape_cast %get3A_753 : vector<1x16xf32> to vector<16xf32>
        %get3A_755 = arith.index_cast %add3A_729 : i32 to index
        %get3A_756 = arith.constant 32 : index
        %get3A_757 = tpu.vector_load %arg11[%get3A_755, %get3A_756] {strides = array<i32>} : memref<128x64xf32, #tpu.memory_space<vmem>>, vector<1x16xf32>,
        %get3A_758 = vector.shape_cast %get3A_757 : vector<1x16xf32> to vector<16xf32>
        %sub3A_759 = arith.subf %get3A_754, %get3A_758 : vector<16xf32>
        %mul3A_760 = arith.mulf %sub3A_759, %sub3A_759 : vector<16xf32>
        %add3A_761 = arith.addf %add3A_750, %mul3A_760 : vector<16xf32>
        %get3A_762 = arith.index_cast %add3A_729 : i32 to index
        %get3A_763 = arith.constant 48 : index
        %get3A_764 = tpu.vector_load %arg10[%get3A_762, %get3A_763] {strides = array<i32>} : memref<128x64xf32, #tpu.memory_space<vmem>>, vector<1x16xf32>,
        %get3A_765 = vector.shape_cast %get3A_764 : vector<1x16xf32> to vector<16xf32>
        %get3A_766 = arith.index_cast %add3A_729 : i32 to index
        %get3A_767 = arith.constant 48 : index
        %get3A_768 = tpu.vector_load %arg11[%get3A_766, %get3A_767] {strides = array<i32>} : memref<128x64xf32, #tpu.memory_space<vmem>>, vector<1x16xf32>,
        %get3A_769 = vector.shape_cast %get3A_768 : vector<1x16xf32> to vector<16xf32>
        %sub3A_770 = arith.subf %get3A_765, %get3A_769 : vector<16xf32>
        %mul3A_771 = arith.mulf %sub3A_770, %sub3A_770 : vector<16xf32>
        %add3A_772 = arith.addf %add3A_761, %mul3A_771 : vector<16xf32>
        %mul3A_773 = arith.constant 2 : i32
        %mul3A_774 = arith.muli %mul3A_773, %scan3A_133 : i32
        %add3A_775 = arith.constant 1 : i32
        %add3A_776 = arith.addi %mul3A_774, %add3A_775 : i32
        %swap3A_777 = arith.index_cast %add3A_776 : i32 to index
        %swap3A_778 = arith.constant 48 : index
        %swap3A_779 = tpu.vector_load %arg14[%swap3A_777, %swap3A_778] {strides = array<i32>} : memref<16x128xf32, #tpu.memory_space<vmem>>, vector<1x16xf32>,
        %swap3A_780 = vector.shape_cast %swap3A_779 : vector<1x16xf32> to vector<16xf32>
        %swap3A_781 = vector.shape_cast %add3A_772 : vector<16xf32> to vector<1x16xf32>
        tpu.vector_store %arg14[%swap3A_777, %swap3A_778], %swap3A_781 {strides = array<i32>} : memref<16x128xf32, #tpu.memory_space<vmem>>, vector<1x16xf32>,
        %add3A_782 = arith.constant 12 : i32
        %add3A_783 = arith.addi %mul3A_135, %add3A_782 : i32
        %get3A_784 = arith.index_cast %add3A_783 : i32 to index
        %get3A_785 = arith.constant 0 : index
        %get3A_786 = tpu.vector_load %arg10[%get3A_784, %get3A_785] {strides = array<i32>} : memref<128x64xf32, #tpu.memory_space<vmem>>, vector<1x16xf32>,
        %get3A_787 = vector.shape_cast %get3A_786 : vector<1x16xf32> to vector<16xf32>
        %get3A_788 = arith.index_cast %add3A_783 : i32 to index
        %get3A_789 = arith.constant 0 : index
        %get3A_790 = tpu.vector_load %arg11[%get3A_788, %get3A_789] {strides = array<i32>} : memref<128x64xf32, #tpu.memory_space<vmem>>, vector<1x16xf32>,
        %get3A_791 = vector.shape_cast %get3A_790 : vector<1x16xf32> to vector<16xf32>
        %sub3A_792 = arith.subf %get3A_787, %get3A_791 : vector<16xf32>
        %mul3A_793 = arith.mulf %sub3A_792, %sub3A_792 : vector<16xf32>
        %get3A_794 = arith.index_cast %add3A_783 : i32 to index
        %get3A_795 = arith.constant 16 : index
        %get3A_796 = tpu.vector_load %arg10[%get3A_794, %get3A_795] {strides = array<i32>} : memref<128x64xf32, #tpu.memory_space<vmem>>, vector<1x16xf32>,
        %get3A_797 = vector.shape_cast %get3A_796 : vector<1x16xf32> to vector<16xf32>
        %get3A_798 = arith.index_cast %add3A_783 : i32 to index
        %get3A_799 = arith.constant 16 : index
        %get3A_800 = tpu.vector_load %arg11[%get3A_798, %get3A_799] {strides = array<i32>} : memref<128x64xf32, #tpu.memory_space<vmem>>, vector<1x16xf32>,
        %get3A_801 = vector.shape_cast %get3A_800 : vector<1x16xf32> to vector<16xf32>
        %sub3A_802 = arith.subf %get3A_797, %get3A_801 : vector<16xf32>
        %mul3A_803 = arith.mulf %sub3A_802, %sub3A_802 : vector<16xf32>
        %add3A_804 = arith.addf %mul3A_793, %mul3A_803 : vector<16xf32>
        %get3A_805 = arith.index_cast %add3A_783 : i32 to index
        %get3A_806 = arith.constant 32 : index
        %get3A_807 = tpu.vector_load %arg10[%get3A_805, %get3A_806] {strides = array<i32>} : memref<128x64xf32, #tpu.memory_space<vmem>>, vector<1x16xf32>,
        %get3A_808 = vector.shape_cast %get3A_807 : vector<1x16xf32> to vector<16xf32>
        %get3A_809 = arith.index_cast %add3A_783 : i32 to index
        %get3A_810 = arith.constant 32 : index
        %get3A_811 = tpu.vector_load %arg11[%get3A_809, %get3A_810] {strides = array<i32>} : memref<128x64xf32, #tpu.memory_space<vmem>>, vector<1x16xf32>,
        %get3A_812 = vector.shape_cast %get3A_811 : vector<1x16xf32> to vector<16xf32>
        %sub3A_813 = arith.subf %get3A_808, %get3A_812 : vector<16xf32>
        %mul3A_814 = arith.mulf %sub3A_813, %sub3A_813 : vector<16xf32>
        %add3A_815 = arith.addf %add3A_804, %mul3A_814 : vector<16xf32>
        %get3A_816 = arith.index_cast %add3A_783 : i32 to index
        %get3A_817 = arith.constant 48 : index
        %get3A_818 = tpu.vector_load %arg10[%get3A_816, %get3A_817] {strides = array<i32>} : memref<128x64xf32, #tpu.memory_space<vmem>>, vector<1x16xf32>,
        %get3A_819 = vector.shape_cast %get3A_818 : vector<1x16xf32> to vector<16xf32>
        %get3A_820 = arith.index_cast %add3A_783 : i32 to index
        %get3A_821 = arith.constant 48 : index
        %get3A_822 = tpu.vector_load %arg11[%get3A_820, %get3A_821] {strides = array<i32>} : memref<128x64xf32, #tpu.memory_space<vmem>>, vector<1x16xf32>,
        %get3A_823 = vector.shape_cast %get3A_822 : vector<1x16xf32> to vector<16xf32>
        %sub3A_824 = arith.subf %get3A_819, %get3A_823 : vector<16xf32>
        %mul3A_825 = arith.mulf %sub3A_824, %sub3A_824 : vector<16xf32>
        %add3A_826 = arith.addf %add3A_815, %mul3A_825 : vector<16xf32>
        %mul3A_827 = arith.constant 2 : i32
        %mul3A_828 = arith.muli %mul3A_827, %scan3A_133 : i32
        %add3A_829 = arith.constant 1 : i32
        %add3A_830 = arith.addi %mul3A_828, %add3A_829 : i32
        %swap3A_831 = arith.index_cast %add3A_830 : i32 to index
        %swap3A_832 = arith.constant 64 : index
        %swap3A_833 = tpu.vector_load %arg14[%swap3A_831, %swap3A_832] {strides = array<i32>} : memref<16x128xf32, #tpu.memory_space<vmem>>, vector<1x16xf32>,
        %swap3A_834 = vector.shape_cast %swap3A_833 : vector<1x16xf32> to vector<16xf32>
        %swap3A_835 = vector.shape_cast %add3A_826 : vector<16xf32> to vector<1x16xf32>
        tpu.vector_store %arg14[%swap3A_831, %swap3A_832], %swap3A_835 {strides = array<i32>} : memref<16x128xf32, #tpu.memory_space<vmem>>, vector<1x16xf32>,
        %add3A_836 = arith.constant 13 : i32
        %add3A_837 = arith.addi %mul3A_135, %add3A_836 : i32
        %get3A_838 = arith.index_cast %add3A_837 : i32 to index
        %get3A_839 = arith.constant 0 : index
        %get3A_840 = tpu.vector_load %arg10[%get3A_838, %get3A_839] {strides = array<i32>} : memref<128x64xf32, #tpu.memory_space<vmem>>, vector<1x16xf32>,
        %get3A_841 = vector.shape_cast %get3A_840 : vector<1x16xf32> to vector<16xf32>
        %get3A_842 = arith.index_cast %add3A_837 : i32 to index
        %get3A_843 = arith.constant 0 : index
        %get3A_844 = tpu.vector_load %arg11[%get3A_842, %get3A_843] {strides = array<i32>} : memref<128x64xf32, #tpu.memory_space<vmem>>, vector<1x16xf32>,
        %get3A_845 = vector.shape_cast %get3A_844 : vector<1x16xf32> to vector<16xf32>
        %sub3A_846 = arith.subf %get3A_841, %get3A_845 : vector<16xf32>
        %mul3A_847 = arith.mulf %sub3A_846, %sub3A_846 : vector<16xf32>
        %get3A_848 = arith.index_cast %add3A_837 : i32 to index
        %get3A_849 = arith.constant 16 : index
        %get3A_850 = tpu.vector_load %arg10[%get3A_848, %get3A_849] {strides = array<i32>} : memref<128x64xf32, #tpu.memory_space<vmem>>, vector<1x16xf32>,
        %get3A_851 = vector.shape_cast %get3A_850 : vector<1x16xf32> to vector<16xf32>
        %get3A_852 = arith.index_cast %add3A_837 : i32 to index
        %get3A_853 = arith.constant 16 : index
        %get3A_854 = tpu.vector_load %arg11[%get3A_852, %get3A_853] {strides = array<i32>} : memref<128x64xf32, #tpu.memory_space<vmem>>, vector<1x16xf32>,
        %get3A_855 = vector.shape_cast %get3A_854 : vector<1x16xf32> to vector<16xf32>
        %sub3A_856 = arith.subf %get3A_851, %get3A_855 : vector<16xf32>
        %mul3A_857 = arith.mulf %sub3A_856, %sub3A_856 : vector<16xf32>
        %add3A_858 = arith.addf %mul3A_847, %mul3A_857 : vector<16xf32>
        %get3A_859 = arith.index_cast %add3A_837 : i32 to index
        %get3A_860 = arith.constant 32 : index
        %get3A_861 = tpu.vector_load %arg10[%get3A_859, %get3A_860] {strides = array<i32>} : memref<128x64xf32, #tpu.memory_space<vmem>>, vector<1x16xf32>,
        %get3A_862 = vector.shape_cast %get3A_861 : vector<1x16xf32> to vector<16xf32>
        %get3A_863 = arith.index_cast %add3A_837 : i32 to index
        %get3A_864 = arith.constant 32 : index
        %get3A_865 = tpu.vector_load %arg11[%get3A_863, %get3A_864] {strides = array<i32>} : memref<128x64xf32, #tpu.memory_space<vmem>>, vector<1x16xf32>,
        %get3A_866 = vector.shape_cast %get3A_865 : vector<1x16xf32> to vector<16xf32>
        %sub3A_867 = arith.subf %get3A_862, %get3A_866 : vector<16xf32>
        %mul3A_868 = arith.mulf %sub3A_867, %sub3A_867 : vector<16xf32>
        %add3A_869 = arith.addf %add3A_858, %mul3A_868 : vector<16xf32>
        %get3A_870 = arith.index_cast %add3A_837 : i32 to index
        %get3A_871 = arith.constant 48 : index
        %get3A_872 = tpu.vector_load %arg10[%get3A_870, %get3A_871] {strides = array<i32>} : memref<128x64xf32, #tpu.memory_space<vmem>>, vector<1x16xf32>,
        %get3A_873 = vector.shape_cast %get3A_872 : vector<1x16xf32> to vector<16xf32>
        %get3A_874 = arith.index_cast %add3A_837 : i32 to index
        %get3A_875 = arith.constant 48 : index
        %get3A_876 = tpu.vector_load %arg11[%get3A_874, %get3A_875] {strides = array<i32>} : memref<128x64xf32, #tpu.memory_space<vmem>>, vector<1x16xf32>,
        %get3A_877 = vector.shape_cast %get3A_876 : vector<1x16xf32> to vector<16xf32>
        %sub3A_878 = arith.subf %get3A_873, %get3A_877 : vector<16xf32>
        %mul3A_879 = arith.mulf %sub3A_878, %sub3A_878 : vector<16xf32>
        %add3A_880 = arith.addf %add3A_869, %mul3A_879 : vector<16xf32>
        %mul3A_881 = arith.constant 2 : i32
        %mul3A_882 = arith.muli %mul3A_881, %scan3A_133 : i32
        %add3A_883 = arith.constant 1 : i32
        %add3A_884 = arith.addi %mul3A_882, %add3A_883 : i32
        %swap3A_885 = arith.index_cast %add3A_884 : i32 to index
        %swap3A_886 = arith.constant 80 : index
        %swap3A_887 = tpu.vector_load %arg14[%swap3A_885, %swap3A_886] {strides = array<i32>} : memref<16x128xf32, #tpu.memory_space<vmem>>, vector<1x16xf32>,
        %swap3A_888 = vector.shape_cast %swap3A_887 : vector<1x16xf32> to vector<16xf32>
        %swap3A_889 = vector.shape_cast %add3A_880 : vector<16xf32> to vector<1x16xf32>
        tpu.vector_store %arg14[%swap3A_885, %swap3A_886], %swap3A_889 {strides = array<i32>} : memref<16x128xf32, #tpu.memory_space<vmem>>, vector<1x16xf32>,
        %add3A_890 = arith.constant 14 : i32
        %add3A_891 = arith.addi %mul3A_135, %add3A_890 : i32
        %get3A_892 = arith.index_cast %add3A_891 : i32 to index
        %get3A_893 = arith.constant 0 : index
        %get3A_894 = tpu.vector_load %arg10[%get3A_892, %get3A_893] {strides = array<i32>} : memref<128x64xf32, #tpu.memory_space<vmem>>, vector<1x16xf32>,
        %get3A_895 = vector.shape_cast %get3A_894 : vector<1x16xf32> to vector<16xf32>
        %get3A_896 = arith.index_cast %add3A_891 : i32 to index
        %get3A_897 = arith.constant 0 : index
        %get3A_898 = tpu.vector_load %arg11[%get3A_896, %get3A_897] {strides = array<i32>} : memref<128x64xf32, #tpu.memory_space<vmem>>, vector<1x16xf32>,
        %get3A_899 = vector.shape_cast %get3A_898 : vector<1x16xf32> to vector<16xf32>
        %sub3A_900 = arith.subf %get3A_895, %get3A_899 : vector<16xf32>
        %mul3A_901 = arith.mulf %sub3A_900, %sub3A_900 : vector<16xf32>
        %get3A_902 = arith.index_cast %add3A_891 : i32 to index
        %get3A_903 = arith.constant 16 : index
        %get3A_904 = tpu.vector_load %arg10[%get3A_902, %get3A_903] {strides = array<i32>} : memref<128x64xf32, #tpu.memory_space<vmem>>, vector<1x16xf32>,
        %get3A_905 = vector.shape_cast %get3A_904 : vector<1x16xf32> to vector<16xf32>
        %get3A_906 = arith.index_cast %add3A_891 : i32 to index
        %get3A_907 = arith.constant 16 : index
        %get3A_908 = tpu.vector_load %arg11[%get3A_906, %get3A_907] {strides = array<i32>} : memref<128x64xf32, #tpu.memory_space<vmem>>, vector<1x16xf32>,
        %get3A_909 = vector.shape_cast %get3A_908 : vector<1x16xf32> to vector<16xf32>
        %sub3A_910 = arith.subf %get3A_905, %get3A_909 : vector<16xf32>
        %mul3A_911 = arith.mulf %sub3A_910, %sub3A_910 : vector<16xf32>
        %add3A_912 = arith.addf %mul3A_901, %mul3A_911 : vector<16xf32>
        %get3A_913 = arith.index_cast %add3A_891 : i32 to index
        %get3A_914 = arith.constant 32 : index
        %get3A_915 = tpu.vector_load %arg10[%get3A_913, %get3A_914] {strides = array<i32>} : memref<128x64xf32, #tpu.memory_space<vmem>>, vector<1x16xf32>,
        %get3A_916 = vector.shape_cast %get3A_915 : vector<1x16xf32> to vector<16xf32>
        %get3A_917 = arith.index_cast %add3A_891 : i32 to index
        %get3A_918 = arith.constant 32 : index
        %get3A_919 = tpu.vector_load %arg11[%get3A_917, %get3A_918] {strides = array<i32>} : memref<128x64xf32, #tpu.memory_space<vmem>>, vector<1x16xf32>,
        %get3A_920 = vector.shape_cast %get3A_919 : vector<1x16xf32> to vector<16xf32>
        %sub3A_921 = arith.subf %get3A_916, %get3A_920 : vector<16xf32>
        %mul3A_922 = arith.mulf %sub3A_921, %sub3A_921 : vector<16xf32>
        %add3A_923 = arith.addf %add3A_912, %mul3A_922 : vector<16xf32>
        %get3A_924 = arith.index_cast %add3A_891 : i32 to index
        %get3A_925 = arith.constant 48 : index
        %get3A_926 = tpu.vector_load %arg10[%get3A_924, %get3A_925] {strides = array<i32>} : memref<128x64xf32, #tpu.memory_space<vmem>>, vector<1x16xf32>,
        %get3A_927 = vector.shape_cast %get3A_926 : vector<1x16xf32> to vector<16xf32>
        %get3A_928 = arith.index_cast %add3A_891 : i32 to index
        %get3A_929 = arith.constant 48 : index
        %get3A_930 = tpu.vector_load %arg11[%get3A_928, %get3A_929] {strides = array<i32>} : memref<128x64xf32, #tpu.memory_space<vmem>>, vector<1x16xf32>,
        %get3A_931 = vector.shape_cast %get3A_930 : vector<1x16xf32> to vector<16xf32>
        %sub3A_932 = arith.subf %get3A_927, %get3A_931 : vector<16xf32>
        %mul3A_933 = arith.mulf %sub3A_932, %sub3A_932 : vector<16xf32>
        %add3A_934 = arith.addf %add3A_923, %mul3A_933 : vector<16xf32>
        %mul3A_935 = arith.constant 2 : i32
        %mul3A_936 = arith.muli %mul3A_935, %scan3A_133 : i32
        %add3A_937 = arith.constant 1 : i32
        %add3A_938 = arith.addi %mul3A_936, %add3A_937 : i32
        %swap3A_939 = arith.index_cast %add3A_938 : i32 to index
        %swap3A_940 = arith.constant 96 : index
        %swap3A_941 = tpu.vector_load %arg14[%swap3A_939, %swap3A_940] {strides = array<i32>} : memref<16x128xf32, #tpu.memory_space<vmem>>, vector<1x16xf32>,
        %swap3A_942 = vector.shape_cast %swap3A_941 : vector<1x16xf32> to vector<16xf32>
        %swap3A_943 = vector.shape_cast %add3A_934 : vector<16xf32> to vector<1x16xf32>
        tpu.vector_store %arg14[%swap3A_939, %swap3A_940], %swap3A_943 {strides = array<i32>} : memref<16x128xf32, #tpu.memory_space<vmem>>, vector<1x16xf32>,
        %add3A_944 = arith.constant 15 : i32
        %add3A_945 = arith.addi %mul3A_135, %add3A_944 : i32
        %get3A_946 = arith.index_cast %add3A_945 : i32 to index
        %get3A_947 = arith.constant 0 : index
        %get3A_948 = tpu.vector_load %arg10[%get3A_946, %get3A_947] {strides = array<i32>} : memref<128x64xf32, #tpu.memory_space<vmem>>, vector<1x16xf32>,
        %get3A_949 = vector.shape_cast %get3A_948 : vector<1x16xf32> to vector<16xf32>
        %get3A_950 = arith.index_cast %add3A_945 : i32 to index
        %get3A_951 = arith.constant 0 : index
        %get3A_952 = tpu.vector_load %arg11[%get3A_950, %get3A_951] {strides = array<i32>} : memref<128x64xf32, #tpu.memory_space<vmem>>, vector<1x16xf32>,
        %get3A_953 = vector.shape_cast %get3A_952 : vector<1x16xf32> to vector<16xf32>
        %sub3A_954 = arith.subf %get3A_949, %get3A_953 : vector<16xf32>
        %mul3A_955 = arith.mulf %sub3A_954, %sub3A_954 : vector<16xf32>
        %get3A_956 = arith.index_cast %add3A_945 : i32 to index
        %get3A_957 = arith.constant 16 : index
        %get3A_958 = tpu.vector_load %arg10[%get3A_956, %get3A_957] {strides = array<i32>} : memref<128x64xf32, #tpu.memory_space<vmem>>, vector<1x16xf32>,
        %get3A_959 = vector.shape_cast %get3A_958 : vector<1x16xf32> to vector<16xf32>
        %get3A_960 = arith.index_cast %add3A_945 : i32 to index
        %get3A_961 = arith.constant 16 : index
        %get3A_962 = tpu.vector_load %arg11[%get3A_960, %get3A_961] {strides = array<i32>} : memref<128x64xf32, #tpu.memory_space<vmem>>, vector<1x16xf32>,
        %get3A_963 = vector.shape_cast %get3A_962 : vector<1x16xf32> to vector<16xf32>
        %sub3A_964 = arith.subf %get3A_959, %get3A_963 : vector<16xf32>
        %mul3A_965 = arith.mulf %sub3A_964, %sub3A_964 : vector<16xf32>
        %add3A_966 = arith.addf %mul3A_955, %mul3A_965 : vector<16xf32>
        %get3A_967 = arith.index_cast %add3A_945 : i32 to index
        %get3A_968 = arith.constant 32 : index
        %get3A_969 = tpu.vector_load %arg10[%get3A_967, %get3A_968] {strides = array<i32>} : memref<128x64xf32, #tpu.memory_space<vmem>>, vector<1x16xf32>,
        %get3A_970 = vector.shape_cast %get3A_969 : vector<1x16xf32> to vector<16xf32>
        %get3A_971 = arith.index_cast %add3A_945 : i32 to index
        %get3A_972 = arith.constant 32 : index
        %get3A_973 = tpu.vector_load %arg11[%get3A_971, %get3A_972] {strides = array<i32>} : memref<128x64xf32, #tpu.memory_space<vmem>>, vector<1x16xf32>,
        %get3A_974 = vector.shape_cast %get3A_973 : vector<1x16xf32> to vector<16xf32>
        %sub3A_975 = arith.subf %get3A_970, %get3A_974 : vector<16xf32>
        %mul3A_976 = arith.mulf %sub3A_975, %sub3A_975 : vector<16xf32>
        %add3A_977 = arith.addf %add3A_966, %mul3A_976 : vector<16xf32>
        %get3A_978 = arith.index_cast %add3A_945 : i32 to index
        %get3A_979 = arith.constant 48 : index
        %get3A_980 = tpu.vector_load %arg10[%get3A_978, %get3A_979] {strides = array<i32>} : memref<128x64xf32, #tpu.memory_space<vmem>>, vector<1x16xf32>,
        %get3A_981 = vector.shape_cast %get3A_980 : vector<1x16xf32> to vector<16xf32>
        %get3A_982 = arith.index_cast %add3A_945 : i32 to index
        %get3A_983 = arith.constant 48 : index
        %get3A_984 = tpu.vector_load %arg11[%get3A_982, %get3A_983] {strides = array<i32>} : memref<128x64xf32, #tpu.memory_space<vmem>>, vector<1x16xf32>,
        %get3A_985 = vector.shape_cast %get3A_984 : vector<1x16xf32> to vector<16xf32>
        %sub3A_986 = arith.subf %get3A_981, %get3A_985 : vector<16xf32>
        %mul3A_987 = arith.mulf %sub3A_986, %sub3A_986 : vector<16xf32>
        %add3A_988 = arith.addf %add3A_977, %mul3A_987 : vector<16xf32>
        %mul3A_989 = arith.constant 2 : i32
        %mul3A_990 = arith.muli %mul3A_989, %scan3A_133 : i32
        %add3A_991 = arith.constant 1 : i32
        %add3A_992 = arith.addi %mul3A_990, %add3A_991 : i32
        %swap3A_993 = arith.index_cast %add3A_992 : i32 to index
        %swap3A_994 = arith.constant 112 : index
        %swap3A_995 = tpu.vector_load %arg14[%swap3A_993, %swap3A_994] {strides = array<i32>} : memref<16x128xf32, #tpu.memory_space<vmem>>, vector<1x16xf32>,
        %swap3A_996 = vector.shape_cast %swap3A_995 : vector<1x16xf32> to vector<16xf32>
        %swap3A_997 = vector.shape_cast %add3A_988 : vector<16xf32> to vector<1x16xf32>
        tpu.vector_store %arg14[%swap3A_993, %swap3A_994], %swap3A_997 {strides = array<i32>} : memref<16x128xf32, #tpu.memory_space<vmem>>, vector<1x16xf32>,
      }
      %scan3A_75 = arith.constant 8 : i32
      %lt3A = arith.constant 16 : i32
      %lt3A_76 = arith.cmpi slt, %mul3A_43, %lt3A : i32
      %mul3A_77 = arith.constant 128 : i32
      %mul3A_78 = arith.muli %mul3A_43, %mul3A_77 : i32
      %add3A_79 = arith.addi %mul3A_10, %mul3A_78 : i32
      %mul3A_80 = arith.constant 128 : i32
      %mul3A_81 = arith.muli %mul3A_43, %mul3A_80 : i32
      %add3A_82 = arith.addi %sub3A_15, %mul3A_81 : i32
      %select_n3A = arith.select %lt3A_76, %add3A_79, %add3A_82 : i32
      %shift_right_arithmetic3A = arith.constant 3 : i32
      %shift_right_arithmetic3A_83 = arith.shrsi %select_n3A, %shift_right_arithmetic3A : i32
      %dma_start3A_84 = arith.constant 0 : i32
      %dma_start3A_85 = tpu.memref_slice %arg7[%shift_right_arithmetic3A_83, %dma_start3A_84] : memref<40960x128xf32, #tpu.memory_space<hbm>> -> memref<16x128xf32, #tpu.memory_space<hbm>>
      %dma_start3A_86 = arith.constant 0 : i32
      %dma_start3A_87 = tpu.memref_slice %arg7[%shift_right_arithmetic3A_83, %dma_start3A_86] : memref<40960x128xf32, #tpu.memory_space<hbm>> -> memref<16x128xf32, #tpu.memory_space<hbm>>
      tpu.enqueue_dma source(%arg14 : memref<16x128xf32, #tpu.memory_space<vmem>>) target(%dma_start3A_87 : memref<16x128xf32, #tpu.memory_space<hbm>>) target_semaphore(%arg20 : memref<!tpu.dma_semaphore, #tpu.memory_space<semaphore_mem>>)
      %add3A_88 = arith.constant 1 : i32
      %add3A_89 = arith.addi %scan3A_41, %add3A_88 : i32
      %lt3A_90 = arith.constant 40 : i32
      %lt3A_91 = arith.cmpi slt, %add3A_89, %lt3A_90 : i32
      %convert_element_type3A_92 = arith.extui %lt3A_91 : i1 to i32
      %cond3A_93 = arith.constant 0 : i32
      %cond3A_94 = arith.cmpi ne, %convert_element_type3A_92, %cond3A_93 : i32
      scf.if %cond3A_94 {
        %add3A_133 = arith.constant 2 : i32
        %add3A_134 = arith.addi %mul3A_43, %add3A_133 : i32
        %mul3A_135 = arith.constant 128 : i32
        %mul3A_136 = arith.muli %add3A_134, %mul3A_135 : i32
        %dma_start3A_137 = tpu.memref_slice %arg8[%mul3A_136] : memref<10240xi32, #tpu.memory_space<vmem>> -> memref<128xi32, #tpu.memory_space<vmem>>
        %dma_start3A_138 = arith.constant 0 : i32
        %dma_start3A_139 = arith.constant 0 : i32
        %dma_start3A_140 = tpu.memref_slice %arg2[%dma_start3A_138, %dma_start3A_139] : memref<100000x64xf32, #tpu.memory_space<hbm>> -> memref<100000x64xf32, #tpu.memory_space<hbm>>
        tpu.enqueue_indirect_dma source(%dma_start3A_140 : memref<100000x64xf32, #tpu.memory_space<hbm>>) target(%arg10 : memref<128x64xf32, #tpu.memory_space<vmem>>) offsets(%dma_start3A_137 : memref<128xi32, #tpu.memory_space<vmem>>) semaphore(%arg16 : memref<!tpu.dma_semaphore, #tpu.memory_space<semaphore_mem>>)
        %mul3A_141 = arith.constant 128 : i32
        %mul3A_142 = arith.muli %add3A_134, %mul3A_141 : i32
        %dma_start3A_143 = tpu.memref_slice %arg9[%mul3A_142] : memref<10240xi32, #tpu.memory_space<vmem>> -> memref<128xi32, #tpu.memory_space<vmem>>
        %dma_start3A_144 = arith.constant 0 : i32
        %dma_start3A_145 = arith.constant 0 : i32
        %dma_start3A_146 = tpu.memref_slice %arg2[%dma_start3A_144, %dma_start3A_145] : memref<100000x64xf32, #tpu.memory_space<hbm>> -> memref<100000x64xf32, #tpu.memory_space<hbm>>
        tpu.enqueue_indirect_dma source(%dma_start3A_146 : memref<100000x64xf32, #tpu.memory_space<hbm>>) target(%arg11 : memref<128x64xf32, #tpu.memory_space<vmem>>) offsets(%dma_start3A_143 : memref<128xi32, #tpu.memory_space<vmem>>) semaphore(%arg17 : memref<!tpu.dma_semaphore, #tpu.memory_space<semaphore_mem>>)
      } else {
      }
      %dma_wait3A_95 = arith.constant 0 : i32
      %dma_wait3A_96 = tpu.memref_slice %arg8[%dma_wait3A_95] : memref<10240xi32, #tpu.memory_space<vmem>> -> memref<128xi32, #tpu.memory_space<vmem>>
      %dma_wait3A_97 = arith.constant 0 : i32
      %dma_wait3A_98 = arith.constant 0 : i32
      %dma_wait3A_99 = tpu.memref_slice %arg2[%dma_wait3A_97, %dma_wait3A_98] : memref<100000x64xf32, #tpu.memory_space<hbm>> -> memref<100000x64xf32, #tpu.memory_space<hbm>>
      tpu.wait_indirect_dma semaphore(%arg18 : memref<!tpu.dma_semaphore, #tpu.memory_space<semaphore_mem>>) src(%dma_wait3A_99 : memref<100000x64xf32, #tpu.memory_space<hbm>>) dst(%arg12 : memref<128x64xf32, #tpu.memory_space<vmem>>)
      %dma_wait3A_100 = arith.constant 0 : i32
      %dma_wait3A_101 = tpu.memref_slice %arg9[%dma_wait3A_100] : memref<10240xi32, #tpu.memory_space<vmem>> -> memref<128xi32, #tpu.memory_space<vmem>>
      %dma_wait3A_102 = arith.constant 0 : i32
      %dma_wait3A_103 = arith.constant 0 : i32
      %dma_wait3A_104 = tpu.memref_slice %arg2[%dma_wait3A_102, %dma_wait3A_103] : memref<100000x64xf32, #tpu.memory_space<hbm>> -> memref<100000x64xf32, #tpu.memory_space<hbm>>
      tpu.wait_indirect_dma semaphore(%arg19 : memref<!tpu.dma_semaphore, #tpu.memory_space<semaphore_mem>>) src(%dma_wait3A_104 : memref<100000x64xf32, #tpu.memory_space<hbm>>) dst(%arg13 : memref<128x64xf32, #tpu.memory_space<vmem>>)
      %gt3A_105 = arith.constant 0 : i32
      %gt3A_106 = arith.cmpi sgt, %scan3A_41, %gt3A_105 : i32
      %convert_element_type3A_107 = arith.extui %gt3A_106 : i1 to i32
      %cond3A_108 = arith.constant 0 : i32
      %cond3A_109 = arith.cmpi ne, %convert_element_type3A_107, %cond3A_108 : i32
      scf.if %cond3A_109 {
        %dma_wait3A_133 = arith.constant 0 : i32
        %dma_wait3A_134 = arith.constant 0 : i32
        %dma_wait3A_135 = tpu.memref_slice %arg7[%dma_wait3A_133, %dma_wait3A_134] : memref<40960x128xf32, #tpu.memory_space<hbm>> -> memref<16x128xf32, #tpu.memory_space<hbm>>
        %dma_wait3A_136 = arith.constant 0 : i32
        %dma_wait3A_137 = arith.constant 0 : i32
        %dma_wait3A_138 = tpu.memref_slice %arg7[%dma_wait3A_136, %dma_wait3A_137] : memref<40960x128xf32, #tpu.memory_space<hbm>> -> memref<16x128xf32, #tpu.memory_space<hbm>>
        tpu.wait_dma2 semaphore(%arg21 : memref<!tpu.dma_semaphore, #tpu.memory_space<semaphore_mem>>) src(%arg15 : memref<16x128xf32, #tpu.memory_space<vmem>>) dst(%dma_wait3A_138 : memref<16x128xf32, #tpu.memory_space<hbm>>)
      } else {
      }
      %scan3A_110 = arith.constant 0 : i32
      %scan3A_111 = arith.constant 0 : i32
      %scan3A_112 = arith.constant 8 : i32
      %scan3A_113 = arith.addi %scan3A_111, %scan3A_112 : i32
      %scan3A_114 = arith.constant 1 : i32
      scf.for %scan3A_133 = %scan3A_111 to %scan3A_113 step %scan3A_114  : i32 {
        %mul3A_134 = arith.constant 16 : i32
        %mul3A_135 = arith.muli %scan3A_133, %mul3A_134 : i32
        %add3A_136 = arith.constant 0 : i32
        %add3A_137 = arith.addi %mul3A_135, %add3A_136 : i32
        %get3A = arith.index_cast %add3A_137 : i32 to index
        %get3A_138 = arith.constant 0 : index
        %get3A_139 = tpu.vector_load %arg12[%get3A, %get3A_138] {strides = array<i32>} : memref<128x64xf32, #tpu.memory_space<vmem>>, vector<1x16xf32>,
        %get3A_140 = vector.shape_cast %get3A_139 : vector<1x16xf32> to vector<16xf32>
        %get3A_141 = arith.index_cast %add3A_137 : i32 to index
        %get3A_142 = arith.constant 0 : index
        %get3A_143 = tpu.vector_load %arg13[%get3A_141, %get3A_142] {strides = array<i32>} : memref<128x64xf32, #tpu.memory_space<vmem>>, vector<1x16xf32>,
        %get3A_144 = vector.shape_cast %get3A_143 : vector<1x16xf32> to vector<16xf32>
        %sub3A_145 = arith.subf %get3A_140, %get3A_144 : vector<16xf32>
        %mul3A_146 = arith.mulf %sub3A_145, %sub3A_145 : vector<16xf32>
        %get3A_147 = arith.index_cast %add3A_137 : i32 to index
        %get3A_148 = arith.constant 16 : index
        %get3A_149 = tpu.vector_load %arg12[%get3A_147, %get3A_148] {strides = array<i32>} : memref<128x64xf32, #tpu.memory_space<vmem>>, vector<1x16xf32>,
        %get3A_150 = vector.shape_cast %get3A_149 : vector<1x16xf32> to vector<16xf32>
        %get3A_151 = arith.index_cast %add3A_137 : i32 to index
        %get3A_152 = arith.constant 16 : index
        %get3A_153 = tpu.vector_load %arg13[%get3A_151, %get3A_152] {strides = array<i32>} : memref<128x64xf32, #tpu.memory_space<vmem>>, vector<1x16xf32>,
        %get3A_154 = vector.shape_cast %get3A_153 : vector<1x16xf32> to vector<16xf32>
        %sub3A_155 = arith.subf %get3A_150, %get3A_154 : vector<16xf32>
        %mul3A_156 = arith.mulf %sub3A_155, %sub3A_155 : vector<16xf32>
        %add3A_157 = arith.addf %mul3A_146, %mul3A_156 : vector<16xf32>
        %get3A_158 = arith.index_cast %add3A_137 : i32 to index
        %get3A_159 = arith.constant 32 : index
        %get3A_160 = tpu.vector_load %arg12[%get3A_158, %get3A_159] {strides = array<i32>} : memref<128x64xf32, #tpu.memory_space<vmem>>, vector<1x16xf32>,
        %get3A_161 = vector.shape_cast %get3A_160 : vector<1x16xf32> to vector<16xf32>
        %get3A_162 = arith.index_cast %add3A_137 : i32 to index
        %get3A_163 = arith.constant 32 : index
        %get3A_164 = tpu.vector_load %arg13[%get3A_162, %get3A_163] {strides = array<i32>} : memref<128x64xf32, #tpu.memory_space<vmem>>, vector<1x16xf32>,
        %get3A_165 = vector.shape_cast %get3A_164 : vector<1x16xf32> to vector<16xf32>
        %sub3A_166 = arith.subf %get3A_161, %get3A_165 : vector<16xf32>
        %mul3A_167 = arith.mulf %sub3A_166, %sub3A_166 : vector<16xf32>
        %add3A_168 = arith.addf %add3A_157, %mul3A_167 : vector<16xf32>
        %get3A_169 = arith.index_cast %add3A_137 : i32 to index
        %get3A_170 = arith.constant 48 : index
        %get3A_171 = tpu.vector_load %arg12[%get3A_169, %get3A_170] {strides = array<i32>} : memref<128x64xf32, #tpu.memory_space<vmem>>, vector<1x16xf32>,
        %get3A_172 = vector.shape_cast %get3A_171 : vector<1x16xf32> to vector<16xf32>
        %get3A_173 = arith.index_cast %add3A_137 : i32 to index
        %get3A_174 = arith.constant 48 : index
        %get3A_175 = tpu.vector_load %arg13[%get3A_173, %get3A_174] {strides = array<i32>} : memref<128x64xf32, #tpu.memory_space<vmem>>, vector<1x16xf32>,
        %get3A_176 = vector.shape_cast %get3A_175 : vector<1x16xf32> to vector<16xf32>
        %sub3A_177 = arith.subf %get3A_172, %get3A_176 : vector<16xf32>
        %mul3A_178 = arith.mulf %sub3A_177, %sub3A_177 : vector<16xf32>
        %add3A_179 = arith.addf %add3A_168, %mul3A_178 : vector<16xf32>
        %mul3A_180 = arith.constant 2 : i32
        %mul3A_181 = arith.muli %mul3A_180, %scan3A_133 : i32
        %add3A_182 = arith.constant 0 : i32
        %add3A_183 = arith.addi %mul3A_181, %add3A_182 : i32
        %swap3A = arith.index_cast %add3A_183 : i32 to index
        %swap3A_184 = arith.constant 0 : index
        %swap3A_185 = tpu.vector_load %arg15[%swap3A, %swap3A_184] {strides = array<i32>} : memref<16x128xf32, #tpu.memory_space<vmem>>, vector<1x16xf32>,
        %swap3A_186 = vector.shape_cast %swap3A_185 : vector<1x16xf32> to vector<16xf32>
        %swap3A_187 = vector.shape_cast %add3A_179 : vector<16xf32> to vector<1x16xf32>
        tpu.vector_store %arg15[%swap3A, %swap3A_184], %swap3A_187 {strides = array<i32>} : memref<16x128xf32, #tpu.memory_space<vmem>>, vector<1x16xf32>,
        %add3A_188 = arith.constant 1 : i32
        %add3A_189 = arith.addi %mul3A_135, %add3A_188 : i32
        %get3A_190 = arith.index_cast %add3A_189 : i32 to index
        %get3A_191 = arith.constant 0 : index
        %get3A_192 = tpu.vector_load %arg12[%get3A_190, %get3A_191] {strides = array<i32>} : memref<128x64xf32, #tpu.memory_space<vmem>>, vector<1x16xf32>,
        %get3A_193 = vector.shape_cast %get3A_192 : vector<1x16xf32> to vector<16xf32>
        %get3A_194 = arith.index_cast %add3A_189 : i32 to index
        %get3A_195 = arith.constant 0 : index
        %get3A_196 = tpu.vector_load %arg13[%get3A_194, %get3A_195] {strides = array<i32>} : memref<128x64xf32, #tpu.memory_space<vmem>>, vector<1x16xf32>,
        %get3A_197 = vector.shape_cast %get3A_196 : vector<1x16xf32> to vector<16xf32>
        %sub3A_198 = arith.subf %get3A_193, %get3A_197 : vector<16xf32>
        %mul3A_199 = arith.mulf %sub3A_198, %sub3A_198 : vector<16xf32>
        %get3A_200 = arith.index_cast %add3A_189 : i32 to index
        %get3A_201 = arith.constant 16 : index
        %get3A_202 = tpu.vector_load %arg12[%get3A_200, %get3A_201] {strides = array<i32>} : memref<128x64xf32, #tpu.memory_space<vmem>>, vector<1x16xf32>,
        %get3A_203 = vector.shape_cast %get3A_202 : vector<1x16xf32> to vector<16xf32>
        %get3A_204 = arith.index_cast %add3A_189 : i32 to index
        %get3A_205 = arith.constant 16 : index
        %get3A_206 = tpu.vector_load %arg13[%get3A_204, %get3A_205] {strides = array<i32>} : memref<128x64xf32, #tpu.memory_space<vmem>>, vector<1x16xf32>,
        %get3A_207 = vector.shape_cast %get3A_206 : vector<1x16xf32> to vector<16xf32>
        %sub3A_208 = arith.subf %get3A_203, %get3A_207 : vector<16xf32>
        %mul3A_209 = arith.mulf %sub3A_208, %sub3A_208 : vector<16xf32>
        %add3A_210 = arith.addf %mul3A_199, %mul3A_209 : vector<16xf32>
        %get3A_211 = arith.index_cast %add3A_189 : i32 to index
        %get3A_212 = arith.constant 32 : index
        %get3A_213 = tpu.vector_load %arg12[%get3A_211, %get3A_212] {strides = array<i32>} : memref<128x64xf32, #tpu.memory_space<vmem>>, vector<1x16xf32>,
        %get3A_214 = vector.shape_cast %get3A_213 : vector<1x16xf32> to vector<16xf32>
        %get3A_215 = arith.index_cast %add3A_189 : i32 to index
        %get3A_216 = arith.constant 32 : index
        %get3A_217 = tpu.vector_load %arg13[%get3A_215, %get3A_216] {strides = array<i32>} : memref<128x64xf32, #tpu.memory_space<vmem>>, vector<1x16xf32>,
        %get3A_218 = vector.shape_cast %get3A_217 : vector<1x16xf32> to vector<16xf32>
        %sub3A_219 = arith.subf %get3A_214, %get3A_218 : vector<16xf32>
        %mul3A_220 = arith.mulf %sub3A_219, %sub3A_219 : vector<16xf32>
        %add3A_221 = arith.addf %add3A_210, %mul3A_220 : vector<16xf32>
        %get3A_222 = arith.index_cast %add3A_189 : i32 to index
        %get3A_223 = arith.constant 48 : index
        %get3A_224 = tpu.vector_load %arg12[%get3A_222, %get3A_223] {strides = array<i32>} : memref<128x64xf32, #tpu.memory_space<vmem>>, vector<1x16xf32>,
        %get3A_225 = vector.shape_cast %get3A_224 : vector<1x16xf32> to vector<16xf32>
        %get3A_226 = arith.index_cast %add3A_189 : i32 to index
        %get3A_227 = arith.constant 48 : index
        %get3A_228 = tpu.vector_load %arg13[%get3A_226, %get3A_227] {strides = array<i32>} : memref<128x64xf32, #tpu.memory_space<vmem>>, vector<1x16xf32>,
        %get3A_229 = vector.shape_cast %get3A_228 : vector<1x16xf32> to vector<16xf32>
        %sub3A_230 = arith.subf %get3A_225, %get3A_229 : vector<16xf32>
        %mul3A_231 = arith.mulf %sub3A_230, %sub3A_230 : vector<16xf32>
        %add3A_232 = arith.addf %add3A_221, %mul3A_231 : vector<16xf32>
        %mul3A_233 = arith.constant 2 : i32
        %mul3A_234 = arith.muli %mul3A_233, %scan3A_133 : i32
        %add3A_235 = arith.constant 0 : i32
        %add3A_236 = arith.addi %mul3A_234, %add3A_235 : i32
        %swap3A_237 = arith.index_cast %add3A_236 : i32 to index
        %swap3A_238 = arith.constant 16 : index
        %swap3A_239 = tpu.vector_load %arg15[%swap3A_237, %swap3A_238] {strides = array<i32>} : memref<16x128xf32, #tpu.memory_space<vmem>>, vector<1x16xf32>,
        %swap3A_240 = vector.shape_cast %swap3A_239 : vector<1x16xf32> to vector<16xf32>
        %swap3A_241 = vector.shape_cast %add3A_232 : vector<16xf32> to vector<1x16xf32>
        tpu.vector_store %arg15[%swap3A_237, %swap3A_238], %swap3A_241 {strides = array<i32>} : memref<16x128xf32, #tpu.memory_space<vmem>>, vector<1x16xf32>,
        %add3A_242 = arith.constant 2 : i32
        %add3A_243 = arith.addi %mul3A_135, %add3A_242 : i32
        %get3A_244 = arith.index_cast %add3A_243 : i32 to index
        %get3A_245 = arith.constant 0 : index
        %get3A_246 = tpu.vector_load %arg12[%get3A_244, %get3A_245] {strides = array<i32>} : memref<128x64xf32, #tpu.memory_space<vmem>>, vector<1x16xf32>,
        %get3A_247 = vector.shape_cast %get3A_246 : vector<1x16xf32> to vector<16xf32>
        %get3A_248 = arith.index_cast %add3A_243 : i32 to index
        %get3A_249 = arith.constant 0 : index
        %get3A_250 = tpu.vector_load %arg13[%get3A_248, %get3A_249] {strides = array<i32>} : memref<128x64xf32, #tpu.memory_space<vmem>>, vector<1x16xf32>,
        %get3A_251 = vector.shape_cast %get3A_250 : vector<1x16xf32> to vector<16xf32>
        %sub3A_252 = arith.subf %get3A_247, %get3A_251 : vector<16xf32>
        %mul3A_253 = arith.mulf %sub3A_252, %sub3A_252 : vector<16xf32>
        %get3A_254 = arith.index_cast %add3A_243 : i32 to index
        %get3A_255 = arith.constant 16 : index
        %get3A_256 = tpu.vector_load %arg12[%get3A_254, %get3A_255] {strides = array<i32>} : memref<128x64xf32, #tpu.memory_space<vmem>>, vector<1x16xf32>,
        %get3A_257 = vector.shape_cast %get3A_256 : vector<1x16xf32> to vector<16xf32>
        %get3A_258 = arith.index_cast %add3A_243 : i32 to index
        %get3A_259 = arith.constant 16 : index
        %get3A_260 = tpu.vector_load %arg13[%get3A_258, %get3A_259] {strides = array<i32>} : memref<128x64xf32, #tpu.memory_space<vmem>>, vector<1x16xf32>,
        %get3A_261 = vector.shape_cast %get3A_260 : vector<1x16xf32> to vector<16xf32>
        %sub3A_262 = arith.subf %get3A_257, %get3A_261 : vector<16xf32>
        %mul3A_263 = arith.mulf %sub3A_262, %sub3A_262 : vector<16xf32>
        %add3A_264 = arith.addf %mul3A_253, %mul3A_263 : vector<16xf32>
        %get3A_265 = arith.index_cast %add3A_243 : i32 to index
        %get3A_266 = arith.constant 32 : index
        %get3A_267 = tpu.vector_load %arg12[%get3A_265, %get3A_266] {strides = array<i32>} : memref<128x64xf32, #tpu.memory_space<vmem>>, vector<1x16xf32>,
        %get3A_268 = vector.shape_cast %get3A_267 : vector<1x16xf32> to vector<16xf32>
        %get3A_269 = arith.index_cast %add3A_243 : i32 to index
        %get3A_270 = arith.constant 32 : index
        %get3A_271 = tpu.vector_load %arg13[%get3A_269, %get3A_270] {strides = array<i32>} : memref<128x64xf32, #tpu.memory_space<vmem>>, vector<1x16xf32>,
        %get3A_272 = vector.shape_cast %get3A_271 : vector<1x16xf32> to vector<16xf32>
        %sub3A_273 = arith.subf %get3A_268, %get3A_272 : vector<16xf32>
        %mul3A_274 = arith.mulf %sub3A_273, %sub3A_273 : vector<16xf32>
        %add3A_275 = arith.addf %add3A_264, %mul3A_274 : vector<16xf32>
        %get3A_276 = arith.index_cast %add3A_243 : i32 to index
        %get3A_277 = arith.constant 48 : index
        %get3A_278 = tpu.vector_load %arg12[%get3A_276, %get3A_277] {strides = array<i32>} : memref<128x64xf32, #tpu.memory_space<vmem>>, vector<1x16xf32>,
        %get3A_279 = vector.shape_cast %get3A_278 : vector<1x16xf32> to vector<16xf32>
        %get3A_280 = arith.index_cast %add3A_243 : i32 to index
        %get3A_281 = arith.constant 48 : index
        %get3A_282 = tpu.vector_load %arg13[%get3A_280, %get3A_281] {strides = array<i32>} : memref<128x64xf32, #tpu.memory_space<vmem>>, vector<1x16xf32>,
        %get3A_283 = vector.shape_cast %get3A_282 : vector<1x16xf32> to vector<16xf32>
        %sub3A_284 = arith.subf %get3A_279, %get3A_283 : vector<16xf32>
        %mul3A_285 = arith.mulf %sub3A_284, %sub3A_284 : vector<16xf32>
        %add3A_286 = arith.addf %add3A_275, %mul3A_285 : vector<16xf32>
        %mul3A_287 = arith.constant 2 : i32
        %mul3A_288 = arith.muli %mul3A_287, %scan3A_133 : i32
        %add3A_289 = arith.constant 0 : i32
        %add3A_290 = arith.addi %mul3A_288, %add3A_289 : i32
        %swap3A_291 = arith.index_cast %add3A_290 : i32 to index
        %swap3A_292 = arith.constant 32 : index
        %swap3A_293 = tpu.vector_load %arg15[%swap3A_291, %swap3A_292] {strides = array<i32>} : memref<16x128xf32, #tpu.memory_space<vmem>>, vector<1x16xf32>,
        %swap3A_294 = vector.shape_cast %swap3A_293 : vector<1x16xf32> to vector<16xf32>
        %swap3A_295 = vector.shape_cast %add3A_286 : vector<16xf32> to vector<1x16xf32>
        tpu.vector_store %arg15[%swap3A_291, %swap3A_292], %swap3A_295 {strides = array<i32>} : memref<16x128xf32, #tpu.memory_space<vmem>>, vector<1x16xf32>,
        %add3A_296 = arith.constant 3 : i32
        %add3A_297 = arith.addi %mul3A_135, %add3A_296 : i32
        %get3A_298 = arith.index_cast %add3A_297 : i32 to index
        %get3A_299 = arith.constant 0 : index
        %get3A_300 = tpu.vector_load %arg12[%get3A_298, %get3A_299] {strides = array<i32>} : memref<128x64xf32, #tpu.memory_space<vmem>>, vector<1x16xf32>,
        %get3A_301 = vector.shape_cast %get3A_300 : vector<1x16xf32> to vector<16xf32>
        %get3A_302 = arith.index_cast %add3A_297 : i32 to index
        %get3A_303 = arith.constant 0 : index
        %get3A_304 = tpu.vector_load %arg13[%get3A_302, %get3A_303] {strides = array<i32>} : memref<128x64xf32, #tpu.memory_space<vmem>>, vector<1x16xf32>,
        %get3A_305 = vector.shape_cast %get3A_304 : vector<1x16xf32> to vector<16xf32>
        %sub3A_306 = arith.subf %get3A_301, %get3A_305 : vector<16xf32>
        %mul3A_307 = arith.mulf %sub3A_306, %sub3A_306 : vector<16xf32>
        %get3A_308 = arith.index_cast %add3A_297 : i32 to index
        %get3A_309 = arith.constant 16 : index
        %get3A_310 = tpu.vector_load %arg12[%get3A_308, %get3A_309] {strides = array<i32>} : memref<128x64xf32, #tpu.memory_space<vmem>>, vector<1x16xf32>,
        %get3A_311 = vector.shape_cast %get3A_310 : vector<1x16xf32> to vector<16xf32>
        %get3A_312 = arith.index_cast %add3A_297 : i32 to index
        %get3A_313 = arith.constant 16 : index
        %get3A_314 = tpu.vector_load %arg13[%get3A_312, %get3A_313] {strides = array<i32>} : memref<128x64xf32, #tpu.memory_space<vmem>>, vector<1x16xf32>,
        %get3A_315 = vector.shape_cast %get3A_314 : vector<1x16xf32> to vector<16xf32>
        %sub3A_316 = arith.subf %get3A_311, %get3A_315 : vector<16xf32>
        %mul3A_317 = arith.mulf %sub3A_316, %sub3A_316 : vector<16xf32>
        %add3A_318 = arith.addf %mul3A_307, %mul3A_317 : vector<16xf32>
        %get3A_319 = arith.index_cast %add3A_297 : i32 to index
        %get3A_320 = arith.constant 32 : index
        %get3A_321 = tpu.vector_load %arg12[%get3A_319, %get3A_320] {strides = array<i32>} : memref<128x64xf32, #tpu.memory_space<vmem>>, vector<1x16xf32>,
        %get3A_322 = vector.shape_cast %get3A_321 : vector<1x16xf32> to vector<16xf32>
        %get3A_323 = arith.index_cast %add3A_297 : i32 to index
        %get3A_324 = arith.constant 32 : index
        %get3A_325 = tpu.vector_load %arg13[%get3A_323, %get3A_324] {strides = array<i32>} : memref<128x64xf32, #tpu.memory_space<vmem>>, vector<1x16xf32>,
        %get3A_326 = vector.shape_cast %get3A_325 : vector<1x16xf32> to vector<16xf32>
        %sub3A_327 = arith.subf %get3A_322, %get3A_326 : vector<16xf32>
        %mul3A_328 = arith.mulf %sub3A_327, %sub3A_327 : vector<16xf32>
        %add3A_329 = arith.addf %add3A_318, %mul3A_328 : vector<16xf32>
        %get3A_330 = arith.index_cast %add3A_297 : i32 to index
        %get3A_331 = arith.constant 48 : index
        %get3A_332 = tpu.vector_load %arg12[%get3A_330, %get3A_331] {strides = array<i32>} : memref<128x64xf32, #tpu.memory_space<vmem>>, vector<1x16xf32>,
        %get3A_333 = vector.shape_cast %get3A_332 : vector<1x16xf32> to vector<16xf32>
        %get3A_334 = arith.index_cast %add3A_297 : i32 to index
        %get3A_335 = arith.constant 48 : index
        %get3A_336 = tpu.vector_load %arg13[%get3A_334, %get3A_335] {strides = array<i32>} : memref<128x64xf32, #tpu.memory_space<vmem>>, vector<1x16xf32>,
        %get3A_337 = vector.shape_cast %get3A_336 : vector<1x16xf32> to vector<16xf32>
        %sub3A_338 = arith.subf %get3A_333, %get3A_337 : vector<16xf32>
        %mul3A_339 = arith.mulf %sub3A_338, %sub3A_338 : vector<16xf32>
        %add3A_340 = arith.addf %add3A_329, %mul3A_339 : vector<16xf32>
        %mul3A_341 = arith.constant 2 : i32
        %mul3A_342 = arith.muli %mul3A_341, %scan3A_133 : i32
        %add3A_343 = arith.constant 0 : i32
        %add3A_344 = arith.addi %mul3A_342, %add3A_343 : i32
        %swap3A_345 = arith.index_cast %add3A_344 : i32 to index
        %swap3A_346 = arith.constant 48 : index
        %swap3A_347 = tpu.vector_load %arg15[%swap3A_345, %swap3A_346] {strides = array<i32>} : memref<16x128xf32, #tpu.memory_space<vmem>>, vector<1x16xf32>,
        %swap3A_348 = vector.shape_cast %swap3A_347 : vector<1x16xf32> to vector<16xf32>
        %swap3A_349 = vector.shape_cast %add3A_340 : vector<16xf32> to vector<1x16xf32>
        tpu.vector_store %arg15[%swap3A_345, %swap3A_346], %swap3A_349 {strides = array<i32>} : memref<16x128xf32, #tpu.memory_space<vmem>>, vector<1x16xf32>,
        %add3A_350 = arith.constant 4 : i32
        %add3A_351 = arith.addi %mul3A_135, %add3A_350 : i32
        %get3A_352 = arith.index_cast %add3A_351 : i32 to index
        %get3A_353 = arith.constant 0 : index
        %get3A_354 = tpu.vector_load %arg12[%get3A_352, %get3A_353] {strides = array<i32>} : memref<128x64xf32, #tpu.memory_space<vmem>>, vector<1x16xf32>,
        %get3A_355 = vector.shape_cast %get3A_354 : vector<1x16xf32> to vector<16xf32>
        %get3A_356 = arith.index_cast %add3A_351 : i32 to index
        %get3A_357 = arith.constant 0 : index
        %get3A_358 = tpu.vector_load %arg13[%get3A_356, %get3A_357] {strides = array<i32>} : memref<128x64xf32, #tpu.memory_space<vmem>>, vector<1x16xf32>,
        %get3A_359 = vector.shape_cast %get3A_358 : vector<1x16xf32> to vector<16xf32>
        %sub3A_360 = arith.subf %get3A_355, %get3A_359 : vector<16xf32>
        %mul3A_361 = arith.mulf %sub3A_360, %sub3A_360 : vector<16xf32>
        %get3A_362 = arith.index_cast %add3A_351 : i32 to index
        %get3A_363 = arith.constant 16 : index
        %get3A_364 = tpu.vector_load %arg12[%get3A_362, %get3A_363] {strides = array<i32>} : memref<128x64xf32, #tpu.memory_space<vmem>>, vector<1x16xf32>,
        %get3A_365 = vector.shape_cast %get3A_364 : vector<1x16xf32> to vector<16xf32>
        %get3A_366 = arith.index_cast %add3A_351 : i32 to index
        %get3A_367 = arith.constant 16 : index
        %get3A_368 = tpu.vector_load %arg13[%get3A_366, %get3A_367] {strides = array<i32>} : memref<128x64xf32, #tpu.memory_space<vmem>>, vector<1x16xf32>,
        %get3A_369 = vector.shape_cast %get3A_368 : vector<1x16xf32> to vector<16xf32>
        %sub3A_370 = arith.subf %get3A_365, %get3A_369 : vector<16xf32>
        %mul3A_371 = arith.mulf %sub3A_370, %sub3A_370 : vector<16xf32>
        %add3A_372 = arith.addf %mul3A_361, %mul3A_371 : vector<16xf32>
        %get3A_373 = arith.index_cast %add3A_351 : i32 to index
        %get3A_374 = arith.constant 32 : index
        %get3A_375 = tpu.vector_load %arg12[%get3A_373, %get3A_374] {strides = array<i32>} : memref<128x64xf32, #tpu.memory_space<vmem>>, vector<1x16xf32>,
        %get3A_376 = vector.shape_cast %get3A_375 : vector<1x16xf32> to vector<16xf32>
        %get3A_377 = arith.index_cast %add3A_351 : i32 to index
        %get3A_378 = arith.constant 32 : index
        %get3A_379 = tpu.vector_load %arg13[%get3A_377, %get3A_378] {strides = array<i32>} : memref<128x64xf32, #tpu.memory_space<vmem>>, vector<1x16xf32>,
        %get3A_380 = vector.shape_cast %get3A_379 : vector<1x16xf32> to vector<16xf32>
        %sub3A_381 = arith.subf %get3A_376, %get3A_380 : vector<16xf32>
        %mul3A_382 = arith.mulf %sub3A_381, %sub3A_381 : vector<16xf32>
        %add3A_383 = arith.addf %add3A_372, %mul3A_382 : vector<16xf32>
        %get3A_384 = arith.index_cast %add3A_351 : i32 to index
        %get3A_385 = arith.constant 48 : index
        %get3A_386 = tpu.vector_load %arg12[%get3A_384, %get3A_385] {strides = array<i32>} : memref<128x64xf32, #tpu.memory_space<vmem>>, vector<1x16xf32>,
        %get3A_387 = vector.shape_cast %get3A_386 : vector<1x16xf32> to vector<16xf32>
        %get3A_388 = arith.index_cast %add3A_351 : i32 to index
        %get3A_389 = arith.constant 48 : index
        %get3A_390 = tpu.vector_load %arg13[%get3A_388, %get3A_389] {strides = array<i32>} : memref<128x64xf32, #tpu.memory_space<vmem>>, vector<1x16xf32>,
        %get3A_391 = vector.shape_cast %get3A_390 : vector<1x16xf32> to vector<16xf32>
        %sub3A_392 = arith.subf %get3A_387, %get3A_391 : vector<16xf32>
        %mul3A_393 = arith.mulf %sub3A_392, %sub3A_392 : vector<16xf32>
        %add3A_394 = arith.addf %add3A_383, %mul3A_393 : vector<16xf32>
        %mul3A_395 = arith.constant 2 : i32
        %mul3A_396 = arith.muli %mul3A_395, %scan3A_133 : i32
        %add3A_397 = arith.constant 0 : i32
        %add3A_398 = arith.addi %mul3A_396, %add3A_397 : i32
        %swap3A_399 = arith.index_cast %add3A_398 : i32 to index
        %swap3A_400 = arith.constant 64 : index
        %swap3A_401 = tpu.vector_load %arg15[%swap3A_399, %swap3A_400] {strides = array<i32>} : memref<16x128xf32, #tpu.memory_space<vmem>>, vector<1x16xf32>,
        %swap3A_402 = vector.shape_cast %swap3A_401 : vector<1x16xf32> to vector<16xf32>
        %swap3A_403 = vector.shape_cast %add3A_394 : vector<16xf32> to vector<1x16xf32>
        tpu.vector_store %arg15[%swap3A_399, %swap3A_400], %swap3A_403 {strides = array<i32>} : memref<16x128xf32, #tpu.memory_space<vmem>>, vector<1x16xf32>,
        %add3A_404 = arith.constant 5 : i32
        %add3A_405 = arith.addi %mul3A_135, %add3A_404 : i32
        %get3A_406 = arith.index_cast %add3A_405 : i32 to index
        %get3A_407 = arith.constant 0 : index
        %get3A_408 = tpu.vector_load %arg12[%get3A_406, %get3A_407] {strides = array<i32>} : memref<128x64xf32, #tpu.memory_space<vmem>>, vector<1x16xf32>,
        %get3A_409 = vector.shape_cast %get3A_408 : vector<1x16xf32> to vector<16xf32>
        %get3A_410 = arith.index_cast %add3A_405 : i32 to index
        %get3A_411 = arith.constant 0 : index
        %get3A_412 = tpu.vector_load %arg13[%get3A_410, %get3A_411] {strides = array<i32>} : memref<128x64xf32, #tpu.memory_space<vmem>>, vector<1x16xf32>,
        %get3A_413 = vector.shape_cast %get3A_412 : vector<1x16xf32> to vector<16xf32>
        %sub3A_414 = arith.subf %get3A_409, %get3A_413 : vector<16xf32>
        %mul3A_415 = arith.mulf %sub3A_414, %sub3A_414 : vector<16xf32>
        %get3A_416 = arith.index_cast %add3A_405 : i32 to index
        %get3A_417 = arith.constant 16 : index
        %get3A_418 = tpu.vector_load %arg12[%get3A_416, %get3A_417] {strides = array<i32>} : memref<128x64xf32, #tpu.memory_space<vmem>>, vector<1x16xf32>,
        %get3A_419 = vector.shape_cast %get3A_418 : vector<1x16xf32> to vector<16xf32>
        %get3A_420 = arith.index_cast %add3A_405 : i32 to index
        %get3A_421 = arith.constant 16 : index
        %get3A_422 = tpu.vector_load %arg13[%get3A_420, %get3A_421] {strides = array<i32>} : memref<128x64xf32, #tpu.memory_space<vmem>>, vector<1x16xf32>,
        %get3A_423 = vector.shape_cast %get3A_422 : vector<1x16xf32> to vector<16xf32>
        %sub3A_424 = arith.subf %get3A_419, %get3A_423 : vector<16xf32>
        %mul3A_425 = arith.mulf %sub3A_424, %sub3A_424 : vector<16xf32>
        %add3A_426 = arith.addf %mul3A_415, %mul3A_425 : vector<16xf32>
        %get3A_427 = arith.index_cast %add3A_405 : i32 to index
        %get3A_428 = arith.constant 32 : index
        %get3A_429 = tpu.vector_load %arg12[%get3A_427, %get3A_428] {strides = array<i32>} : memref<128x64xf32, #tpu.memory_space<vmem>>, vector<1x16xf32>,
        %get3A_430 = vector.shape_cast %get3A_429 : vector<1x16xf32> to vector<16xf32>
        %get3A_431 = arith.index_cast %add3A_405 : i32 to index
        %get3A_432 = arith.constant 32 : index
        %get3A_433 = tpu.vector_load %arg13[%get3A_431, %get3A_432] {strides = array<i32>} : memref<128x64xf32, #tpu.memory_space<vmem>>, vector<1x16xf32>,
        %get3A_434 = vector.shape_cast %get3A_433 : vector<1x16xf32> to vector<16xf32>
        %sub3A_435 = arith.subf %get3A_430, %get3A_434 : vector<16xf32>
        %mul3A_436 = arith.mulf %sub3A_435, %sub3A_435 : vector<16xf32>
        %add3A_437 = arith.addf %add3A_426, %mul3A_436 : vector<16xf32>
        %get3A_438 = arith.index_cast %add3A_405 : i32 to index
        %get3A_439 = arith.constant 48 : index
        %get3A_440 = tpu.vector_load %arg12[%get3A_438, %get3A_439] {strides = array<i32>} : memref<128x64xf32, #tpu.memory_space<vmem>>, vector<1x16xf32>,
        %get3A_441 = vector.shape_cast %get3A_440 : vector<1x16xf32> to vector<16xf32>
        %get3A_442 = arith.index_cast %add3A_405 : i32 to index
        %get3A_443 = arith.constant 48 : index
        %get3A_444 = tpu.vector_load %arg13[%get3A_442, %get3A_443] {strides = array<i32>} : memref<128x64xf32, #tpu.memory_space<vmem>>, vector<1x16xf32>,
        %get3A_445 = vector.shape_cast %get3A_444 : vector<1x16xf32> to vector<16xf32>
        %sub3A_446 = arith.subf %get3A_441, %get3A_445 : vector<16xf32>
        %mul3A_447 = arith.mulf %sub3A_446, %sub3A_446 : vector<16xf32>
        %add3A_448 = arith.addf %add3A_437, %mul3A_447 : vector<16xf32>
        %mul3A_449 = arith.constant 2 : i32
        %mul3A_450 = arith.muli %mul3A_449, %scan3A_133 : i32
        %add3A_451 = arith.constant 0 : i32
        %add3A_452 = arith.addi %mul3A_450, %add3A_451 : i32
        %swap3A_453 = arith.index_cast %add3A_452 : i32 to index
        %swap3A_454 = arith.constant 80 : index
        %swap3A_455 = tpu.vector_load %arg15[%swap3A_453, %swap3A_454] {strides = array<i32>} : memref<16x128xf32, #tpu.memory_space<vmem>>, vector<1x16xf32>,
        %swap3A_456 = vector.shape_cast %swap3A_455 : vector<1x16xf32> to vector<16xf32>
        %swap3A_457 = vector.shape_cast %add3A_448 : vector<16xf32> to vector<1x16xf32>
        tpu.vector_store %arg15[%swap3A_453, %swap3A_454], %swap3A_457 {strides = array<i32>} : memref<16x128xf32, #tpu.memory_space<vmem>>, vector<1x16xf32>,
        %add3A_458 = arith.constant 6 : i32
        %add3A_459 = arith.addi %mul3A_135, %add3A_458 : i32
        %get3A_460 = arith.index_cast %add3A_459 : i32 to index
        %get3A_461 = arith.constant 0 : index
        %get3A_462 = tpu.vector_load %arg12[%get3A_460, %get3A_461] {strides = array<i32>} : memref<128x64xf32, #tpu.memory_space<vmem>>, vector<1x16xf32>,
        %get3A_463 = vector.shape_cast %get3A_462 : vector<1x16xf32> to vector<16xf32>
        %get3A_464 = arith.index_cast %add3A_459 : i32 to index
        %get3A_465 = arith.constant 0 : index
        %get3A_466 = tpu.vector_load %arg13[%get3A_464, %get3A_465] {strides = array<i32>} : memref<128x64xf32, #tpu.memory_space<vmem>>, vector<1x16xf32>,
        %get3A_467 = vector.shape_cast %get3A_466 : vector<1x16xf32> to vector<16xf32>
        %sub3A_468 = arith.subf %get3A_463, %get3A_467 : vector<16xf32>
        %mul3A_469 = arith.mulf %sub3A_468, %sub3A_468 : vector<16xf32>
        %get3A_470 = arith.index_cast %add3A_459 : i32 to index
        %get3A_471 = arith.constant 16 : index
        %get3A_472 = tpu.vector_load %arg12[%get3A_470, %get3A_471] {strides = array<i32>} : memref<128x64xf32, #tpu.memory_space<vmem>>, vector<1x16xf32>,
        %get3A_473 = vector.shape_cast %get3A_472 : vector<1x16xf32> to vector<16xf32>
        %get3A_474 = arith.index_cast %add3A_459 : i32 to index
        %get3A_475 = arith.constant 16 : index
        %get3A_476 = tpu.vector_load %arg13[%get3A_474, %get3A_475] {strides = array<i32>} : memref<128x64xf32, #tpu.memory_space<vmem>>, vector<1x16xf32>,
        %get3A_477 = vector.shape_cast %get3A_476 : vector<1x16xf32> to vector<16xf32>
        %sub3A_478 = arith.subf %get3A_473, %get3A_477 : vector<16xf32>
        %mul3A_479 = arith.mulf %sub3A_478, %sub3A_478 : vector<16xf32>
        %add3A_480 = arith.addf %mul3A_469, %mul3A_479 : vector<16xf32>
        %get3A_481 = arith.index_cast %add3A_459 : i32 to index
        %get3A_482 = arith.constant 32 : index
        %get3A_483 = tpu.vector_load %arg12[%get3A_481, %get3A_482] {strides = array<i32>} : memref<128x64xf32, #tpu.memory_space<vmem>>, vector<1x16xf32>,
        %get3A_484 = vector.shape_cast %get3A_483 : vector<1x16xf32> to vector<16xf32>
        %get3A_485 = arith.index_cast %add3A_459 : i32 to index
        %get3A_486 = arith.constant 32 : index
        %get3A_487 = tpu.vector_load %arg13[%get3A_485, %get3A_486] {strides = array<i32>} : memref<128x64xf32, #tpu.memory_space<vmem>>, vector<1x16xf32>,
        %get3A_488 = vector.shape_cast %get3A_487 : vector<1x16xf32> to vector<16xf32>
        %sub3A_489 = arith.subf %get3A_484, %get3A_488 : vector<16xf32>
        %mul3A_490 = arith.mulf %sub3A_489, %sub3A_489 : vector<16xf32>
        %add3A_491 = arith.addf %add3A_480, %mul3A_490 : vector<16xf32>
        %get3A_492 = arith.index_cast %add3A_459 : i32 to index
        %get3A_493 = arith.constant 48 : index
        %get3A_494 = tpu.vector_load %arg12[%get3A_492, %get3A_493] {strides = array<i32>} : memref<128x64xf32, #tpu.memory_space<vmem>>, vector<1x16xf32>,
        %get3A_495 = vector.shape_cast %get3A_494 : vector<1x16xf32> to vector<16xf32>
        %get3A_496 = arith.index_cast %add3A_459 : i32 to index
        %get3A_497 = arith.constant 48 : index
        %get3A_498 = tpu.vector_load %arg13[%get3A_496, %get3A_497] {strides = array<i32>} : memref<128x64xf32, #tpu.memory_space<vmem>>, vector<1x16xf32>,
        %get3A_499 = vector.shape_cast %get3A_498 : vector<1x16xf32> to vector<16xf32>
        %sub3A_500 = arith.subf %get3A_495, %get3A_499 : vector<16xf32>
        %mul3A_501 = arith.mulf %sub3A_500, %sub3A_500 : vector<16xf32>
        %add3A_502 = arith.addf %add3A_491, %mul3A_501 : vector<16xf32>
        %mul3A_503 = arith.constant 2 : i32
        %mul3A_504 = arith.muli %mul3A_503, %scan3A_133 : i32
        %add3A_505 = arith.constant 0 : i32
        %add3A_506 = arith.addi %mul3A_504, %add3A_505 : i32
        %swap3A_507 = arith.index_cast %add3A_506 : i32 to index
        %swap3A_508 = arith.constant 96 : index
        %swap3A_509 = tpu.vector_load %arg15[%swap3A_507, %swap3A_508] {strides = array<i32>} : memref<16x128xf32, #tpu.memory_space<vmem>>, vector<1x16xf32>,
        %swap3A_510 = vector.shape_cast %swap3A_509 : vector<1x16xf32> to vector<16xf32>
        %swap3A_511 = vector.shape_cast %add3A_502 : vector<16xf32> to vector<1x16xf32>
        tpu.vector_store %arg15[%swap3A_507, %swap3A_508], %swap3A_511 {strides = array<i32>} : memref<16x128xf32, #tpu.memory_space<vmem>>, vector<1x16xf32>,
        %add3A_512 = arith.constant 7 : i32
        %add3A_513 = arith.addi %mul3A_135, %add3A_512 : i32
        %get3A_514 = arith.index_cast %add3A_513 : i32 to index
        %get3A_515 = arith.constant 0 : index
        %get3A_516 = tpu.vector_load %arg12[%get3A_514, %get3A_515] {strides = array<i32>} : memref<128x64xf32, #tpu.memory_space<vmem>>, vector<1x16xf32>,
        %get3A_517 = vector.shape_cast %get3A_516 : vector<1x16xf32> to vector<16xf32>
        %get3A_518 = arith.index_cast %add3A_513 : i32 to index
        %get3A_519 = arith.constant 0 : index
        %get3A_520 = tpu.vector_load %arg13[%get3A_518, %get3A_519] {strides = array<i32>} : memref<128x64xf32, #tpu.memory_space<vmem>>, vector<1x16xf32>,
        %get3A_521 = vector.shape_cast %get3A_520 : vector<1x16xf32> to vector<16xf32>
        %sub3A_522 = arith.subf %get3A_517, %get3A_521 : vector<16xf32>
        %mul3A_523 = arith.mulf %sub3A_522, %sub3A_522 : vector<16xf32>
        %get3A_524 = arith.index_cast %add3A_513 : i32 to index
        %get3A_525 = arith.constant 16 : index
        %get3A_526 = tpu.vector_load %arg12[%get3A_524, %get3A_525] {strides = array<i32>} : memref<128x64xf32, #tpu.memory_space<vmem>>, vector<1x16xf32>,
        %get3A_527 = vector.shape_cast %get3A_526 : vector<1x16xf32> to vector<16xf32>
        %get3A_528 = arith.index_cast %add3A_513 : i32 to index
        %get3A_529 = arith.constant 16 : index
        %get3A_530 = tpu.vector_load %arg13[%get3A_528, %get3A_529] {strides = array<i32>} : memref<128x64xf32, #tpu.memory_space<vmem>>, vector<1x16xf32>,
        %get3A_531 = vector.shape_cast %get3A_530 : vector<1x16xf32> to vector<16xf32>
        %sub3A_532 = arith.subf %get3A_527, %get3A_531 : vector<16xf32>
        %mul3A_533 = arith.mulf %sub3A_532, %sub3A_532 : vector<16xf32>
        %add3A_534 = arith.addf %mul3A_523, %mul3A_533 : vector<16xf32>
        %get3A_535 = arith.index_cast %add3A_513 : i32 to index
        %get3A_536 = arith.constant 32 : index
        %get3A_537 = tpu.vector_load %arg12[%get3A_535, %get3A_536] {strides = array<i32>} : memref<128x64xf32, #tpu.memory_space<vmem>>, vector<1x16xf32>,
        %get3A_538 = vector.shape_cast %get3A_537 : vector<1x16xf32> to vector<16xf32>
        %get3A_539 = arith.index_cast %add3A_513 : i32 to index
        %get3A_540 = arith.constant 32 : index
        %get3A_541 = tpu.vector_load %arg13[%get3A_539, %get3A_540] {strides = array<i32>} : memref<128x64xf32, #tpu.memory_space<vmem>>, vector<1x16xf32>,
        %get3A_542 = vector.shape_cast %get3A_541 : vector<1x16xf32> to vector<16xf32>
        %sub3A_543 = arith.subf %get3A_538, %get3A_542 : vector<16xf32>
        %mul3A_544 = arith.mulf %sub3A_543, %sub3A_543 : vector<16xf32>
        %add3A_545 = arith.addf %add3A_534, %mul3A_544 : vector<16xf32>
        %get3A_546 = arith.index_cast %add3A_513 : i32 to index
        %get3A_547 = arith.constant 48 : index
        %get3A_548 = tpu.vector_load %arg12[%get3A_546, %get3A_547] {strides = array<i32>} : memref<128x64xf32, #tpu.memory_space<vmem>>, vector<1x16xf32>,
        %get3A_549 = vector.shape_cast %get3A_548 : vector<1x16xf32> to vector<16xf32>
        %get3A_550 = arith.index_cast %add3A_513 : i32 to index
        %get3A_551 = arith.constant 48 : index
        %get3A_552 = tpu.vector_load %arg13[%get3A_550, %get3A_551] {strides = array<i32>} : memref<128x64xf32, #tpu.memory_space<vmem>>, vector<1x16xf32>,
        %get3A_553 = vector.shape_cast %get3A_552 : vector<1x16xf32> to vector<16xf32>
        %sub3A_554 = arith.subf %get3A_549, %get3A_553 : vector<16xf32>
        %mul3A_555 = arith.mulf %sub3A_554, %sub3A_554 : vector<16xf32>
        %add3A_556 = arith.addf %add3A_545, %mul3A_555 : vector<16xf32>
        %mul3A_557 = arith.constant 2 : i32
        %mul3A_558 = arith.muli %mul3A_557, %scan3A_133 : i32
        %add3A_559 = arith.constant 0 : i32
        %add3A_560 = arith.addi %mul3A_558, %add3A_559 : i32
        %swap3A_561 = arith.index_cast %add3A_560 : i32 to index
        %swap3A_562 = arith.constant 112 : index
        %swap3A_563 = tpu.vector_load %arg15[%swap3A_561, %swap3A_562] {strides = array<i32>} : memref<16x128xf32, #tpu.memory_space<vmem>>, vector<1x16xf32>,
        %swap3A_564 = vector.shape_cast %swap3A_563 : vector<1x16xf32> to vector<16xf32>
        %swap3A_565 = vector.shape_cast %add3A_556 : vector<16xf32> to vector<1x16xf32>
        tpu.vector_store %arg15[%swap3A_561, %swap3A_562], %swap3A_565 {strides = array<i32>} : memref<16x128xf32, #tpu.memory_space<vmem>>, vector<1x16xf32>,
        %add3A_566 = arith.constant 8 : i32
        %add3A_567 = arith.addi %mul3A_135, %add3A_566 : i32
        %get3A_568 = arith.index_cast %add3A_567 : i32 to index
        %get3A_569 = arith.constant 0 : index
        %get3A_570 = tpu.vector_load %arg12[%get3A_568, %get3A_569] {strides = array<i32>} : memref<128x64xf32, #tpu.memory_space<vmem>>, vector<1x16xf32>,
        %get3A_571 = vector.shape_cast %get3A_570 : vector<1x16xf32> to vector<16xf32>
        %get3A_572 = arith.index_cast %add3A_567 : i32 to index
        %get3A_573 = arith.constant 0 : index
        %get3A_574 = tpu.vector_load %arg13[%get3A_572, %get3A_573] {strides = array<i32>} : memref<128x64xf32, #tpu.memory_space<vmem>>, vector<1x16xf32>,
        %get3A_575 = vector.shape_cast %get3A_574 : vector<1x16xf32> to vector<16xf32>
        %sub3A_576 = arith.subf %get3A_571, %get3A_575 : vector<16xf32>
        %mul3A_577 = arith.mulf %sub3A_576, %sub3A_576 : vector<16xf32>
        %get3A_578 = arith.index_cast %add3A_567 : i32 to index
        %get3A_579 = arith.constant 16 : index
        %get3A_580 = tpu.vector_load %arg12[%get3A_578, %get3A_579] {strides = array<i32>} : memref<128x64xf32, #tpu.memory_space<vmem>>, vector<1x16xf32>,
        %get3A_581 = vector.shape_cast %get3A_580 : vector<1x16xf32> to vector<16xf32>
        %get3A_582 = arith.index_cast %add3A_567 : i32 to index
        %get3A_583 = arith.constant 16 : index
        %get3A_584 = tpu.vector_load %arg13[%get3A_582, %get3A_583] {strides = array<i32>} : memref<128x64xf32, #tpu.memory_space<vmem>>, vector<1x16xf32>,
        %get3A_585 = vector.shape_cast %get3A_584 : vector<1x16xf32> to vector<16xf32>
        %sub3A_586 = arith.subf %get3A_581, %get3A_585 : vector<16xf32>
        %mul3A_587 = arith.mulf %sub3A_586, %sub3A_586 : vector<16xf32>
        %add3A_588 = arith.addf %mul3A_577, %mul3A_587 : vector<16xf32>
        %get3A_589 = arith.index_cast %add3A_567 : i32 to index
        %get3A_590 = arith.constant 32 : index
        %get3A_591 = tpu.vector_load %arg12[%get3A_589, %get3A_590] {strides = array<i32>} : memref<128x64xf32, #tpu.memory_space<vmem>>, vector<1x16xf32>,
        %get3A_592 = vector.shape_cast %get3A_591 : vector<1x16xf32> to vector<16xf32>
        %get3A_593 = arith.index_cast %add3A_567 : i32 to index
        %get3A_594 = arith.constant 32 : index
        %get3A_595 = tpu.vector_load %arg13[%get3A_593, %get3A_594] {strides = array<i32>} : memref<128x64xf32, #tpu.memory_space<vmem>>, vector<1x16xf32>,
        %get3A_596 = vector.shape_cast %get3A_595 : vector<1x16xf32> to vector<16xf32>
        %sub3A_597 = arith.subf %get3A_592, %get3A_596 : vector<16xf32>
        %mul3A_598 = arith.mulf %sub3A_597, %sub3A_597 : vector<16xf32>
        %add3A_599 = arith.addf %add3A_588, %mul3A_598 : vector<16xf32>
        %get3A_600 = arith.index_cast %add3A_567 : i32 to index
        %get3A_601 = arith.constant 48 : index
        %get3A_602 = tpu.vector_load %arg12[%get3A_600, %get3A_601] {strides = array<i32>} : memref<128x64xf32, #tpu.memory_space<vmem>>, vector<1x16xf32>,
        %get3A_603 = vector.shape_cast %get3A_602 : vector<1x16xf32> to vector<16xf32>
        %get3A_604 = arith.index_cast %add3A_567 : i32 to index
        %get3A_605 = arith.constant 48 : index
        %get3A_606 = tpu.vector_load %arg13[%get3A_604, %get3A_605] {strides = array<i32>} : memref<128x64xf32, #tpu.memory_space<vmem>>, vector<1x16xf32>,
        %get3A_607 = vector.shape_cast %get3A_606 : vector<1x16xf32> to vector<16xf32>
        %sub3A_608 = arith.subf %get3A_603, %get3A_607 : vector<16xf32>
        %mul3A_609 = arith.mulf %sub3A_608, %sub3A_608 : vector<16xf32>
        %add3A_610 = arith.addf %add3A_599, %mul3A_609 : vector<16xf32>
        %mul3A_611 = arith.constant 2 : i32
        %mul3A_612 = arith.muli %mul3A_611, %scan3A_133 : i32
        %add3A_613 = arith.constant 1 : i32
        %add3A_614 = arith.addi %mul3A_612, %add3A_613 : i32
        %swap3A_615 = arith.index_cast %add3A_614 : i32 to index
        %swap3A_616 = arith.constant 0 : index
        %swap3A_617 = tpu.vector_load %arg15[%swap3A_615, %swap3A_616] {strides = array<i32>} : memref<16x128xf32, #tpu.memory_space<vmem>>, vector<1x16xf32>,
        %swap3A_618 = vector.shape_cast %swap3A_617 : vector<1x16xf32> to vector<16xf32>
        %swap3A_619 = vector.shape_cast %add3A_610 : vector<16xf32> to vector<1x16xf32>
        tpu.vector_store %arg15[%swap3A_615, %swap3A_616], %swap3A_619 {strides = array<i32>} : memref<16x128xf32, #tpu.memory_space<vmem>>, vector<1x16xf32>,
        %add3A_620 = arith.constant 9 : i32
        %add3A_621 = arith.addi %mul3A_135, %add3A_620 : i32
        %get3A_622 = arith.index_cast %add3A_621 : i32 to index
        %get3A_623 = arith.constant 0 : index
        %get3A_624 = tpu.vector_load %arg12[%get3A_622, %get3A_623] {strides = array<i32>} : memref<128x64xf32, #tpu.memory_space<vmem>>, vector<1x16xf32>,
        %get3A_625 = vector.shape_cast %get3A_624 : vector<1x16xf32> to vector<16xf32>
        %get3A_626 = arith.index_cast %add3A_621 : i32 to index
        %get3A_627 = arith.constant 0 : index
        %get3A_628 = tpu.vector_load %arg13[%get3A_626, %get3A_627] {strides = array<i32>} : memref<128x64xf32, #tpu.memory_space<vmem>>, vector<1x16xf32>,
        %get3A_629 = vector.shape_cast %get3A_628 : vector<1x16xf32> to vector<16xf32>
        %sub3A_630 = arith.subf %get3A_625, %get3A_629 : vector<16xf32>
        %mul3A_631 = arith.mulf %sub3A_630, %sub3A_630 : vector<16xf32>
        %get3A_632 = arith.index_cast %add3A_621 : i32 to index
        %get3A_633 = arith.constant 16 : index
        %get3A_634 = tpu.vector_load %arg12[%get3A_632, %get3A_633] {strides = array<i32>} : memref<128x64xf32, #tpu.memory_space<vmem>>, vector<1x16xf32>,
        %get3A_635 = vector.shape_cast %get3A_634 : vector<1x16xf32> to vector<16xf32>
        %get3A_636 = arith.index_cast %add3A_621 : i32 to index
        %get3A_637 = arith.constant 16 : index
        %get3A_638 = tpu.vector_load %arg13[%get3A_636, %get3A_637] {strides = array<i32>} : memref<128x64xf32, #tpu.memory_space<vmem>>, vector<1x16xf32>,
        %get3A_639 = vector.shape_cast %get3A_638 : vector<1x16xf32> to vector<16xf32>
        %sub3A_640 = arith.subf %get3A_635, %get3A_639 : vector<16xf32>
        %mul3A_641 = arith.mulf %sub3A_640, %sub3A_640 : vector<16xf32>
        %add3A_642 = arith.addf %mul3A_631, %mul3A_641 : vector<16xf32>
        %get3A_643 = arith.index_cast %add3A_621 : i32 to index
        %get3A_644 = arith.constant 32 : index
        %get3A_645 = tpu.vector_load %arg12[%get3A_643, %get3A_644] {strides = array<i32>} : memref<128x64xf32, #tpu.memory_space<vmem>>, vector<1x16xf32>,
        %get3A_646 = vector.shape_cast %get3A_645 : vector<1x16xf32> to vector<16xf32>
        %get3A_647 = arith.index_cast %add3A_621 : i32 to index
        %get3A_648 = arith.constant 32 : index
        %get3A_649 = tpu.vector_load %arg13[%get3A_647, %get3A_648] {strides = array<i32>} : memref<128x64xf32, #tpu.memory_space<vmem>>, vector<1x16xf32>,
        %get3A_650 = vector.shape_cast %get3A_649 : vector<1x16xf32> to vector<16xf32>
        %sub3A_651 = arith.subf %get3A_646, %get3A_650 : vector<16xf32>
        %mul3A_652 = arith.mulf %sub3A_651, %sub3A_651 : vector<16xf32>
        %add3A_653 = arith.addf %add3A_642, %mul3A_652 : vector<16xf32>
        %get3A_654 = arith.index_cast %add3A_621 : i32 to index
        %get3A_655 = arith.constant 48 : index
        %get3A_656 = tpu.vector_load %arg12[%get3A_654, %get3A_655] {strides = array<i32>} : memref<128x64xf32, #tpu.memory_space<vmem>>, vector<1x16xf32>,
        %get3A_657 = vector.shape_cast %get3A_656 : vector<1x16xf32> to vector<16xf32>
        %get3A_658 = arith.index_cast %add3A_621 : i32 to index
        %get3A_659 = arith.constant 48 : index
        %get3A_660 = tpu.vector_load %arg13[%get3A_658, %get3A_659] {strides = array<i32>} : memref<128x64xf32, #tpu.memory_space<vmem>>, vector<1x16xf32>,
        %get3A_661 = vector.shape_cast %get3A_660 : vector<1x16xf32> to vector<16xf32>
        %sub3A_662 = arith.subf %get3A_657, %get3A_661 : vector<16xf32>
        %mul3A_663 = arith.mulf %sub3A_662, %sub3A_662 : vector<16xf32>
        %add3A_664 = arith.addf %add3A_653, %mul3A_663 : vector<16xf32>
        %mul3A_665 = arith.constant 2 : i32
        %mul3A_666 = arith.muli %mul3A_665, %scan3A_133 : i32
        %add3A_667 = arith.constant 1 : i32
        %add3A_668 = arith.addi %mul3A_666, %add3A_667 : i32
        %swap3A_669 = arith.index_cast %add3A_668 : i32 to index
        %swap3A_670 = arith.constant 16 : index
        %swap3A_671 = tpu.vector_load %arg15[%swap3A_669, %swap3A_670] {strides = array<i32>} : memref<16x128xf32, #tpu.memory_space<vmem>>, vector<1x16xf32>,
        %swap3A_672 = vector.shape_cast %swap3A_671 : vector<1x16xf32> to vector<16xf32>
        %swap3A_673 = vector.shape_cast %add3A_664 : vector<16xf32> to vector<1x16xf32>
        tpu.vector_store %arg15[%swap3A_669, %swap3A_670], %swap3A_673 {strides = array<i32>} : memref<16x128xf32, #tpu.memory_space<vmem>>, vector<1x16xf32>,
        %add3A_674 = arith.constant 10 : i32
        %add3A_675 = arith.addi %mul3A_135, %add3A_674 : i32
        %get3A_676 = arith.index_cast %add3A_675 : i32 to index
        %get3A_677 = arith.constant 0 : index
        %get3A_678 = tpu.vector_load %arg12[%get3A_676, %get3A_677] {strides = array<i32>} : memref<128x64xf32, #tpu.memory_space<vmem>>, vector<1x16xf32>,
        %get3A_679 = vector.shape_cast %get3A_678 : vector<1x16xf32> to vector<16xf32>
        %get3A_680 = arith.index_cast %add3A_675 : i32 to index
        %get3A_681 = arith.constant 0 : index
        %get3A_682 = tpu.vector_load %arg13[%get3A_680, %get3A_681] {strides = array<i32>} : memref<128x64xf32, #tpu.memory_space<vmem>>, vector<1x16xf32>,
        %get3A_683 = vector.shape_cast %get3A_682 : vector<1x16xf32> to vector<16xf32>
        %sub3A_684 = arith.subf %get3A_679, %get3A_683 : vector<16xf32>
        %mul3A_685 = arith.mulf %sub3A_684, %sub3A_684 : vector<16xf32>
        %get3A_686 = arith.index_cast %add3A_675 : i32 to index
        %get3A_687 = arith.constant 16 : index
        %get3A_688 = tpu.vector_load %arg12[%get3A_686, %get3A_687] {strides = array<i32>} : memref<128x64xf32, #tpu.memory_space<vmem>>, vector<1x16xf32>,
        %get3A_689 = vector.shape_cast %get3A_688 : vector<1x16xf32> to vector<16xf32>
        %get3A_690 = arith.index_cast %add3A_675 : i32 to index
        %get3A_691 = arith.constant 16 : index
        %get3A_692 = tpu.vector_load %arg13[%get3A_690, %get3A_691] {strides = array<i32>} : memref<128x64xf32, #tpu.memory_space<vmem>>, vector<1x16xf32>,
        %get3A_693 = vector.shape_cast %get3A_692 : vector<1x16xf32> to vector<16xf32>
        %sub3A_694 = arith.subf %get3A_689, %get3A_693 : vector<16xf32>
        %mul3A_695 = arith.mulf %sub3A_694, %sub3A_694 : vector<16xf32>
        %add3A_696 = arith.addf %mul3A_685, %mul3A_695 : vector<16xf32>
        %get3A_697 = arith.index_cast %add3A_675 : i32 to index
        %get3A_698 = arith.constant 32 : index
        %get3A_699 = tpu.vector_load %arg12[%get3A_697, %get3A_698] {strides = array<i32>} : memref<128x64xf32, #tpu.memory_space<vmem>>, vector<1x16xf32>,
        %get3A_700 = vector.shape_cast %get3A_699 : vector<1x16xf32> to vector<16xf32>
        %get3A_701 = arith.index_cast %add3A_675 : i32 to index
        %get3A_702 = arith.constant 32 : index
        %get3A_703 = tpu.vector_load %arg13[%get3A_701, %get3A_702] {strides = array<i32>} : memref<128x64xf32, #tpu.memory_space<vmem>>, vector<1x16xf32>,
        %get3A_704 = vector.shape_cast %get3A_703 : vector<1x16xf32> to vector<16xf32>
        %sub3A_705 = arith.subf %get3A_700, %get3A_704 : vector<16xf32>
        %mul3A_706 = arith.mulf %sub3A_705, %sub3A_705 : vector<16xf32>
        %add3A_707 = arith.addf %add3A_696, %mul3A_706 : vector<16xf32>
        %get3A_708 = arith.index_cast %add3A_675 : i32 to index
        %get3A_709 = arith.constant 48 : index
        %get3A_710 = tpu.vector_load %arg12[%get3A_708, %get3A_709] {strides = array<i32>} : memref<128x64xf32, #tpu.memory_space<vmem>>, vector<1x16xf32>,
        %get3A_711 = vector.shape_cast %get3A_710 : vector<1x16xf32> to vector<16xf32>
        %get3A_712 = arith.index_cast %add3A_675 : i32 to index
        %get3A_713 = arith.constant 48 : index
        %get3A_714 = tpu.vector_load %arg13[%get3A_712, %get3A_713] {strides = array<i32>} : memref<128x64xf32, #tpu.memory_space<vmem>>, vector<1x16xf32>,
        %get3A_715 = vector.shape_cast %get3A_714 : vector<1x16xf32> to vector<16xf32>
        %sub3A_716 = arith.subf %get3A_711, %get3A_715 : vector<16xf32>
        %mul3A_717 = arith.mulf %sub3A_716, %sub3A_716 : vector<16xf32>
        %add3A_718 = arith.addf %add3A_707, %mul3A_717 : vector<16xf32>
        %mul3A_719 = arith.constant 2 : i32
        %mul3A_720 = arith.muli %mul3A_719, %scan3A_133 : i32
        %add3A_721 = arith.constant 1 : i32
        %add3A_722 = arith.addi %mul3A_720, %add3A_721 : i32
        %swap3A_723 = arith.index_cast %add3A_722 : i32 to index
        %swap3A_724 = arith.constant 32 : index
        %swap3A_725 = tpu.vector_load %arg15[%swap3A_723, %swap3A_724] {strides = array<i32>} : memref<16x128xf32, #tpu.memory_space<vmem>>, vector<1x16xf32>,
        %swap3A_726 = vector.shape_cast %swap3A_725 : vector<1x16xf32> to vector<16xf32>
        %swap3A_727 = vector.shape_cast %add3A_718 : vector<16xf32> to vector<1x16xf32>
        tpu.vector_store %arg15[%swap3A_723, %swap3A_724], %swap3A_727 {strides = array<i32>} : memref<16x128xf32, #tpu.memory_space<vmem>>, vector<1x16xf32>,
        %add3A_728 = arith.constant 11 : i32
        %add3A_729 = arith.addi %mul3A_135, %add3A_728 : i32
        %get3A_730 = arith.index_cast %add3A_729 : i32 to index
        %get3A_731 = arith.constant 0 : index
        %get3A_732 = tpu.vector_load %arg12[%get3A_730, %get3A_731] {strides = array<i32>} : memref<128x64xf32, #tpu.memory_space<vmem>>, vector<1x16xf32>,
        %get3A_733 = vector.shape_cast %get3A_732 : vector<1x16xf32> to vector<16xf32>
        %get3A_734 = arith.index_cast %add3A_729 : i32 to index
        %get3A_735 = arith.constant 0 : index
        %get3A_736 = tpu.vector_load %arg13[%get3A_734, %get3A_735] {strides = array<i32>} : memref<128x64xf32, #tpu.memory_space<vmem>>, vector<1x16xf32>,
        %get3A_737 = vector.shape_cast %get3A_736 : vector<1x16xf32> to vector<16xf32>
        %sub3A_738 = arith.subf %get3A_733, %get3A_737 : vector<16xf32>
        %mul3A_739 = arith.mulf %sub3A_738, %sub3A_738 : vector<16xf32>
        %get3A_740 = arith.index_cast %add3A_729 : i32 to index
        %get3A_741 = arith.constant 16 : index
        %get3A_742 = tpu.vector_load %arg12[%get3A_740, %get3A_741] {strides = array<i32>} : memref<128x64xf32, #tpu.memory_space<vmem>>, vector<1x16xf32>,
        %get3A_743 = vector.shape_cast %get3A_742 : vector<1x16xf32> to vector<16xf32>
        %get3A_744 = arith.index_cast %add3A_729 : i32 to index
        %get3A_745 = arith.constant 16 : index
        %get3A_746 = tpu.vector_load %arg13[%get3A_744, %get3A_745] {strides = array<i32>} : memref<128x64xf32, #tpu.memory_space<vmem>>, vector<1x16xf32>,
        %get3A_747 = vector.shape_cast %get3A_746 : vector<1x16xf32> to vector<16xf32>
        %sub3A_748 = arith.subf %get3A_743, %get3A_747 : vector<16xf32>
        %mul3A_749 = arith.mulf %sub3A_748, %sub3A_748 : vector<16xf32>
        %add3A_750 = arith.addf %mul3A_739, %mul3A_749 : vector<16xf32>
        %get3A_751 = arith.index_cast %add3A_729 : i32 to index
        %get3A_752 = arith.constant 32 : index
        %get3A_753 = tpu.vector_load %arg12[%get3A_751, %get3A_752] {strides = array<i32>} : memref<128x64xf32, #tpu.memory_space<vmem>>, vector<1x16xf32>,
        %get3A_754 = vector.shape_cast %get3A_753 : vector<1x16xf32> to vector<16xf32>
        %get3A_755 = arith.index_cast %add3A_729 : i32 to index
        %get3A_756 = arith.constant 32 : index
        %get3A_757 = tpu.vector_load %arg13[%get3A_755, %get3A_756] {strides = array<i32>} : memref<128x64xf32, #tpu.memory_space<vmem>>, vector<1x16xf32>,
        %get3A_758 = vector.shape_cast %get3A_757 : vector<1x16xf32> to vector<16xf32>
        %sub3A_759 = arith.subf %get3A_754, %get3A_758 : vector<16xf32>
        %mul3A_760 = arith.mulf %sub3A_759, %sub3A_759 : vector<16xf32>
        %add3A_761 = arith.addf %add3A_750, %mul3A_760 : vector<16xf32>
        %get3A_762 = arith.index_cast %add3A_729 : i32 to index
        %get3A_763 = arith.constant 48 : index
        %get3A_764 = tpu.vector_load %arg12[%get3A_762, %get3A_763] {strides = array<i32>} : memref<128x64xf32, #tpu.memory_space<vmem>>, vector<1x16xf32>,
        %get3A_765 = vector.shape_cast %get3A_764 : vector<1x16xf32> to vector<16xf32>
        %get3A_766 = arith.index_cast %add3A_729 : i32 to index
        %get3A_767 = arith.constant 48 : index
        %get3A_768 = tpu.vector_load %arg13[%get3A_766, %get3A_767] {strides = array<i32>} : memref<128x64xf32, #tpu.memory_space<vmem>>, vector<1x16xf32>,
        %get3A_769 = vector.shape_cast %get3A_768 : vector<1x16xf32> to vector<16xf32>
        %sub3A_770 = arith.subf %get3A_765, %get3A_769 : vector<16xf32>
        %mul3A_771 = arith.mulf %sub3A_770, %sub3A_770 : vector<16xf32>
        %add3A_772 = arith.addf %add3A_761, %mul3A_771 : vector<16xf32>
        %mul3A_773 = arith.constant 2 : i32
        %mul3A_774 = arith.muli %mul3A_773, %scan3A_133 : i32
        %add3A_775 = arith.constant 1 : i32
        %add3A_776 = arith.addi %mul3A_774, %add3A_775 : i32
        %swap3A_777 = arith.index_cast %add3A_776 : i32 to index
        %swap3A_778 = arith.constant 48 : index
        %swap3A_779 = tpu.vector_load %arg15[%swap3A_777, %swap3A_778] {strides = array<i32>} : memref<16x128xf32, #tpu.memory_space<vmem>>, vector<1x16xf32>,
        %swap3A_780 = vector.shape_cast %swap3A_779 : vector<1x16xf32> to vector<16xf32>
        %swap3A_781 = vector.shape_cast %add3A_772 : vector<16xf32> to vector<1x16xf32>
        tpu.vector_store %arg15[%swap3A_777, %swap3A_778], %swap3A_781 {strides = array<i32>} : memref<16x128xf32, #tpu.memory_space<vmem>>, vector<1x16xf32>,
        %add3A_782 = arith.constant 12 : i32
        %add3A_783 = arith.addi %mul3A_135, %add3A_782 : i32
        %get3A_784 = arith.index_cast %add3A_783 : i32 to index
        %get3A_785 = arith.constant 0 : index
        %get3A_786 = tpu.vector_load %arg12[%get3A_784, %get3A_785] {strides = array<i32>} : memref<128x64xf32, #tpu.memory_space<vmem>>, vector<1x16xf32>,
        %get3A_787 = vector.shape_cast %get3A_786 : vector<1x16xf32> to vector<16xf32>
        %get3A_788 = arith.index_cast %add3A_783 : i32 to index
        %get3A_789 = arith.constant 0 : index
        %get3A_790 = tpu.vector_load %arg13[%get3A_788, %get3A_789] {strides = array<i32>} : memref<128x64xf32, #tpu.memory_space<vmem>>, vector<1x16xf32>,
        %get3A_791 = vector.shape_cast %get3A_790 : vector<1x16xf32> to vector<16xf32>
        %sub3A_792 = arith.subf %get3A_787, %get3A_791 : vector<16xf32>
        %mul3A_793 = arith.mulf %sub3A_792, %sub3A_792 : vector<16xf32>
        %get3A_794 = arith.index_cast %add3A_783 : i32 to index
        %get3A_795 = arith.constant 16 : index
        %get3A_796 = tpu.vector_load %arg12[%get3A_794, %get3A_795] {strides = array<i32>} : memref<128x64xf32, #tpu.memory_space<vmem>>, vector<1x16xf32>,
        %get3A_797 = vector.shape_cast %get3A_796 : vector<1x16xf32> to vector<16xf32>
        %get3A_798 = arith.index_cast %add3A_783 : i32 to index
        %get3A_799 = arith.constant 16 : index
        %get3A_800 = tpu.vector_load %arg13[%get3A_798, %get3A_799] {strides = array<i32>} : memref<128x64xf32, #tpu.memory_space<vmem>>, vector<1x16xf32>,
        %get3A_801 = vector.shape_cast %get3A_800 : vector<1x16xf32> to vector<16xf32>
        %sub3A_802 = arith.subf %get3A_797, %get3A_801 : vector<16xf32>
        %mul3A_803 = arith.mulf %sub3A_802, %sub3A_802 : vector<16xf32>
        %add3A_804 = arith.addf %mul3A_793, %mul3A_803 : vector<16xf32>
        %get3A_805 = arith.index_cast %add3A_783 : i32 to index
        %get3A_806 = arith.constant 32 : index
        %get3A_807 = tpu.vector_load %arg12[%get3A_805, %get3A_806] {strides = array<i32>} : memref<128x64xf32, #tpu.memory_space<vmem>>, vector<1x16xf32>,
        %get3A_808 = vector.shape_cast %get3A_807 : vector<1x16xf32> to vector<16xf32>
        %get3A_809 = arith.index_cast %add3A_783 : i32 to index
        %get3A_810 = arith.constant 32 : index
        %get3A_811 = tpu.vector_load %arg13[%get3A_809, %get3A_810] {strides = array<i32>} : memref<128x64xf32, #tpu.memory_space<vmem>>, vector<1x16xf32>,
        %get3A_812 = vector.shape_cast %get3A_811 : vector<1x16xf32> to vector<16xf32>
        %sub3A_813 = arith.subf %get3A_808, %get3A_812 : vector<16xf32>
        %mul3A_814 = arith.mulf %sub3A_813, %sub3A_813 : vector<16xf32>
        %add3A_815 = arith.addf %add3A_804, %mul3A_814 : vector<16xf32>
        %get3A_816 = arith.index_cast %add3A_783 : i32 to index
        %get3A_817 = arith.constant 48 : index
        %get3A_818 = tpu.vector_load %arg12[%get3A_816, %get3A_817] {strides = array<i32>} : memref<128x64xf32, #tpu.memory_space<vmem>>, vector<1x16xf32>,
        %get3A_819 = vector.shape_cast %get3A_818 : vector<1x16xf32> to vector<16xf32>
        %get3A_820 = arith.index_cast %add3A_783 : i32 to index
        %get3A_821 = arith.constant 48 : index
        %get3A_822 = tpu.vector_load %arg13[%get3A_820, %get3A_821] {strides = array<i32>} : memref<128x64xf32, #tpu.memory_space<vmem>>, vector<1x16xf32>,
        %get3A_823 = vector.shape_cast %get3A_822 : vector<1x16xf32> to vector<16xf32>
        %sub3A_824 = arith.subf %get3A_819, %get3A_823 : vector<16xf32>
        %mul3A_825 = arith.mulf %sub3A_824, %sub3A_824 : vector<16xf32>
        %add3A_826 = arith.addf %add3A_815, %mul3A_825 : vector<16xf32>
        %mul3A_827 = arith.constant 2 : i32
        %mul3A_828 = arith.muli %mul3A_827, %scan3A_133 : i32
        %add3A_829 = arith.constant 1 : i32
        %add3A_830 = arith.addi %mul3A_828, %add3A_829 : i32
        %swap3A_831 = arith.index_cast %add3A_830 : i32 to index
        %swap3A_832 = arith.constant 64 : index
        %swap3A_833 = tpu.vector_load %arg15[%swap3A_831, %swap3A_832] {strides = array<i32>} : memref<16x128xf32, #tpu.memory_space<vmem>>, vector<1x16xf32>,
        %swap3A_834 = vector.shape_cast %swap3A_833 : vector<1x16xf32> to vector<16xf32>
        %swap3A_835 = vector.shape_cast %add3A_826 : vector<16xf32> to vector<1x16xf32>
        tpu.vector_store %arg15[%swap3A_831, %swap3A_832], %swap3A_835 {strides = array<i32>} : memref<16x128xf32, #tpu.memory_space<vmem>>, vector<1x16xf32>,
        %add3A_836 = arith.constant 13 : i32
        %add3A_837 = arith.addi %mul3A_135, %add3A_836 : i32
        %get3A_838 = arith.index_cast %add3A_837 : i32 to index
        %get3A_839 = arith.constant 0 : index
        %get3A_840 = tpu.vector_load %arg12[%get3A_838, %get3A_839] {strides = array<i32>} : memref<128x64xf32, #tpu.memory_space<vmem>>, vector<1x16xf32>,
        %get3A_841 = vector.shape_cast %get3A_840 : vector<1x16xf32> to vector<16xf32>
        %get3A_842 = arith.index_cast %add3A_837 : i32 to index
        %get3A_843 = arith.constant 0 : index
        %get3A_844 = tpu.vector_load %arg13[%get3A_842, %get3A_843] {strides = array<i32>} : memref<128x64xf32, #tpu.memory_space<vmem>>, vector<1x16xf32>,
        %get3A_845 = vector.shape_cast %get3A_844 : vector<1x16xf32> to vector<16xf32>
        %sub3A_846 = arith.subf %get3A_841, %get3A_845 : vector<16xf32>
        %mul3A_847 = arith.mulf %sub3A_846, %sub3A_846 : vector<16xf32>
        %get3A_848 = arith.index_cast %add3A_837 : i32 to index
        %get3A_849 = arith.constant 16 : index
        %get3A_850 = tpu.vector_load %arg12[%get3A_848, %get3A_849] {strides = array<i32>} : memref<128x64xf32, #tpu.memory_space<vmem>>, vector<1x16xf32>,
        %get3A_851 = vector.shape_cast %get3A_850 : vector<1x16xf32> to vector<16xf32>
        %get3A_852 = arith.index_cast %add3A_837 : i32 to index
        %get3A_853 = arith.constant 16 : index
        %get3A_854 = tpu.vector_load %arg13[%get3A_852, %get3A_853] {strides = array<i32>} : memref<128x64xf32, #tpu.memory_space<vmem>>, vector<1x16xf32>,
        %get3A_855 = vector.shape_cast %get3A_854 : vector<1x16xf32> to vector<16xf32>
        %sub3A_856 = arith.subf %get3A_851, %get3A_855 : vector<16xf32>
        %mul3A_857 = arith.mulf %sub3A_856, %sub3A_856 : vector<16xf32>
        %add3A_858 = arith.addf %mul3A_847, %mul3A_857 : vector<16xf32>
        %get3A_859 = arith.index_cast %add3A_837 : i32 to index
        %get3A_860 = arith.constant 32 : index
        %get3A_861 = tpu.vector_load %arg12[%get3A_859, %get3A_860] {strides = array<i32>} : memref<128x64xf32, #tpu.memory_space<vmem>>, vector<1x16xf32>,
        %get3A_862 = vector.shape_cast %get3A_861 : vector<1x16xf32> to vector<16xf32>
        %get3A_863 = arith.index_cast %add3A_837 : i32 to index
        %get3A_864 = arith.constant 32 : index
        %get3A_865 = tpu.vector_load %arg13[%get3A_863, %get3A_864] {strides = array<i32>} : memref<128x64xf32, #tpu.memory_space<vmem>>, vector<1x16xf32>,
        %get3A_866 = vector.shape_cast %get3A_865 : vector<1x16xf32> to vector<16xf32>
        %sub3A_867 = arith.subf %get3A_862, %get3A_866 : vector<16xf32>
        %mul3A_868 = arith.mulf %sub3A_867, %sub3A_867 : vector<16xf32>
        %add3A_869 = arith.addf %add3A_858, %mul3A_868 : vector<16xf32>
        %get3A_870 = arith.index_cast %add3A_837 : i32 to index
        %get3A_871 = arith.constant 48 : index
        %get3A_872 = tpu.vector_load %arg12[%get3A_870, %get3A_871] {strides = array<i32>} : memref<128x64xf32, #tpu.memory_space<vmem>>, vector<1x16xf32>,
        %get3A_873 = vector.shape_cast %get3A_872 : vector<1x16xf32> to vector<16xf32>
        %get3A_874 = arith.index_cast %add3A_837 : i32 to index
        %get3A_875 = arith.constant 48 : index
        %get3A_876 = tpu.vector_load %arg13[%get3A_874, %get3A_875] {strides = array<i32>} : memref<128x64xf32, #tpu.memory_space<vmem>>, vector<1x16xf32>,
        %get3A_877 = vector.shape_cast %get3A_876 : vector<1x16xf32> to vector<16xf32>
        %sub3A_878 = arith.subf %get3A_873, %get3A_877 : vector<16xf32>
        %mul3A_879 = arith.mulf %sub3A_878, %sub3A_878 : vector<16xf32>
        %add3A_880 = arith.addf %add3A_869, %mul3A_879 : vector<16xf32>
        %mul3A_881 = arith.constant 2 : i32
        %mul3A_882 = arith.muli %mul3A_881, %scan3A_133 : i32
        %add3A_883 = arith.constant 1 : i32
        %add3A_884 = arith.addi %mul3A_882, %add3A_883 : i32
        %swap3A_885 = arith.index_cast %add3A_884 : i32 to index
        %swap3A_886 = arith.constant 80 : index
        %swap3A_887 = tpu.vector_load %arg15[%swap3A_885, %swap3A_886] {strides = array<i32>} : memref<16x128xf32, #tpu.memory_space<vmem>>, vector<1x16xf32>,
        %swap3A_888 = vector.shape_cast %swap3A_887 : vector<1x16xf32> to vector<16xf32>
        %swap3A_889 = vector.shape_cast %add3A_880 : vector<16xf32> to vector<1x16xf32>
        tpu.vector_store %arg15[%swap3A_885, %swap3A_886], %swap3A_889 {strides = array<i32>} : memref<16x128xf32, #tpu.memory_space<vmem>>, vector<1x16xf32>,
        %add3A_890 = arith.constant 14 : i32
        %add3A_891 = arith.addi %mul3A_135, %add3A_890 : i32
        %get3A_892 = arith.index_cast %add3A_891 : i32 to index
        %get3A_893 = arith.constant 0 : index
        %get3A_894 = tpu.vector_load %arg12[%get3A_892, %get3A_893] {strides = array<i32>} : memref<128x64xf32, #tpu.memory_space<vmem>>, vector<1x16xf32>,
        %get3A_895 = vector.shape_cast %get3A_894 : vector<1x16xf32> to vector<16xf32>
        %get3A_896 = arith.index_cast %add3A_891 : i32 to index
        %get3A_897 = arith.constant 0 : index
        %get3A_898 = tpu.vector_load %arg13[%get3A_896, %get3A_897] {strides = array<i32>} : memref<128x64xf32, #tpu.memory_space<vmem>>, vector<1x16xf32>,
        %get3A_899 = vector.shape_cast %get3A_898 : vector<1x16xf32> to vector<16xf32>
        %sub3A_900 = arith.subf %get3A_895, %get3A_899 : vector<16xf32>
        %mul3A_901 = arith.mulf %sub3A_900, %sub3A_900 : vector<16xf32>
        %get3A_902 = arith.index_cast %add3A_891 : i32 to index
        %get3A_903 = arith.constant 16 : index
        %get3A_904 = tpu.vector_load %arg12[%get3A_902, %get3A_903] {strides = array<i32>} : memref<128x64xf32, #tpu.memory_space<vmem>>, vector<1x16xf32>,
        %get3A_905 = vector.shape_cast %get3A_904 : vector<1x16xf32> to vector<16xf32>
        %get3A_906 = arith.index_cast %add3A_891 : i32 to index
        %get3A_907 = arith.constant 16 : index
        %get3A_908 = tpu.vector_load %arg13[%get3A_906, %get3A_907] {strides = array<i32>} : memref<128x64xf32, #tpu.memory_space<vmem>>, vector<1x16xf32>,
        %get3A_909 = vector.shape_cast %get3A_908 : vector<1x16xf32> to vector<16xf32>
        %sub3A_910 = arith.subf %get3A_905, %get3A_909 : vector<16xf32>
        %mul3A_911 = arith.mulf %sub3A_910, %sub3A_910 : vector<16xf32>
        %add3A_912 = arith.addf %mul3A_901, %mul3A_911 : vector<16xf32>
        %get3A_913 = arith.index_cast %add3A_891 : i32 to index
        %get3A_914 = arith.constant 32 : index
        %get3A_915 = tpu.vector_load %arg12[%get3A_913, %get3A_914] {strides = array<i32>} : memref<128x64xf32, #tpu.memory_space<vmem>>, vector<1x16xf32>,
        %get3A_916 = vector.shape_cast %get3A_915 : vector<1x16xf32> to vector<16xf32>
        %get3A_917 = arith.index_cast %add3A_891 : i32 to index
        %get3A_918 = arith.constant 32 : index
        %get3A_919 = tpu.vector_load %arg13[%get3A_917, %get3A_918] {strides = array<i32>} : memref<128x64xf32, #tpu.memory_space<vmem>>, vector<1x16xf32>,
        %get3A_920 = vector.shape_cast %get3A_919 : vector<1x16xf32> to vector<16xf32>
        %sub3A_921 = arith.subf %get3A_916, %get3A_920 : vector<16xf32>
        %mul3A_922 = arith.mulf %sub3A_921, %sub3A_921 : vector<16xf32>
        %add3A_923 = arith.addf %add3A_912, %mul3A_922 : vector<16xf32>
        %get3A_924 = arith.index_cast %add3A_891 : i32 to index
        %get3A_925 = arith.constant 48 : index
        %get3A_926 = tpu.vector_load %arg12[%get3A_924, %get3A_925] {strides = array<i32>} : memref<128x64xf32, #tpu.memory_space<vmem>>, vector<1x16xf32>,
        %get3A_927 = vector.shape_cast %get3A_926 : vector<1x16xf32> to vector<16xf32>
        %get3A_928 = arith.index_cast %add3A_891 : i32 to index
        %get3A_929 = arith.constant 48 : index
        %get3A_930 = tpu.vector_load %arg13[%get3A_928, %get3A_929] {strides = array<i32>} : memref<128x64xf32, #tpu.memory_space<vmem>>, vector<1x16xf32>,
        %get3A_931 = vector.shape_cast %get3A_930 : vector<1x16xf32> to vector<16xf32>
        %sub3A_932 = arith.subf %get3A_927, %get3A_931 : vector<16xf32>
        %mul3A_933 = arith.mulf %sub3A_932, %sub3A_932 : vector<16xf32>
        %add3A_934 = arith.addf %add3A_923, %mul3A_933 : vector<16xf32>
        %mul3A_935 = arith.constant 2 : i32
        %mul3A_936 = arith.muli %mul3A_935, %scan3A_133 : i32
        %add3A_937 = arith.constant 1 : i32
        %add3A_938 = arith.addi %mul3A_936, %add3A_937 : i32
        %swap3A_939 = arith.index_cast %add3A_938 : i32 to index
        %swap3A_940 = arith.constant 96 : index
        %swap3A_941 = tpu.vector_load %arg15[%swap3A_939, %swap3A_940] {strides = array<i32>} : memref<16x128xf32, #tpu.memory_space<vmem>>, vector<1x16xf32>,
        %swap3A_942 = vector.shape_cast %swap3A_941 : vector<1x16xf32> to vector<16xf32>
        %swap3A_943 = vector.shape_cast %add3A_934 : vector<16xf32> to vector<1x16xf32>
        tpu.vector_store %arg15[%swap3A_939, %swap3A_940], %swap3A_943 {strides = array<i32>} : memref<16x128xf32, #tpu.memory_space<vmem>>, vector<1x16xf32>,
        %add3A_944 = arith.constant 15 : i32
        %add3A_945 = arith.addi %mul3A_135, %add3A_944 : i32
        %get3A_946 = arith.index_cast %add3A_945 : i32 to index
        %get3A_947 = arith.constant 0 : index
        %get3A_948 = tpu.vector_load %arg12[%get3A_946, %get3A_947] {strides = array<i32>} : memref<128x64xf32, #tpu.memory_space<vmem>>, vector<1x16xf32>,
        %get3A_949 = vector.shape_cast %get3A_948 : vector<1x16xf32> to vector<16xf32>
        %get3A_950 = arith.index_cast %add3A_945 : i32 to index
        %get3A_951 = arith.constant 0 : index
        %get3A_952 = tpu.vector_load %arg13[%get3A_950, %get3A_951] {strides = array<i32>} : memref<128x64xf32, #tpu.memory_space<vmem>>, vector<1x16xf32>,
        %get3A_953 = vector.shape_cast %get3A_952 : vector<1x16xf32> to vector<16xf32>
        %sub3A_954 = arith.subf %get3A_949, %get3A_953 : vector<16xf32>
        %mul3A_955 = arith.mulf %sub3A_954, %sub3A_954 : vector<16xf32>
        %get3A_956 = arith.index_cast %add3A_945 : i32 to index
        %get3A_957 = arith.constant 16 : index
        %get3A_958 = tpu.vector_load %arg12[%get3A_956, %get3A_957] {strides = array<i32>} : memref<128x64xf32, #tpu.memory_space<vmem>>, vector<1x16xf32>,
        %get3A_959 = vector.shape_cast %get3A_958 : vector<1x16xf32> to vector<16xf32>
        %get3A_960 = arith.index_cast %add3A_945 : i32 to index
        %get3A_961 = arith.constant 16 : index
        %get3A_962 = tpu.vector_load %arg13[%get3A_960, %get3A_961] {strides = array<i32>} : memref<128x64xf32, #tpu.memory_space<vmem>>, vector<1x16xf32>,
        %get3A_963 = vector.shape_cast %get3A_962 : vector<1x16xf32> to vector<16xf32>
        %sub3A_964 = arith.subf %get3A_959, %get3A_963 : vector<16xf32>
        %mul3A_965 = arith.mulf %sub3A_964, %sub3A_964 : vector<16xf32>
        %add3A_966 = arith.addf %mul3A_955, %mul3A_965 : vector<16xf32>
        %get3A_967 = arith.index_cast %add3A_945 : i32 to index
        %get3A_968 = arith.constant 32 : index
        %get3A_969 = tpu.vector_load %arg12[%get3A_967, %get3A_968] {strides = array<i32>} : memref<128x64xf32, #tpu.memory_space<vmem>>, vector<1x16xf32>,
        %get3A_970 = vector.shape_cast %get3A_969 : vector<1x16xf32> to vector<16xf32>
        %get3A_971 = arith.index_cast %add3A_945 : i32 to index
        %get3A_972 = arith.constant 32 : index
        %get3A_973 = tpu.vector_load %arg13[%get3A_971, %get3A_972] {strides = array<i32>} : memref<128x64xf32, #tpu.memory_space<vmem>>, vector<1x16xf32>,
        %get3A_974 = vector.shape_cast %get3A_973 : vector<1x16xf32> to vector<16xf32>
        %sub3A_975 = arith.subf %get3A_970, %get3A_974 : vector<16xf32>
        %mul3A_976 = arith.mulf %sub3A_975, %sub3A_975 : vector<16xf32>
        %add3A_977 = arith.addf %add3A_966, %mul3A_976 : vector<16xf32>
        %get3A_978 = arith.index_cast %add3A_945 : i32 to index
        %get3A_979 = arith.constant 48 : index
        %get3A_980 = tpu.vector_load %arg12[%get3A_978, %get3A_979] {strides = array<i32>} : memref<128x64xf32, #tpu.memory_space<vmem>>, vector<1x16xf32>,
        %get3A_981 = vector.shape_cast %get3A_980 : vector<1x16xf32> to vector<16xf32>
        %get3A_982 = arith.index_cast %add3A_945 : i32 to index
        %get3A_983 = arith.constant 48 : index
        %get3A_984 = tpu.vector_load %arg13[%get3A_982, %get3A_983] {strides = array<i32>} : memref<128x64xf32, #tpu.memory_space<vmem>>, vector<1x16xf32>,
        %get3A_985 = vector.shape_cast %get3A_984 : vector<1x16xf32> to vector<16xf32>
        %sub3A_986 = arith.subf %get3A_981, %get3A_985 : vector<16xf32>
        %mul3A_987 = arith.mulf %sub3A_986, %sub3A_986 : vector<16xf32>
        %add3A_988 = arith.addf %add3A_977, %mul3A_987 : vector<16xf32>
        %mul3A_989 = arith.constant 2 : i32
        %mul3A_990 = arith.muli %mul3A_989, %scan3A_133 : i32
        %add3A_991 = arith.constant 1 : i32
        %add3A_992 = arith.addi %mul3A_990, %add3A_991 : i32
        %swap3A_993 = arith.index_cast %add3A_992 : i32 to index
        %swap3A_994 = arith.constant 112 : index
        %swap3A_995 = tpu.vector_load %arg15[%swap3A_993, %swap3A_994] {strides = array<i32>} : memref<16x128xf32, #tpu.memory_space<vmem>>, vector<1x16xf32>,
        %swap3A_996 = vector.shape_cast %swap3A_995 : vector<1x16xf32> to vector<16xf32>
        %swap3A_997 = vector.shape_cast %add3A_988 : vector<16xf32> to vector<1x16xf32>
        tpu.vector_store %arg15[%swap3A_993, %swap3A_994], %swap3A_997 {strides = array<i32>} : memref<16x128xf32, #tpu.memory_space<vmem>>, vector<1x16xf32>,
      }
      %scan3A_115 = arith.constant 8 : i32
      %add3A_116 = arith.constant 1 : i32
      %add3A_117 = arith.addi %mul3A_43, %add3A_116 : i32
      %lt3A_118 = arith.constant 16 : i32
      %lt3A_119 = arith.cmpi slt, %add3A_117, %lt3A_118 : i32
      %mul3A_120 = arith.constant 128 : i32
      %mul3A_121 = arith.muli %add3A_117, %mul3A_120 : i32
      %add3A_122 = arith.addi %mul3A_10, %mul3A_121 : i32
      %mul3A_123 = arith.constant 128 : i32
      %mul3A_124 = arith.muli %add3A_117, %mul3A_123 : i32
      %add3A_125 = arith.addi %sub3A_15, %mul3A_124 : i32
      %select_n3A_126 = arith.select %lt3A_119, %add3A_122, %add3A_125 : i32
      %shift_right_arithmetic3A_127 = arith.constant 3 : i32
      %shift_right_arithmetic3A_128 = arith.shrsi %select_n3A_126, %shift_right_arithmetic3A_127 : i32
      %dma_start3A_129 = arith.constant 0 : i32
      %dma_start3A_130 = tpu.memref_slice %arg7[%shift_right_arithmetic3A_128, %dma_start3A_129] : memref<40960x128xf32, #tpu.memory_space<hbm>> -> memref<16x128xf32, #tpu.memory_space<hbm>>
      %dma_start3A_131 = arith.constant 0 : i32
      %dma_start3A_132 = tpu.memref_slice %arg7[%shift_right_arithmetic3A_128, %dma_start3A_131] : memref<40960x128xf32, #tpu.memory_space<hbm>> -> memref<16x128xf32, #tpu.memory_space<hbm>>
      tpu.enqueue_dma source(%arg15 : memref<16x128xf32, #tpu.memory_space<vmem>>) target(%dma_start3A_132 : memref<16x128xf32, #tpu.memory_space<hbm>>) target_semaphore(%arg21 : memref<!tpu.dma_semaphore, #tpu.memory_space<semaphore_mem>>)
    }
    %scan3A_29 = arith.constant 40 : i32
    %dma_wait3A = arith.constant 0 : i32
    %dma_wait3A_30 = arith.constant 0 : i32
    %dma_wait3A_31 = tpu.memref_slice %arg7[%dma_wait3A, %dma_wait3A_30] : memref<40960x128xf32, #tpu.memory_space<hbm>> -> memref<16x128xf32, #tpu.memory_space<hbm>>
    %dma_wait3A_32 = arith.constant 0 : i32
    %dma_wait3A_33 = arith.constant 0 : i32
    %dma_wait3A_34 = tpu.memref_slice %arg7[%dma_wait3A_32, %dma_wait3A_33] : memref<40960x128xf32, #tpu.memory_space<hbm>> -> memref<16x128xf32, #tpu.memory_space<hbm>>
    tpu.wait_dma2 semaphore(%arg20 : memref<!tpu.dma_semaphore, #tpu.memory_space<semaphore_mem>>) src(%arg14 : memref<16x128xf32, #tpu.memory_space<vmem>>) dst(%dma_wait3A_34 : memref<16x128xf32, #tpu.memory_space<hbm>>)
    %dma_wait3A_35 = arith.constant 0 : i32
    %dma_wait3A_36 = arith.constant 0 : i32
    %dma_wait3A_37 = tpu.memref_slice %arg7[%dma_wait3A_35, %dma_wait3A_36] : memref<40960x128xf32, #tpu.memory_space<hbm>> -> memref<16x128xf32, #tpu.memory_space<hbm>>
    %dma_wait3A_38 = arith.constant 0 : i32
    %dma_wait3A_39 = arith.constant 0 : i32
    %dma_wait3A_40 = tpu.memref_slice %arg7[%dma_wait3A_38, %dma_wait3A_39] : memref<40960x128xf32, #tpu.memory_space<hbm>> -> memref<16x128xf32, #tpu.memory_space<hbm>>
    tpu.wait_dma2 semaphore(%arg21 : memref<!tpu.dma_semaphore, #tpu.memory_space<semaphore_mem>>) src(%arg15 : memref<16x128xf32, #tpu.memory_space<vmem>>) dst(%dma_wait3A_40 : memref<16x128xf32, #tpu.memory_space<hbm>>)
    return
  }
}

module attributes {stable_mosaic.version = 14 : i64} {
  func.func @_tc_body(%arg0: i32, %arg1: memref<4096x128xf32, #tpu.memory_space<vmem>>, %arg2: memref<1x1xf32, #tpu.memory_space<vmem>>) attributes {dimension_semantics = [#tpu.dimension_semantics<arbitrary>], iteration_bounds = array<i64: 10>, scalar_prefetch = 0 : i64, scratch_operands = 0 : i64, tpu.core_type = #tpu.core_type<tc>, window_params = [{transform_indices = @transform_0, window_bounds = array<i64: 4096, 128>}, {pipeline_mode = #tpu.pipeline_mode<synchronous>, transform_indices = @transform_1, window_bounds = array<i64: 1, 1>}]} {
    %get3A = arith.constant 0 : index
    %get3A_0 = arith.constant 0 : index
    %get3A_1 = vector.load %arg1[%get3A, %get3A_0] : memref<4096x128xf32, #tpu.memory_space<vmem>>, vector<4096x128xf32>
    %lt3A = arith.constant 2 : i32
    %lt3A_2 = arith.cmpi slt, %arg0, %lt3A : i32
    %iota3A = tpu.iota {dimensions = array<i32: 0>} : vector<128x8xi32>
    %iota3A_3 = tpu.iota {dimensions = array<i32: 1>} : vector<128x8xi32>
    %jit3A = arith.constant 16 : i32
    %div3A = vector.broadcast %jit3A : i32 to vector<128x8xi32>
    %div3A_4 = arith.divsi %iota3A, %div3A : vector<128x8xi32>
    %sign3A = arith.constant 0 : i32
    %sign3A_5 = vector.broadcast %sign3A : i32 to vector<128x8xi32>
    %sign3A_6 = arith.cmpi sgt, %iota3A, %sign3A_5 : vector<128x8xi32>
    %sign3A_7 = arith.extui %sign3A_6 : vector<128x8xi1> to vector<128x8xi32>
    %sign3A_8 = arith.constant 0 : i32
    %sign3A_9 = vector.broadcast %sign3A_8 : i32 to vector<128x8xi32>
    %sign3A_10 = arith.cmpi slt, %iota3A, %sign3A_9 : vector<128x8xi32>
    %sign3A_11 = arith.extui %sign3A_10 : vector<128x8xi1> to vector<128x8xi32>
    %sign3A_12 = arith.subi %sign3A_7, %sign3A_11 : vector<128x8xi32>
    %sign3A_13 = arith.constant 0 : i32
    %sign3A_14 = arith.cmpi sgt, %jit3A, %sign3A_13 : i32
    %sign3A_15 = arith.extui %sign3A_14 : i1 to i32
    %sign3A_16 = arith.constant 0 : i32
    %sign3A_17 = arith.cmpi slt, %jit3A, %sign3A_16 : i32
    %sign3A_18 = arith.extui %sign3A_17 : i1 to i32
    %sign3A_19 = arith.subi %sign3A_15, %sign3A_18 : i32
    %ne3A = vector.broadcast %sign3A_19 : i32 to vector<128x8xi32>
    %ne3A_20 = arith.cmpi ne, %sign3A_12, %ne3A : vector<128x8xi32>
    %rem3A = vector.broadcast %jit3A : i32 to vector<128x8xi32>
    %rem3A_21 = arith.remsi %iota3A, %rem3A : vector<128x8xi32>
    %ne3A_22 = arith.constant 0 : i32
    %ne3A_23 = vector.broadcast %ne3A_22 : i32 to vector<128x8xi32>
    %ne3A_24 = arith.cmpi ne, %rem3A_21, %ne3A_23 : vector<128x8xi32>
    %and3A = arith.andi %ne3A_20, %ne3A_24 : vector<128x8xi1>
    %sub3A = arith.constant 1 : i32
    %sub3A_25 = vector.broadcast %sub3A : i32 to vector<128x8xi32>
    %sub3A_26 = arith.subi %div3A_4, %sub3A_25 : vector<128x8xi32>
    %select_n3A = arith.select %and3A, %sub3A_26, %div3A_4 : vector<128x8xi1>, vector<128x8xi32>
    %eq3A = arith.cmpi eq, %select_n3A, %iota3A_3 : vector<128x8xi32>
    %convert_element_type3A = arith.extui %eq3A : vector<128x8xi1> to vector<128x8xi32>
    %convert_element_type3A_27 = arith.sitofp %convert_element_type3A : vector<128x8xi32> to vector<128x8xf32>
    %dot_general3A = arith.constant dense<0.000000e+00> : vector<4096x8xf32>
    %dot_general3A_28 = tpu.matmul %get3A_1, %convert_element_type3A_27, %dot_general3A {dimension_numbers = #tpu.dot_dimension_numbers<[1], [0], [0], [1], [0, 0, 1, 1], [], []>, precision = #tpu.contract_precision<fp32>, transpose_lhs_hint = false} : vector<4096x128xf32>, vector<128x8xf32>, vector<4096x8xf32> -> vector<4096x8xf32>
    %add3A = arith.constant 9.99999996E-13 : f32
    %add3A_29 = vector.broadcast %add3A : f32 to vector<4096x8xf32>
    %add3A_30 = arith.addf %dot_general3A_28, %add3A_29 : vector<4096x8xf32>
    %sqrt3A = math.sqrt %add3A_30 : vector<4096x8xf32>
    %sub3A_31 = arith.constant 1.000000e-01 : f32
    %sub3A_32 = vector.broadcast %sub3A_31 : f32 to vector<4096x8xf32>
    %sub3A_33 = arith.subf %sqrt3A, %sub3A_32 : vector<4096x8xf32>
    %max3A = arith.constant 0.000000e+00 : f32
    %max3A_34 = vector.broadcast %max3A : f32 to vector<4096x8xf32>
    %max3A_35 = arith.maximumf %sub3A_33, %max3A_34 : vector<4096x8xf32>
    %sub3A_36 = arith.constant 1.000000e+00 : f32
    %sub3A_37 = vector.broadcast %sub3A_36 : f32 to vector<4096x8xf32>
    %sub3A_38 = arith.subf %sub3A_37, %sqrt3A : vector<4096x8xf32>
    %max3A_39 = arith.constant 0.000000e+00 : f32
    %max3A_40 = vector.broadcast %max3A_39 : f32 to vector<4096x8xf32>
    %max3A_41 = arith.maximumf %sub3A_38, %max3A_40 : vector<4096x8xf32>
    %select_n3A_42 = arith.select %lt3A_2, %max3A_35, %max3A_41 : vector<4096x8xf32>
    %mul3A = arith.mulf %select_n3A_42, %select_n3A_42 : vector<4096x8xf32>
    %reduce_sum3A = vector.shape_cast %mul3A : vector<4096x8xf32> to vector<1x4096x8xf32>
    %reduce_sum3A_43 = arith.constant dense<0.000000e+00> : vector<1xf32>
    %reduce_sum3A_44 = vector.multi_reduction <add>, %reduce_sum3A, %reduce_sum3A_43 [1, 2] : vector<1x4096x8xf32> to vector<1xf32>
    %reduce_sum3A_45 = vector.shape_cast %reduce_sum3A_44 : vector<1xf32> to vector<1x1x1xf32>
    %reduce_sum3A_46 = vector.extract %reduce_sum3A_45[0, 0, 0] : f32 from vector<1x1x1xf32>
    %get3A_47 = arith.constant 0 : index
    %get3A_48 = arith.constant 0 : index
    %get3A_49 = vector.load %arg2[%get3A_47, %get3A_48] : memref<1x1xf32, #tpu.memory_space<vmem>>, vector<1x1xf32>
    %eq3A_50 = arith.constant 0 : i32
    %eq3A_51 = arith.cmpi eq, %arg0, %eq3A_50 : i32
    %squeeze3A = vector.extract %get3A_49[0, 0] : f32 from vector<1x1xf32>
    %add3A_52 = arith.addf %squeeze3A, %reduce_sum3A_46 : f32
    %select_n3A_53 = arith.select %eq3A_51, %reduce_sum3A_46, %add3A_52 : f32
    %broadcast_in_dim3A = vector.broadcast %select_n3A_53 : f32 to vector<1x1xf32>
    %swap3A = arith.constant 0 : index
    %swap3A_54 = arith.constant 0 : index
    %swap3A_55 = vector.load %arg2[%swap3A, %swap3A_54] : memref<1x1xf32, #tpu.memory_space<vmem>>, vector<1x1xf32>
    tpu.vector_store %arg2[%swap3A, %swap3A_54], %broadcast_in_dim3A {strides = array<i32>} : memref<1x1xf32, #tpu.memory_space<vmem>>, vector<1x1xf32>,
    return
  }
  func.func @transform_0(%arg0: i32) -> (i32, i32) {
    %c0_i32 = arith.constant 0 : i32
    %c0_i32_0 = arith.constant 0 : i32
    return %arg0, %c0_i32 : i32, i32
  }
  func.func @transform_1(%arg0: i32) -> (i32, i32) {
    %c0_i32 = arith.constant 0 : i32
    %c0_i32_0 = arith.constant 0 : i32
    %c0_i32_1 = arith.constant 0 : i32
    return %c0_i32, %c0_i32_0 : i32, i32
  }
}

</mosaic_0001>

<sc_bundles>
// kernel: kernel.4.cloned.1.call-start
scs
__scs_entry_jumppad:
0x0: {  	(pc) =	sbr.rel $0x88, $3  }
0x1: {  	(tag) =	ssettag $0x0;
	lr =	simm.s32 $0x1  }
0x2: {  	[smem:$0x3F9C] =	sst lr;
	_ =	strace $0xD0000000  }
0x3: {  	_ = 	snop  }
0x4: {  	_ = 	snop  }
0x5: {  	_ = 	snop  }
0x6: {  	_ = 	snop  }
0x7: {  	_ = 	snop  }
__scs_overlays_trampoline_lowered:
0x8: {  	[smem:$0x3FAB] =	sst s0  }
0x9: {  	[smem:$0x3FAC] =	sst s1  }
0xa: {  	[smem:$0x3FAD] =	sst s2  }
0xb: {  	[smem:$0x3FAE] =	sst s3  }
0xc: {  	[smem:$0x3FAF] =	sst s4  }
0xd: {  	[smem:$0x3FB0] =	sst s5  }
0xe: {  	[smem:$0x3FB1] =	sst s6  }
0xf: {  	[smem:$0x3FB2] =	sst s7  }
0x10: {  	[smem:$0x3FB3] =	sst s8  }
0x11: {  	[smem:$0x3FB4] =	sst s9;
	s0 =	simm.s32 @!p0 $0x0  }
0x12: {  	s1 =	sld [smem:$0x3F9A];
	s0 =	simm.s32 @p0 $0x1  }
0x13: {  	[smem:$0x3FB5] =	sst s0;
	s0 =	simm.s32 @!p1 $0x0  }
0x14: {  	s2 =	sld [smem:$0x3F99];
	s0 =	simm.s32 @p1 $0x1  }
0x15: {  	[smem:$0x3FB6] =	sst s0;
	s0 =	simm.s32 @!p2 $0x0  }
0x16: {  	s3 =	sld [smem:$0x3FDB];
	s0 =	simm.s32 @p2 $0x1  }
0x17: {  	s4 =	simm.s32 $0x1BF5;
	[smem:$0x3FB8] =	sst s0  }
0x18: {  	s0 =	sld [smem:$0x3F9B];
	_ =	swait.ge [sflag:s4], $0x0  }
0x19: {  	s7 =	sld [smem:$0x3F9C]  }
0x1a: {  	s8 =	sadd.s32 $0xFFFFE003, lr  }
0x1b: {  	s9 =	sadd.s32 $0xFFFFFEF7, lr;
	s5 =	simm.s32 $0xFFFFFFFF;
	p2 =	slt.u32 s8, $0xFFFFF086  }
0x1c: {  	p1 =	slt.u32 s9, $0xF7A;
	s5 =	simm.s32 @!p2 $0x0  }
0x1d: {  	s5 =	simm.s32 @p1 $0x1;
	p0 =	seq.s32 s7, s2  }
0x1e: {  	s7 =	smul.u32 @!p0 $0xF7A, s2;
	p2 =	seq.s32 @!p0 s5, $0x0  }
0x1f: {  	s9 =	smul.u32 $0xF7A, s1;
	s8 =	simm.s32 @!p0 $0x1BF5;
	p2 =	por !p2, p0  }
0x20: {  	[sflag:s8] =	ssyncset.s32 @!p0 $0xFFFFF086;
	s6 =	sadd.s32 @!p0 s3, s7;
	s7 =	simm.s32 @!p0 $0x108  }
0x21: {  	s3 =	sadd.s32 s3, s9;
	s6 =	sadd.s32 @!p0 $0x88, s6;
	s7 =	simm.s32 @p2 $0x1082  }
0x22: {  	[simem:s7], [sflag:s8] =	dma.local @!p0 [hbm:s6], $0xF7A  }
0x23: {  	s9 =	sor.u32 $0xD0000000, s2;
	s6 =	simm.s32 $0x108;
	_ =	swait.ge @!p0 [sflag:s8], $0x0  }
0x24: {  	s3 =	sadd.s32 $0x88, s3;
	s6 =	simm.s32 @!p1 $0x1082;
	[sflag:s4] =	ssyncset.s32 $0xFFFFF086  }
0x25: {  	[simem:s6], [sflag:s4] =	dma.local [hbm:s3], $0xF7A  }
0x26: {  	[smem:$0x3F9C] =	sst s1;
	(tag) =	ssettag s2;
	_ =	strace s9  }
0x27: {  	s1 =	sld [smem:$0x3FAC]  }
0x28: {  	s2 =	sld [smem:$0x3FAD]  }
0x29: {  	s4 =	sld [smem:$0x3FAF]  }
0x2a: {  	p0 =	seq.s32 s5, $0x0;
	s5 =	sld [smem:$0x3FB0]  }
0x2b: {  	s6 =	sld [smem:$0x3FB1]  }
0x2c: {  	s7 =	sld [smem:$0x3FB2]  }
0x2d: {  	s3 =	simm.s32 $0x108;
	s8 =	sld [smem:$0x3FB3]  }
0x2e: {  	s3 =	simm.s32 @!p0 $0x1082;
	s9 =	sld [smem:$0x3FB4]  }
0x2f: {  	lr =	sadd.s32 s0, s3;
	s0 =	sld [smem:$0x3FAB]  }
0x30: {  	s3 =	sld [smem:$0x3FAE]  }
0x31: {  	[smem:$0x3FB7] =	sst s10  }
0x32: {  	s10 =	sld [smem:$0x3FB5];
	_ =	sdelay $0x3  }
0x33: {  	p0 =	seq.s32 s10, $0x1;
	s10 =	sld [smem:$0x3FB7];
	_ =	sdelay $0x3  }
0x34: {  	[smem:$0x3FB7] =	sst s10  }
0x35: {  	s10 =	sld [smem:$0x3FB6];
	_ =	sdelay $0x3  }
0x36: {  	p1 =	seq.s32 s10, $0x1;
	s10 =	sld [smem:$0x3FB7];
	_ =	sdelay $0x3  }
0x37: {  	[smem:$0x3FB7] =	sst s10  }
0x38: {  	s10 =	sld [smem:$0x3FB8]  }
0x39: {  	_ = 	snop;
	(pc) =	sbr.ind lr, $3  }
0x3a: {  	_ = 	snop  }
0x3b: {  	_ = 	snop  }
0x3c: {  	p2 =	seq.s32 s10, $0x1;
	s10 =	sld [smem:$0x3FB7]  }
0x3d: {  	_ =	shalt  }
0x3e: {  	_ =	shalt  }
0x3f: {  	_ =	shalt  }
0x40: {  	_ =	shalt  }
0x41: {  	_ =	shalt  }
0x42: {  	_ =	shalt  }
0x43: {  	_ =	shalt  }
0x44: {  	_ =	shalt  }
0x45: {  	_ =	shalt  }
0x46: {  	_ =	shalt  }
0x47: {  	_ =	shalt  }
0x48: {  	_ =	shalt  }
0x49: {  	_ =	shalt  }
0x4a: {  	_ =	shalt  }
0x4b: {  	_ =	shalt  }
0x4c: {  	_ =	shalt  }
0x4d: {  	_ =	shalt  }
0x4e: {  	_ =	shalt  }
0x4f: {  	_ =	shalt  }
0x50: {  	_ =	shalt  }
0x51: {  	_ =	shalt  }
0x52: {  	_ =	shalt  }
0x53: {  	_ =	shalt  }
0x54: {  	_ =	shalt  }
0x55: {  	_ =	shalt  }
0x56: {  	_ =	shalt  }
0x57: {  	_ =	shalt  }
0x58: {  	_ =	shalt  }
0x59: {  	_ =	shalt  }
0x5a: {  	_ =	shalt  }
0x5b: {  	_ =	shalt  }
0x5c: {  	_ =	shalt  }
0x5d: {  	_ =	shalt  }
0x5e: {  	_ =	shalt  }
0x5f: {  	_ =	shalt  }
0x60: {  	_ =	shalt  }
0x61: {  	_ =	shalt  }
0x62: {  	_ =	shalt  }
0x63: {  	_ =	shalt  }
0x64: {  	_ =	shalt  }
0x65: {  	_ =	shalt  }
0x66: {  	_ =	shalt  }
0x67: {  	_ =	shalt  }
0x68: {  	_ =	shalt  }
0x69: {  	_ =	shalt  }
0x6a: {  	_ =	shalt  }
0x6b: {  	_ =	shalt  }
0x6c: {  	_ =	shalt  }
0x6d: {  	_ =	shalt  }
0x6e: {  	_ =	shalt  }
0x6f: {  	_ =	shalt  }
0x70: {  	_ =	shalt  }
0x71: {  	_ =	shalt  }
0x72: {  	_ =	shalt  }
0x73: {  	_ =	shalt  }
0x74: {  	_ =	shalt  }
0x75: {  	_ =	shalt  }
0x76: {  	_ =	shalt  }
0x77: {  	_ =	shalt  }
0x78: {  	_ =	shalt  }
0x79: {  	_ =	shalt  }
0x7a: {  	_ =	shalt  }
0x7b: {  	_ =	shalt  }
0x7c: {  	_ =	shalt  }
0x7d: {  	_ =	shalt  }
0x7e: {  	_ =	shalt  }
0x7f: {  	_ =	shalt  }
0x80: {  	_ =	shalt  }
0x81: {  	_ =	shalt  }
0x82: {  	_ =	shalt  }
0x83: {  	_ =	shalt  }
0x84: {  	_ =	shalt  }
0x85: {  	_ =	shalt  }
0x86: {  	_ =	shalt  }
0x87: {  	_ =	shalt  }
.Lfunc_end0:
.L_simem_size_0:
called_computation_lowered:
.L_overlay_start_0:
0x88: {  	s2 =	sld [smem:$0x3FD9]  }
0x89: {  	s3 =	sld [smem:$0x3FFE];
	_ =	sdelay $0x1  }
0x8a: {  	s1 =	srdreg.scid  }
0x8b: {  	s0 =	sand.u32 $0x1, s1  }
0x8c: {  	s17 =	sshll.u32 s0, $0xA;
	s2 =	sadd.s32 s3, s2  }
0x8d: {  	s2 =	sadd.s32 s2, s17  }
0x8e: {  	[smem:$0x3FC3] =	sst s2  }
0x8f: {  	_ = 	snop  }
0x90: {  	s2 =	sld [smem:$0x3FC8]  }
0x91: {  	s18 =	sld [smem:$0x3FC7]  }
0x92: {  	s4 =	sld [smem:$0x3FC6]  }
0x93: {  	s5 =	sld [smem:$0x3FC5];
	(tm) =	ssettm $0x1  }
0x94: {  	s6 =	sld [smem:$0x3FFB];
	_ =	sdelay $0x3  }
0x95: {  	_ =	strace s6  }
0x96: {  	s6 =	sld [smem:$0x3FFC];
	_ =	sdelay $0x3  }
0x97: {  	_ =	strace s6  }
0x98: {  	s6 =	sld [smem:$0x3FFD];
	_ =	sdelay $0x3  }
0x99: {  	_ =	strace s6  }
0x9a: {  	_ =	strace $0x8FFFFFFF  }
0x9b: {  	s19 =	sld [smem:$0x3FDB];
	_ =	sdelay $0x1  }
0x9c: {  	s7 =	simm.s32 $_scs_section_size  }
0x9d: {  	s8 =	simm.s32 $_size__tile_overlayer_lowered;
	s9 =	simm.s32 $_tile_overlayer_lowered  }
0x9e: {  	s22 =	simm.s32 $0x1BFF;
	s21 =	sshll.u32 s9, $0x1;
	s6 =	sadd.s32 s7, s19  }
0x9f: {  	s10 =	simm.s32 $0x0;
	s20 =	sshll.u32 s8, $0x1;
	s8 =	sadd.s32 s21, s6  }
0xa0: {  	[timem:s10], [sflag:s22] =	dma.local [hbm:s8], s20  }
0xa1: {  	_ =	swait.ge [sflag:s22], s20  }
0xa2: {  	s7 =	ssub.s32 $0x0, s20;
	[sflag:s22] =	ssyncset.done $0x0  }
0xa3: {  	[sflag:s22] =	ssyncadd.s32 s7;
	_ =	sdelay $0x1  }
0xa4: {  	s23 =	simm.s32 $0x1B8B  }
0xa5: {  	_ =	swait.ge [sflag:s23], $0x1  }
0xa6: {  	[sflag:s23] =	ssyncset.done $0x0  }
0xa7: {  	s25 =	simm.s32 $0x1B8E;
	s24 =	sld [smem:$0x3FFE];
	[sflag:s23] =	ssyncadd.s32 $0xFFFFFFFF  }
0xa8: {  	s26 =	simm.s32 $execute0_lowered;
	[smem:$0x3FD2] =	sst s25  }
0xa9: {  	s8 =	sshll.u32 s26, $0x1;
	_ =	strace $0x80000046;
	[dreg:$0x1] =	wrdreg $0xFFFFFFFF  }
0xaa: {  	s28 =	simm.s32 $_size_execute0_lowered;
	s6 =	sadd.s32 s6, s8;
	[dreg:$0x0] =	wrdreg $0x0  }
0xab: {  	s8 =	sshll.u32 s28, $0x1;
	[dreg:$0x2] =	wrdreg s6  }
0xac: {  	[dreg:$0x3] =	wrdreg s8  }
0xad: {  	[dreg:$0x4] =	wrdreg $0xC0  }
0xae: {  	_ =	task [dreg:s10], $0x5FFFF  }
0xaf: {  	[dreg:$0x1] =	wrdreg $0xFFFFFFFF  }
0xb0: {  	[dreg:$0x0] =	wrdreg $0x60  }
0xb1: {  	[dreg:$0x2] =	wrdreg s24  }
0xb2: {  	[dreg:$0x3] =	wrdreg s2  }
0xb3: {  	[dreg:$0x4] =	wrdreg s18  }
0xb4: {  	[dreg:$0x5] =	wrdreg s4  }
0xb5: {  	[dreg:$0x6] =	wrdreg s5  }
0xb6: {  	[dreg:$0x7] =	wrdreg $0x9  }
0xb7: {  	_ =	task.clear_ibuf [dreg:s10], $0x8FFFF;
	_ =	strace $0x90000046  }
0xb8: {  	s29 =	simm.s32 $0x9;
	_ =	strace $0x80000048  }
0xb9: {  	_ =	swait.ge [sflag:s29], $0x1  }
0xba: {  	[sflag:s29] =	ssyncadd.s32 $0xFFFFFFFF  }
0xbb: {  	_ =	strace $0x90000048  }
0xbc: {  	_ =	sfence  }
0xbd: {  	s30 =	sld [smem:$0x0];
	_ =	sdelay $0x2  }
0xbe: {  	s31 =	sshll.u32 s1, $0xD;
	s1 =	sshrl.u32 s1, $0x2  }
0xbf: {  	s3 =	sand.u32 $0x4000, s31;
	s1 =	sadd.s32 s1, s30  }
0xc0: {  	s0 =	sor.u32 s3, s0;
	s1 =	sshll.u32 s1, $0x11  }
0xc1: {  	s0 =	sor.u32 s1, s0  }
0xc2: {  	s0 =	sadd.s32 $0x8F2B, s0  }
0xc3: {  	[sflag:s0] =	ssyncadd.remote.s32 $0x1  }
0xc4: {  	_ =	sfence.sel $0xFFFF  }
0xc5: {  	[dreg:$0x0] =	wrdreg $0xFFFFFFFF;
	(pc) =	sbr.abs _section_cstart, $3  }
0xc6: {  	[dreg:$0x1] =	wrdreg $0xFFFFFFFF  }
0xc7: {  	_ =	task.clear_ibuf [dreg:s10], $0x2FFFF;
	_ =	strace $0x9FFFFFFF  }
0xc8: {  	(tm) =	ssettm $0x7FFFFFFF  }
0xc9: {  	_ =	shalt  }
tec
execute0_lowered:
.L_overlay_start_1:
0x0: {  	(tag) =	ssettag $0x1  }
0x1: {  	s0 =	rddreg [dreg:$0x0]  }
0x2: {  	s1 =	rddreg [dreg:$0x1]  }
0x3: {  	s7 =	rddreg [dreg:$0x2]  }
0x4: {  	s8 =	rddreg [dreg:$0x3]  }
0x5: {  	s9 =	rddreg [dreg:$0x4];
	s2 =	simm.s32 $0x0  }
0x6: {  	s3 =	srdreg.scid;
	s6 =	stileid.u32;
	s12 =	simm.s32 $0x7  }
0x7: {  	s13 =	simm.s32 $0x2800;
	s16 =	simm.s32 $0x80;
	s19 =	simm.s32 $0x9000  }
0x8: {  	s20 =	simm.s32 $0xB000;
	s21 =	simm.s32 $0x1;
	s22 =	simm.s32 $0x2  }
0x9: {  	s23 =	simm.s32 $0xD000;
	s28 =	simm.s32 $0x5;
	s29 =	simm.s32 $0x6  }
0xa: {  	s30 =	simm.s32 $0x0;
	[smem:$0x7FF] =	sst s2;
	s4 =	sand.u32 $0x1, s3  }
0xb: {  	s6 =	sshll.u32 s6, $0x1;
	s3 =	sadd.s32 $0x187000, s0;
	_ =	strace $0x80000047  }
0xc: {  	s5 =	ssub.s32 $0x2, s4;
	s11 =	sor.u32 s4, s6;
	s4 =	sadd.s32 $0x600, s0  }
0xd: {  	s10 =	sshrl.u32 s5, $0x1;
	s25 =	sshll.u32 s11, $0x8;
	s26 =	sshll.u32 s11, $0xA  }
0xe: {  	s31 =	sshll.u32 s11, $0xD;
	s24 =	ssub.s32 s5, s10;
	s5 =	sshll.u32 s11, $0xB  }
0xf: {  	s6 =	sadd.s32 s1, s25;
	s7 =	sadd.s32 s7, s25;
	s8 =	sadd.s32 s8, s26  }
0x10: {  	s9 =	sadd.s32 s9, s26;
	s14 =	sadd.s32 $0xF800, s31;
	s25 =	simm.s32 $0x4  }
0x11: {  	s26 =	simm.s32 $0xD800;
	s11 =	smax.u32 s24, $0x1;
	s24 =	simm.s32 $0x3  }
.LBB2_1:
0x12: {  	[tilespmem:s2], [sflag:$0x7] =	stream.linear.gather [hbm4b:s6+s2], $0x800, $0x38;
	[tilespmem:$0xE000] =	vst v63  }
0x13: {  	_ =	swait.ge [sflag:s12], $0x800  }
0x14: {  	[sflag:s12] =	ssyncset.done $0x0  }
0x15: {  	[sflag:s12] =	ssyncadd.s32 $0xFFFFF800  }
0x16: {  	[tilespmem:s13], [sflag:$0x7] =	stream.linear.gather [hbm4b:s7+s2], $0x800, $0x38;
	[tilespmem:$0xE000] =	vst v63  }
0x17: {  	_ =	swait.ge [sflag:s12], $0x800  }
0x18: {  	[sflag:s12] =	ssyncset.done $0x0  }
0x19: {  	s0 =	simm.s32 $0x800;
	[sflag:s12] =	ssyncadd.s32 $0xFFFFF800  }
0x1a: {  	[tilespmem:s0], [sflag:$0x7] =	stream.linear.gather [hbm4b:s8+s2], $0x2000, $0x38;
	[tilespmem:$0xE000] =	vst v63  }
0x1b: {  	_ =	swait.ge [sflag:s12], $0x2000  }
0x1c: {  	[sflag:s12] =	ssyncset.done $0x0  }
0x1d: {  	s17 =	simm.s32 $0x3000;
	[sflag:s12] =	ssyncadd.s32 $0xFFFFE000  }
0x1e: {  	[tilespmem:s17], [sflag:$0x7] =	stream.linear.gather [hbm4b:s9+s2], $0x2000, $0x38;
	[tilespmem:$0xE000] =	vst v63  }
0x1f: {  	_ =	swait.ge [sflag:s12], $0x2000  }
0x20: {  	[sflag:s12] =	ssyncset.done $0x0  }
0x21: {  	s18 =	simm.s32 $0x5000;
	[sflag:s12] =	ssyncadd.s32 $0xFFFFE000  }
0x22: {  	[tilespmem:s18], [sflag:$0x1] =	stream.indirect.gather [hbm4b:s3+s16], $0x40, s2, s16, $0xb8;
	[tilespmem:$0xE000] =	vst v63  }
0x23: {  	s31 =	simm.s32 $0x7000;
	s0 =	simm.s32 $0x0  }
0x24: {  	[tilespmem:s31], [sflag:$0x2] =	stream.indirect.gather [hbm4b:s3+s16], $0x40, s13, s16, $0xb8;
	[tilespmem:$0xE000] =	vst v63  }
.LBB2_2:
0x25: {  	s1 =	sshll.u32 s0, $0x8  }
0x26: {  	s31 =	sor.u32 $0x80, s1  }
0x27: {  	[tilespmem:s19], [sflag:$0x3] =	stream.indirect.gather [hbm4b:s3+s16], $0x40, s31, s16, $0xb8;
	[tilespmem:$0xE000] =	vst v63  }
0x28: {  	s10 =	sadd.s32 $0x2880, s1  }
0x29: {  	[tilespmem:s20], [sflag:$0x4] =	stream.indirect.gather [hbm4b:s3+s16], $0x40, s10, s16, $0xb8;
	[tilespmem:$0xE000] =	vst v63  }
0x2a: {  	_ =	swait.ge [sflag:s21], $0x2000  }
0x2b: {  	[sflag:s21] =	ssyncset.done $0x0  }
0x2c: {  	[sflag:s21] =	ssyncadd.s32 $0xFFFFE000  }
0x2d: {  	_ =	swait.ge [sflag:s22], $0x2000  }
0x2e: {  	p0 =	seq.s32 s0, $0x0;
	[sflag:s22] =	ssyncset.done $0x0  }
0x2f: {  	s10 =	simm.s32 @!p0 $0x5;
	[sflag:s22] =	ssyncadd.s32 $0xFFFFE000  }
0x30: {  	_ =	swait.ge @!p0 [sflag:s10], $0x800  }
0x31: {  	[sflag:s10] =	ssyncset.done @!p0 $0x0  }
0x32: {  	s15 =	simm.s32 $0xD080;
	[sflag:s10] =	ssyncadd.s32 @!p0 $0xFFFFF800;
	s10 =	simm.s32 $0x0  }
.LBB2_3:
0x33: {  	s17 =	sshra.s32 s10, $0x2  }
0x34: {  	v0 =	vld [tilespmem:s17+$0x5000]  }
0x35: {  	v1 =	vld [tilespmem:s17+$0x7000]  }
0x36: {  	v2 =	vld [tilespmem:s17+$0x5010]  }
0x37: {  	v3 =	vld [tilespmem:s17+$0x7010]  }
0x38: {  	v4 =	vld [tilespmem:s17+$0x5020]  }
0x39: {  	v5 =	vld [tilespmem:s17+$0x7020]  }
0x3a: {  	v6 =	vld [tilespmem:s17+$0x5030]  }
0x3b: {  	v7 =	vld [tilespmem:s17+$0x7030]  }
0x3c: {  	v0 =	vsub.f32 v0, v1;
	v51 =	vsub.f32 v2, v3;
	_ =	sdelay $0x1  }
0x3d: {  	v52 =	vsub.f32 v4, v5;
	v0 =	vmul.f32 v0, v0;
	v1 =	vmul.f32 v51, v51;
	_ =	sdelay $0x1  }
0x3e: {  	v54 =	vsub.f32 v6, v7;
	v53 =	vmul.f32 v52, v52;
	v0 =	vadd.f32 v1, v0;
	_ =	sdelay $0x1  }
0x3f: {  	v55 =	vmul.f32 v54, v54;
	v0 =	vadd.f32 v53, v0;
	_ =	sdelay $0x1  }
0x40: {  	v0 =	vadd.f32 v55, v0;
	_ =	sdelay $0x1  }
0x41: {  	[tilespmem:s15+$0xFFFFFF80] =	vst v0  }
0x42: {  	v0 =	vld [tilespmem:s17+$0x5040]  }
0x43: {  	v56 =	vld [tilespmem:s17+$0x7040]  }
0x44: {  	v57 =	vld [tilespmem:s17+$0x5050]  }
0x45: {  	v58 =	vld [tilespmem:s17+$0x7050]  }
0x46: {  	v59 =	vld [tilespmem:s17+$0x5060]  }
0x47: {  	v60 =	vld [tilespmem:s17+$0x7060]  }
0x48: {  	v61 =	vld [tilespmem:s17+$0x5070]  }
0x49: {  	v62 =	vld [tilespmem:s17+$0x7070]  }
0x4a: {  	v0 =	vsub.f32 v0, v56;
	v63 =	vsub.f32 v57, v58;
	_ =	sdelay $0x1  }
0x4b: {  	v4 =	vsub.f32 v59, v60;
	v0 =	vmul.f32 v0, v0;
	v1 =	vmul.f32 v63, v63;
	_ =	sdelay $0x1  }
0x4c: {  	v7 =	vsub.f32 v61, v62;
	v5 =	vmul.f32 v4, v4;
	v0 =	vadd.f32 v1, v0;
	_ =	sdelay $0x1  }
0x4d: {  	v8 =	vmul.f32 v7, v7;
	v0 =	vadd.f32 v5, v0;
	_ =	sdelay $0x1  }
0x4e: {  	v0 =	vadd.f32 v8, v0;
	_ =	sdelay $0x1  }
0x4f: {  	[tilespmem:s15+$0xFFFFFF90] =	vst v0  }
0x50: {  	v0 =	vld [tilespmem:s17+$0x5080]  }
0x51: {  	v9 =	vld [tilespmem:s17+$0x7080]  }
0x52: {  	v10 =	vld [tilespmem:s17+$0x5090]  }
0x53: {  	v11 =	vld [tilespmem:s17+$0x7090]  }
0x54: {  	v12 =	vld [tilespmem:s17+$0x50A0]  }
0x55: {  	v13 =	vld [tilespmem:s17+$0x70A0]  }
0x56: {  	v14 =	vld [tilespmem:s17+$0x50B0]  }
0x57: {  	v15 =	vld [tilespmem:s17+$0x70B0]  }
0x58: {  	v0 =	vsub.f32 v0, v9;
	v16 =	vsub.f32 v10, v11;
	_ =	sdelay $0x1  }
0x59: {  	v17 =	vsub.f32 v12, v13;
	v0 =	vmul.f32 v0, v0;
	v1 =	vmul.f32 v16, v16;
	_ =	sdelay $0x1  }
0x5a: {  	v19 =	vsub.f32 v14, v15;
	v18 =	vmul.f32 v17, v17;
	v0 =	vadd.f32 v1, v0;
	_ =	sdelay $0x1  }
0x5b: {  	v20 =	vmul.f32 v19, v19;
	v0 =	vadd.f32 v18, v0;
	_ =	sdelay $0x1  }
0x5c: {  	v0 =	vadd.f32 v20, v0;
	_ =	sdelay $0x1  }
0x5d: {  	[tilespmem:s15+$0xFFFFFFA0] =	vst v0  }
0x5e: {  	v0 =	vld [tilespmem:s17+$0x50C0]  }
0x5f: {  	v21 =	vld [tilespmem:s17+$0x70C0]  }
0x60: {  	v22 =	vld [tilespmem:s17+$0x50D0]  }
0x61: {  	v23 =	vld [tilespmem:s17+$0x70D0]  }
0x62: {  	v24 =	vld [tilespmem:s17+$0x50E0]  }
0x63: {  	v25 =	vld [tilespmem:s17+$0x70E0]  }
0x64: {  	v26 =	vld [tilespmem:s17+$0x50F0]  }
0x65: {  	v27 =	vld [tilespmem:s17+$0x70F0]  }
0x66: {  	v0 =	vsub.f32 v0, v21;
	v28 =	vsub.f32 v22, v23;
	_ =	sdelay $0x1  }
0x67: {  	v29 =	vsub.f32 v24, v25;
	v0 =	vmul.f32 v0, v0;
	v1 =	vmul.f32 v28, v28;
	_ =	sdelay $0x1  }
0x68: {  	v31 =	vsub.f32 v26, v27;
	v30 =	vmul.f32 v29, v29;
	v0 =	vadd.f32 v1, v0;
	_ =	sdelay $0x1  }
0x69: {  	v32 =	vmul.f32 v31, v31;
	v0 =	vadd.f32 v30, v0;
	_ =	sdelay $0x1  }
0x6a: {  	v0 =	vadd.f32 v32, v0;
	_ =	sdelay $0x1  }
0x6b: {  	[tilespmem:s15+$0xFFFFFFB0] =	vst v0  }
0x6c: {  	v0 =	vld [tilespmem:s17+$0x5100]  }
0x6d: {  	v33 =	vld [tilespmem:s17+$0x7100]  }
0x6e: {  	v34 =	vld [tilespmem:s17+$0x5110]  }
0x6f: {  	v35 =	vld [tilespmem:s17+$0x7110]  }
0x70: {  	v36 =	vld [tilespmem:s17+$0x5120]  }
0x71: {  	v37 =	vld [tilespmem:s17+$0x7120]  }
0x72: {  	v38 =	vld [tilespmem:s17+$0x5130]  }
0x73: {  	v39 =	vld [tilespmem:s17+$0x7130]  }
0x74: {  	v0 =	vsub.f32 v0, v33;
	v40 =	vsub.f32 v34, v35;
	_ =	sdelay $0x1  }
0x75: {  	v41 =	vsub.f32 v36, v37;
	v0 =	vmul.f32 v0, v0;
	v1 =	vmul.f32 v40, v40;
	_ =	sdelay $0x1  }
0x76: {  	v43 =	vsub.f32 v38, v39;
	v42 =	vmul.f32 v41, v41;
	v0 =	vadd.f32 v1, v0;
	_ =	sdelay $0x1  }
0x77: {  	v44 =	vmul.f32 v43, v43;
	v0 =	vadd.f32 v42, v0;
	_ =	sdelay $0x1  }
0x78: {  	v0 =	vadd.f32 v44, v0;
	_ =	sdelay $0x1  }
0x79: {  	[tilespmem:s15+$0xFFFFFFC0] =	vst v0  }
0x7a: {  	v0 =	vld [tilespmem:s17+$0x5140]  }
0x7b: {  	v45 =	vld [tilespmem:s17+$0x7140]  }
0x7c: {  	v46 =	vld [tilespmem:s17+$0x5150]  }
0x7d: {  	v47 =	vld [tilespmem:s17+$0x7150]  }
0x7e: {  	v48 =	vld [tilespmem:s17+$0x5160]  }
0x7f: {  	v49 =	vld [tilespmem:s17+$0x7160]  }
0x80: {  	v50 =	vld [tilespmem:s17+$0x5170]  }
0x81: {  	v51 =	vld [tilespmem:s17+$0x7170]  }
0x82: {  	v0 =	vsub.f32 v0, v45;
	v52 =	vsub.f32 v46, v47;
	_ =	sdelay $0x1  }
0x83: {  	v53 =	vsub.f32 v48, v49;
	v0 =	vmul.f32 v0, v0;
	v1 =	vmul.f32 v52, v52;
	_ =	sdelay $0x1  }
0x84: {  	v55 =	vsub.f32 v50, v51;
	v54 =	vmul.f32 v53, v53;
	v0 =	vadd.f32 v1, v0;
	_ =	sdelay $0x1  }
0x85: {  	v56 =	vmul.f32 v55, v55;
	v0 =	vadd.f32 v54, v0;
	_ =	sdelay $0x1  }
0x86: {  	v0 =	vadd.f32 v56, v0;
	_ =	sdelay $0x1  }
0x87: {  	[tilespmem:s15+$0xFFFFFFD0] =	vst v0  }
0x88: {  	v0 =	vld [tilespmem:s17+$0x5180]  }
0x89: {  	v57 =	vld [tilespmem:s17+$0x7180]  }
0x8a: {  	v58 =	vld [tilespmem:s17+$0x5190]  }
0x8b: {  	v59 =	vld [tilespmem:s17+$0x7190]  }
0x8c: {  	v60 =	vld [tilespmem:s17+$0x51A0]  }
0x8d: {  	v61 =	vld [tilespmem:s17+$0x71A0]  }
0x8e: {  	v62 =	vld [tilespmem:s17+$0x51B0]  }
0x8f: {  	v63 =	vld [tilespmem:s17+$0x71B0]  }
0x90: {  	v0 =	vsub.f32 v0, v57;
	v8 =	vsub.f32 v58, v59;
	_ =	sdelay $0x1  }
0x91: {  	v9 =	vsub.f32 v60, v61;
	v0 =	vmul.f32 v0, v0;
	v1 =	vmul.f32 v8, v8;
	_ =	sdelay $0x1  }
0x92: {  	v11 =	vsub.f32 v62, v63;
	v10 =	vmul.f32 v9, v9;
	v0 =	vadd.f32 v1, v0;
	_ =	sdelay $0x1  }
0x93: {  	v12 =	vmul.f32 v11, v11;
	v0 =	vadd.f32 v10, v0;
	_ =	sdelay $0x1  }
0x94: {  	v0 =	vadd.f32 v12, v0;
	_ =	sdelay $0x1  }
0x95: {  	[tilespmem:s15+$0xFFFFFFE0] =	vst v0  }
0x96: {  	v0 =	vld [tilespmem:s17+$0x51C0]  }
0x97: {  	v13 =	vld [tilespmem:s17+$0x71C0]  }
0x98: {  	v14 =	vld [tilespmem:s17+$0x51D0]  }
0x99: {  	v15 =	vld [tilespmem:s17+$0x71D0]  }
0x9a: {  	v16 =	vld [tilespmem:s17+$0x51E0]  }
0x9b: {  	v17 =	vld [tilespmem:s17+$0x71E0]  }
0x9c: {  	v18 =	vld [tilespmem:s17+$0x51F0]  }
0x9d: {  	v19 =	vld [tilespmem:s17+$0x71F0]  }
0x9e: {  	v0 =	vsub.f32 v0, v13;
	v20 =	vsub.f32 v14, v15;
	_ =	sdelay $0x1  }
0x9f: {  	v21 =	vsub.f32 v16, v17;
	v0 =	vmul.f32 v0, v0;
	v1 =	vmul.f32 v20, v20;
	_ =	sdelay $0x1  }
0xa0: {  	v23 =	vsub.f32 v18, v19;
	v22 =	vmul.f32 v21, v21;
	v0 =	vadd.f32 v1, v0;
	_ =	sdelay $0x1  }
0xa1: {  	v24 =	vmul.f32 v23, v23;
	v0 =	vadd.f32 v22, v0;
	_ =	sdelay $0x1  }
0xa2: {  	v0 =	vadd.f32 v24, v0;
	_ =	sdelay $0x1  }
0xa3: {  	[tilespmem:s15+$0xFFFFFFF0] =	vst v0  }
0xa4: {  	v0 =	vld [tilespmem:s17+$0x5200]  }
0xa5: {  	v25 =	vld [tilespmem:s17+$0x7200]  }
0xa6: {  	v26 =	vld [tilespmem:s17+$0x5210]  }
0xa7: {  	v27 =	vld [tilespmem:s17+$0x7210]  }
0xa8: {  	v28 =	vld [tilespmem:s17+$0x5220]  }
0xa9: {  	v29 =	vld [tilespmem:s17+$0x7220]  }
0xaa: {  	v30 =	vld [tilespmem:s17+$0x5230]  }
0xab: {  	v31 =	vld [tilespmem:s17+$0x7230]  }
0xac: {  	v0 =	vsub.f32 v0, v25;
	v32 =	vsub.f32 v26, v27;
	_ =	sdelay $0x1  }
0xad: {  	v33 =	vsub.f32 v28, v29;
	v0 =	vmul.f32 v0, v0;
	v1 =	vmul.f32 v32, v32;
	_ =	sdelay $0x1  }
0xae: {  	v35 =	vsub.f32 v30, v31;
	v34 =	vmul.f32 v33, v33;
	v0 =	vadd.f32 v1, v0;
	_ =	sdelay $0x1  }
0xaf: {  	v36 =	vmul.f32 v35, v35;
	v0 =	vadd.f32 v34, v0;
	_ =	sdelay $0x1  }
0xb0: {  	v0 =	vadd.f32 v36, v0;
	_ =	sdelay $0x1  }
0xb1: {  	[tilespmem:s15+$0x0] =	vst v0  }
0xb2: {  	v0 =	vld [tilespmem:s17+$0x5240]  }
0xb3: {  	v37 =	vld [tilespmem:s17+$0x7240]  }
0xb4: {  	v38 =	vld [tilespmem:s17+$0x5250]  }
0xb5: {  	v39 =	vld [tilespmem:s17+$0x7250]  }
0xb6: {  	v40 =	vld [tilespmem:s17+$0x5260]  }
0xb7: {  	v41 =	vld [tilespmem:s17+$0x7260]  }
0xb8: {  	v42 =	vld [tilespmem:s17+$0x5270]  }
0xb9: {  	v43 =	vld [tilespmem:s17+$0x7270]  }
0xba: {  	v0 =	vsub.f32 v0, v37;
	v44 =	vsub.f32 v38, v39;
	_ =	sdelay $0x1  }
0xbb: {  	v45 =	vsub.f32 v40, v41;
	v0 =	vmul.f32 v0, v0;
	v1 =	vmul.f32 v44, v44;
	_ =	sdelay $0x1  }
0xbc: {  	v47 =	vsub.f32 v42, v43;
	v46 =	vmul.f32 v45, v45;
	v0 =	vadd.f32 v1, v0;
	_ =	sdelay $0x1  }
0xbd: {  	v48 =	vmul.f32 v47, v47;
	v0 =	vadd.f32 v46, v0;
	_ =	sdelay $0x1  }
0xbe: {  	v0 =	vadd.f32 v48, v0;
	_ =	sdelay $0x1  }
0xbf: {  	[tilespmem:s15+$0x10] =	vst v0  }
0xc0: {  	v0 =	vld [tilespmem:s17+$0x5280]  }
0xc1: {  	v49 =	vld [tilespmem:s17+$0x7280]  }
0xc2: {  	v50 =	vld [tilespmem:s17+$0x5290]  }
0xc3: {  	v51 =	vld [tilespmem:s17+$0x7290]  }
0xc4: {  	v52 =	vld [tilespmem:s17+$0x52A0]  }
0xc5: {  	v53 =	vld [tilespmem:s17+$0x72A0]  }
0xc6: {  	v54 =	vld [tilespmem:s17+$0x52B0]  }
0xc7: {  	v55 =	vld [tilespmem:s17+$0x72B0]  }
0xc8: {  	v0 =	vsub.f32 v0, v49;
	v56 =	vsub.f32 v50, v51;
	_ =	sdelay $0x1  }
0xc9: {  	v57 =	vsub.f32 v52, v53;
	v0 =	vmul.f32 v0, v0;
	v1 =	vmul.f32 v56, v56;
	_ =	sdelay $0x1  }
0xca: {  	v59 =	vsub.f32 v54, v55;
	v58 =	vmul.f32 v57, v57;
	v0 =	vadd.f32 v1, v0;
	_ =	sdelay $0x1  }
0xcb: {  	v60 =	vmul.f32 v59, v59;
	v0 =	vadd.f32 v58, v0;
	_ =	sdelay $0x1  }
0xcc: {  	v0 =	vadd.f32 v60, v0;
	_ =	sdelay $0x1  }
0xcd: {  	[tilespmem:s15+$0x20] =	vst v0  }
0xce: {  	v0 =	vld [tilespmem:s17+$0x52C0]  }
0xcf: {  	v61 =	vld [tilespmem:s17+$0x72C0]  }
0xd0: {  	v62 =	vld [tilespmem:s17+$0x52D0]  }
0xd1: {  	v63 =	vld [tilespmem:s17+$0x72D0]  }
0xd2: {  	v9 =	vld [tilespmem:s17+$0x52E0]  }
0xd3: {  	v10 =	vld [tilespmem:s17+$0x72E0]  }
0xd4: {  	v11 =	vld [tilespmem:s17+$0x52F0]  }
0xd5: {  	v12 =	vld [tilespmem:s17+$0x72F0]  }
0xd6: {  	v0 =	vsub.f32 v0, v61;
	v13 =	vsub.f32 v62, v63;
	_ =	sdelay $0x1  }
0xd7: {  	v14 =	vsub.f32 v9, v10;
	v0 =	vmul.f32 v0, v0;
	v1 =	vmul.f32 v13, v13;
	_ =	sdelay $0x1  }
0xd8: {  	v16 =	vsub.f32 v11, v12;
	v15 =	vmul.f32 v14, v14;
	v0 =	vadd.f32 v1, v0;
	_ =	sdelay $0x1  }
0xd9: {  	v17 =	vmul.f32 v16, v16;
	v0 =	vadd.f32 v15, v0;
	_ =	sdelay $0x1  }
0xda: {  	v0 =	vadd.f32 v17, v0;
	_ =	sdelay $0x1  }
0xdb: {  	[tilespmem:s15+$0x30] =	vst v0  }
0xdc: {  	v0 =	vld [tilespmem:s17+$0x5300]  }
0xdd: {  	v18 =	vld [tilespmem:s17+$0x7300]  }
0xde: {  	v19 =	vld [tilespmem:s17+$0x5310]  }
0xdf: {  	v20 =	vld [tilespmem:s17+$0x7310]  }
0xe0: {  	v21 =	vld [tilespmem:s17+$0x5320]  }
0xe1: {  	v22 =	vld [tilespmem:s17+$0x7320]  }
0xe2: {  	v23 =	vld [tilespmem:s17+$0x5330]  }
0xe3: {  	v24 =	vld [tilespmem:s17+$0x7330]  }
0xe4: {  	v0 =	vsub.f32 v0, v18;
	v25 =	vsub.f32 v19, v20;
	_ =	sdelay $0x1  }
0xe5: {  	v26 =	vsub.f32 v21, v22;
	v0 =	vmul.f32 v0, v0;
	v1 =	vmul.f32 v25, v25;
	_ =	sdelay $0x1  }
0xe6: {  	v28 =	vsub.f32 v23, v24;
	v27 =	vmul.f32 v26, v26;
	v0 =	vadd.f32 v1, v0;
	_ =	sdelay $0x1  }
0xe7: {  	v29 =	vmul.f32 v28, v28;
	v0 =	vadd.f32 v27, v0;
	_ =	sdelay $0x1  }
0xe8: {  	v0 =	vadd.f32 v29, v0;
	_ =	sdelay $0x1  }
0xe9: {  	[tilespmem:s15+$0x40] =	vst v0  }
0xea: {  	v0 =	vld [tilespmem:s17+$0x5340]  }
0xeb: {  	v30 =	vld [tilespmem:s17+$0x7340]  }
0xec: {  	v31 =	vld [tilespmem:s17+$0x5350]  }
0xed: {  	v32 =	vld [tilespmem:s17+$0x7350]  }
0xee: {  	v33 =	vld [tilespmem:s17+$0x5360]  }
0xef: {  	v34 =	vld [tilespmem:s17+$0x7360]  }
0xf0: {  	v35 =	vld [tilespmem:s17+$0x5370]  }
0xf1: {  	v36 =	vld [tilespmem:s17+$0x7370]  }
0xf2: {  	v0 =	vsub.f32 v0, v30;
	v37 =	vsub.f32 v31, v32;
	_ =	sdelay $0x1  }
0xf3: {  	v38 =	vsub.f32 v33, v34;
	v0 =	vmul.f32 v0, v0;
	v1 =	vmul.f32 v37, v37;
	_ =	sdelay $0x1  }
0xf4: {  	v40 =	vsub.f32 v35, v36;
	v39 =	vmul.f32 v38, v38;
	v0 =	vadd.f32 v1, v0;
	_ =	sdelay $0x1  }
0xf5: {  	v41 =	vmul.f32 v40, v40;
	v0 =	vadd.f32 v39, v0;
	_ =	sdelay $0x1  }
0xf6: {  	v0 =	vadd.f32 v41, v0;
	_ =	sdelay $0x1  }
0xf7: {  	[tilespmem:s15+$0x50] =	vst v0  }
0xf8: {  	v0 =	vld [tilespmem:s17+$0x5380]  }
0xf9: {  	v42 =	vld [tilespmem:s17+$0x7380]  }
0xfa: {  	v43 =	vld [tilespmem:s17+$0x5390]  }
0xfb: {  	v44 =	vld [tilespmem:s17+$0x7390]  }
0xfc: {  	v45 =	vld [tilespmem:s17+$0x53A0]  }
0xfd: {  	v46 =	vld [tilespmem:s17+$0x73A0]  }
0xfe: {  	v47 =	vld [tilespmem:s17+$0x53B0]  }
0xff: {  	v48 =	vld [tilespmem:s17+$0x73B0]  }
0x100: {  	v0 =	vsub.f32 v0, v42;
	v49 =	vsub.f32 v43, v44;
	_ =	sdelay $0x1  }
0x101: {  	v50 =	vsub.f32 v45, v46;
	v0 =	vmul.f32 v0, v0;
	v1 =	vmul.f32 v49, v49;
	_ =	sdelay $0x1  }
0x102: {  	v52 =	vsub.f32 v47, v48;
	v51 =	vmul.f32 v50, v50;
	v0 =	vadd.f32 v1, v0;
	_ =	sdelay $0x1  }
0x103: {  	v53 =	vmul.f32 v52, v52;
	v0 =	vadd.f32 v51, v0;
	_ =	sdelay $0x1  }
0x104: {  	v0 =	vadd.f32 v53, v0;
	_ =	sdelay $0x1  }
0x105: {  	[tilespmem:s15+$0x60] =	vst v0  }
0x106: {  	v0 =	vld [tilespmem:s17+$0x53C0]  }
0x107: {  	v54 =	vld [tilespmem:s17+$0x73C0]  }
0x108: {  	v55 =	vld [tilespmem:s17+$0x53D0]  }
0x109: {  	v56 =	vld [tilespmem:s17+$0x73D0]  }
0x10a: {  	v57 =	vld [tilespmem:s17+$0x53E0]  }
0x10b: {  	v58 =	vld [tilespmem:s17+$0x73E0]  }
0x10c: {  	v59 =	vld [tilespmem:s17+$0x53F0]  }
0x10d: {  	v60 =	vld [tilespmem:s17+$0x73F0]  }
0x10e: {  	v0 =	vsub.f32 v0, v54;
	v61 =	vsub.f32 v55, v56;
	_ =	sdelay $0x1  }
0x10f: {  	v62 =	vsub.f32 v57, v58;
	v0 =	vmul.f32 v0, v0;
	v1 =	vmul.f32 v61, v61;
	_ =	sdelay $0x1  }
0x110: {  	v63 =	vsub.f32 v59, v60;
	v2 =	vmul.f32 v62, v62;
	v0 =	vadd.f32 v1, v0  }
0x111: {  	p1 =	sne.s32 s10, $0x7000  }
.Ltmp0:
0x112: {  	v1 =	vmul.f32 v63, v63;
	v0 =	vadd.f32 v2, v0;
	(pc) =	sbr.rel @p1 .LBB2_3-.Ltmp0, $3  }
0x113: {  	_ = 	snop  }
0x114: {  	v0 =	vadd.f32 v1, v0;
	_ =	sdelay $0x1  }
0x115: {  	s10 =	sadd.s32 $0x1000, s10;
	[tilespmem:s15+$0x70] =	vst v0;
	s15 =	sadd.s32 $0x100, s15  }
0x116: {  	p1 =	slt.u32 s0, $0x8;
	s10 =	smov.u32 s14  }
0x117: {  	s15 =	sshll.u32 s0, $0x9;
	s10 =	smov.u32 @p1 s5  }
0x118: {  	s15 =	sadd.s32 s4, s15;
	s17 =	sshll.u32 s10, $0x1  }
0x119: {  	p1 =	seq.s32 s0, $0x27;
	s15 =	sadd.s32 s17, s15  }
0x11a: {  	[hbm4b:s15+s2] =	stream.linear.scatter [tilespmem:s23], [sflag:$0x5], $0x800, $0x38;
	[tilespmem:$0xE000] =	vst v63  }
0x11b: {  	s18 =	simm.s32 @!p1 $0x5000;
	s17 =	simm.s32 @!p1 $0x80;
	s15 =	sadd.s32 @!p1 $0x100, s1  }
0x11c: {  	[tilespmem:s18], [sflag:$0x1] =	stream.indirect.gather @!p1 [hbm4b:s3+s17], $0x40, s15, s17, $0xb8;
	[tilespmem:$0xE000] =	vst v63  }
0x11d: {  	s1 =	sadd.s32 @!p1 $0x2900, s1;
	s15 =	simm.s32 @!p1 $0x7000  }
0x11e: {  	[tilespmem:s15], [sflag:$0x2] =	stream.indirect.gather @!p1 [hbm4b:s3+s17], $0x40, s1, s17, $0xb8;
	[tilespmem:$0xE000] =	vst v63  }
0x11f: {  	_ =	swait.ge [sflag:s24], $0x2000  }
0x120: {  	[sflag:s24] =	ssyncset.done $0x0  }
0x121: {  	[sflag:s24] =	ssyncadd.s32 $0xFFFFE000  }
0x122: {  	_ =	swait.ge [sflag:s25], $0x2000  }
0x123: {  	[sflag:s25] =	ssyncset.done $0x0  }
0x124: {  	s1 =	simm.s32 @!p0 $0x6;
	[sflag:s25] =	ssyncadd.s32 $0xFFFFE000  }
0x125: {  	_ =	swait.ge @!p0 [sflag:s1], $0x800  }
0x126: {  	s0 =	sadd.s32 $0x1, s0;
	[sflag:s1] =	ssyncset.done @!p0 $0x0  }
0x127: {  	s15 =	simm.s32 $0xD880;
	[sflag:s1] =	ssyncadd.s32 @!p0 $0xFFFFF800;
	s1 =	simm.s32 $0x0  }
.LBB2_5:
0x128: {  	s17 =	sshra.s32 s1, $0x2  }
0x129: {  	v0 =	vld [tilespmem:s17+$0x9000]  }
0x12a: {  	v1 =	vld [tilespmem:s17+$0xB000]  }
0x12b: {  	v2 =	vld [tilespmem:s17+$0x9010]  }
0x12c: {  	v3 =	vld [tilespmem:s17+$0xB010]  }
0x12d: {  	v4 =	vld [tilespmem:s17+$0x9020]  }
0x12e: {  	v5 =	vld [tilespmem:s17+$0xB020]  }
0x12f: {  	v6 =	vld [tilespmem:s17+$0x9030]  }
0x130: {  	v7 =	vld [tilespmem:s17+$0xB030]  }
0x131: {  	v0 =	vsub.f32 v0, v1;
	v51 =	vsub.f32 v2, v3;
	_ =	sdelay $0x1  }
0x132: {  	v52 =	vsub.f32 v4, v5;
	v0 =	vmul.f32 v0, v0;
	v1 =	vmul.f32 v51, v51;
	_ =	sdelay $0x1  }
0x133: {  	v54 =	vsub.f32 v6, v7;
	v53 =	vmul.f32 v52, v52;
	v0 =	vadd.f32 v1, v0;
	_ =	sdelay $0x1  }
0x134: {  	v55 =	vmul.f32 v54, v54;
	v0 =	vadd.f32 v53, v0;
	_ =	sdelay $0x1  }
0x135: {  	v0 =	vadd.f32 v55, v0;
	_ =	sdelay $0x1  }
0x136: {  	[tilespmem:s15+$0xFFFFFF80] =	vst v0  }
0x137: {  	v0 =	vld [tilespmem:s17+$0x9040]  }
0x138: {  	v56 =	vld [tilespmem:s17+$0xB040]  }
0x139: {  	v57 =	vld [tilespmem:s17+$0x9050]  }
0x13a: {  	v58 =	vld [tilespmem:s17+$0xB050]  }
0x13b: {  	v59 =	vld [tilespmem:s17+$0x9060]  }
0x13c: {  	v60 =	vld [tilespmem:s17+$0xB060]  }
0x13d: {  	v61 =	vld [tilespmem:s17+$0x9070]  }
0x13e: {  	v62 =	vld [tilespmem:s17+$0xB070]  }
0x13f: {  	v0 =	vsub.f32 v0, v56;
	v63 =	vsub.f32 v57, v58;
	_ =	sdelay $0x1  }
0x140: {  	v4 =	vsub.f32 v59, v60;
	v0 =	vmul.f32 v0, v0;
	v1 =	vmul.f32 v63, v63;
	_ =	sdelay $0x1  }
0x141: {  	v7 =	vsub.f32 v61, v62;
	v5 =	vmul.f32 v4, v4;
	v0 =	vadd.f32 v1, v0;
	_ =	sdelay $0x1  }
0x142: {  	v8 =	vmul.f32 v7, v7;
	v0 =	vadd.f32 v5, v0;
	_ =	sdelay $0x1  }
0x143: {  	v0 =	vadd.f32 v8, v0;
	_ =	sdelay $0x1  }
0x144: {  	[tilespmem:s15+$0xFFFFFF90] =	vst v0  }
0x145: {  	v0 =	vld [tilespmem:s17+$0x9080]  }
0x146: {  	v9 =	vld [tilespmem:s17+$0xB080]  }
0x147: {  	v10 =	vld [tilespmem:s17+$0x9090]  }
0x148: {  	v11 =	vld [tilespmem:s17+$0xB090]  }
0x149: {  	v12 =	vld [tilespmem:s17+$0x90A0]  }
0x14a: {  	v13 =	vld [tilespmem:s17+$0xB0A0]  }
0x14b: {  	v14 =	vld [tilespmem:s17+$0x90B0]  }
0x14c: {  	v15 =	vld [tilespmem:s17+$0xB0B0]  }
0x14d: {  	v0 =	vsub.f32 v0, v9;
	v16 =	vsub.f32 v10, v11;
	_ =	sdelay $0x1  }
0x14e: {  	v17 =	vsub.f32 v12, v13;
	v0 =	vmul.f32 v0, v0;
	v1 =	vmul.f32 v16, v16;
	_ =	sdelay $0x1  }
0x14f: {  	v19 =	vsub.f32 v14, v15;
	v18 =	vmul.f32 v17, v17;
	v0 =	vadd.f32 v1, v0;
	_ =	sdelay $0x1  }
0x150: {  	v20 =	vmul.f32 v19, v19;
	v0 =	vadd.f32 v18, v0;
	_ =	sdelay $0x1  }
0x151: {  	v0 =	vadd.f32 v20, v0;
	_ =	sdelay $0x1  }
0x152: {  	[tilespmem:s15+$0xFFFFFFA0] =	vst v0  }
0x153: {  	v0 =	vld [tilespmem:s17+$0x90C0]  }
0x154: {  	v21 =	vld [tilespmem:s17+$0xB0C0]  }
0x155: {  	v22 =	vld [tilespmem:s17+$0x90D0]  }
0x156: {  	v23 =	vld [tilespmem:s17+$0xB0D0]  }
0x157: {  	v24 =	vld [tilespmem:s17+$0x90E0]  }
0x158: {  	v25 =	vld [tilespmem:s17+$0xB0E0]  }
0x159: {  	v26 =	vld [tilespmem:s17+$0x90F0]  }
0x15a: {  	v27 =	vld [tilespmem:s17+$0xB0F0]  }
0x15b: {  	v0 =	vsub.f32 v0, v21;
	v28 =	vsub.f32 v22, v23;
	_ =	sdelay $0x1  }
0x15c: {  	v29 =	vsub.f32 v24, v25;
	v0 =	vmul.f32 v0, v0;
	v1 =	vmul.f32 v28, v28;
	_ =	sdelay $0x1  }
0x15d: {  	v31 =	vsub.f32 v26, v27;
	v30 =	vmul.f32 v29, v29;
	v0 =	vadd.f32 v1, v0;
	_ =	sdelay $0x1  }
0x15e: {  	v32 =	vmul.f32 v31, v31;
	v0 =	vadd.f32 v30, v0;
	_ =	sdelay $0x1  }
0x15f: {  	v0 =	vadd.f32 v32, v0;
	_ =	sdelay $0x1  }
0x160: {  	[tilespmem:s15+$0xFFFFFFB0] =	vst v0  }
0x161: {  	v0 =	vld [tilespmem:s17+$0x9100]  }
0x162: {  	v33 =	vld [tilespmem:s17+$0xB100]  }
0x163: {  	v34 =	vld [tilespmem:s17+$0x9110]  }
0x164: {  	v35 =	vld [tilespmem:s17+$0xB110]  }
0x165: {  	v36 =	vld [tilespmem:s17+$0x9120]  }
0x166: {  	v37 =	vld [tilespmem:s17+$0xB120]  }
0x167: {  	v38 =	vld [tilespmem:s17+$0x9130]  }
0x168: {  	v39 =	vld [tilespmem:s17+$0xB130]  }
0x169: {  	v0 =	vsub.f32 v0, v33;
	v40 =	vsub.f32 v34, v35;
	_ =	sdelay $0x1  }
0x16a: {  	v41 =	vsub.f32 v36, v37;
	v0 =	vmul.f32 v0, v0;
	v1 =	vmul.f32 v40, v40;
	_ =	sdelay $0x1  }
0x16b: {  	v43 =	vsub.f32 v38, v39;
	v42 =	vmul.f32 v41, v41;
	v0 =	vadd.f32 v1, v0;
	_ =	sdelay $0x1  }
0x16c: {  	v44 =	vmul.f32 v43, v43;
	v0 =	vadd.f32 v42, v0;
	_ =	sdelay $0x1  }
0x16d: {  	v0 =	vadd.f32 v44, v0;
	_ =	sdelay $0x1  }
0x16e: {  	[tilespmem:s15+$0xFFFFFFC0] =	vst v0  }
0x16f: {  	v0 =	vld [tilespmem:s17+$0x9140]  }
0x170: {  	v45 =	vld [tilespmem:s17+$0xB140]  }
0x171: {  	v46 =	vld [tilespmem:s17+$0x9150]  }
0x172: {  	v47 =	vld [tilespmem:s17+$0xB150]  }
0x173: {  	v48 =	vld [tilespmem:s17+$0x9160]  }
0x174: {  	v49 =	vld [tilespmem:s17+$0xB160]  }
0x175: {  	v50 =	vld [tilespmem:s17+$0x9170]  }
0x176: {  	v51 =	vld [tilespmem:s17+$0xB170]  }
0x177: {  	v0 =	vsub.f32 v0, v45;
	v52 =	vsub.f32 v46, v47;
	_ =	sdelay $0x1  }
0x178: {  	v53 =	vsub.f32 v48, v49;
	v0 =	vmul.f32 v0, v0;
	v1 =	vmul.f32 v52, v52;
	_ =	sdelay $0x1  }
0x179: {  	v55 =	vsub.f32 v50, v51;
	v54 =	vmul.f32 v53, v53;
	v0 =	vadd.f32 v1, v0;
	_ =	sdelay $0x1  }
0x17a: {  	v56 =	vmul.f32 v55, v55;
	v0 =	vadd.f32 v54, v0;
	_ =	sdelay $0x1  }
0x17b: {  	v0 =	vadd.f32 v56, v0;
	_ =	sdelay $0x1  }
0x17c: {  	[tilespmem:s15+$0xFFFFFFD0] =	vst v0  }
0x17d: {  	v0 =	vld [tilespmem:s17+$0x9180]  }
0x17e: {  	v57 =	vld [tilespmem:s17+$0xB180]  }
0x17f: {  	v58 =	vld [tilespmem:s17+$0x9190]  }
0x180: {  	v59 =	vld [tilespmem:s17+$0xB190]  }
0x181: {  	v60 =	vld [tilespmem:s17+$0x91A0]  }
0x182: {  	v61 =	vld [tilespmem:s17+$0xB1A0]  }
0x183: {  	v62 =	vld [tilespmem:s17+$0x91B0]  }
0x184: {  	v63 =	vld [tilespmem:s17+$0xB1B0]  }
0x185: {  	v0 =	vsub.f32 v0, v57;
	v8 =	vsub.f32 v58, v59;
	_ =	sdelay $0x1  }
0x186: {  	v9 =	vsub.f32 v60, v61;
	v0 =	vmul.f32 v0, v0;
	v1 =	vmul.f32 v8, v8;
	_ =	sdelay $0x1  }
0x187: {  	v11 =	vsub.f32 v62, v63;
	v10 =	vmul.f32 v9, v9;
	v0 =	vadd.f32 v1, v0;
	_ =	sdelay $0x1  }
0x188: {  	v12 =	vmul.f32 v11, v11;
	v0 =	vadd.f32 v10, v0;
	_ =	sdelay $0x1  }
0x189: {  	v0 =	vadd.f32 v12, v0;
	_ =	sdelay $0x1  }
0x18a: {  	[tilespmem:s15+$0xFFFFFFE0] =	vst v0  }
0x18b: {  	v0 =	vld [tilespmem:s17+$0x91C0]  }
0x18c: {  	v13 =	vld [tilespmem:s17+$0xB1C0]  }
0x18d: {  	v14 =	vld [tilespmem:s17+$0x91D0]  }
0x18e: {  	v15 =	vld [tilespmem:s17+$0xB1D0]  }
0x18f: {  	v16 =	vld [tilespmem:s17+$0x91E0]  }
0x190: {  	v17 =	vld [tilespmem:s17+$0xB1E0]  }
0x191: {  	v18 =	vld [tilespmem:s17+$0x91F0]  }
0x192: {  	v19 =	vld [tilespmem:s17+$0xB1F0]  }
0x193: {  	v0 =	vsub.f32 v0, v13;
	v20 =	vsub.f32 v14, v15;
	_ =	sdelay $0x1  }
0x194: {  	v21 =	vsub.f32 v16, v17;
	v0 =	vmul.f32 v0, v0;
	v1 =	vmul.f32 v20, v20;
	_ =	sdelay $0x1  }
0x195: {  	v23 =	vsub.f32 v18, v19;
	v22 =	vmul.f32 v21, v21;
	v0 =	vadd.f32 v1, v0;
	_ =	sdelay $0x1  }
0x196: {  	v24 =	vmul.f32 v23, v23;
	v0 =	vadd.f32 v22, v0;
	_ =	sdelay $0x1  }
0x197: {  	v0 =	vadd.f32 v24, v0;
	_ =	sdelay $0x1  }
0x198: {  	[tilespmem:s15+$0xFFFFFFF0] =	vst v0  }
0x199: {  	v0 =	vld [tilespmem:s17+$0x9200]  }
0x19a: {  	v25 =	vld [tilespmem:s17+$0xB200]  }
0x19b: {  	v26 =	vld [tilespmem:s17+$0x9210]  }
0x19c: {  	v27 =	vld [tilespmem:s17+$0xB210]  }
0x19d: {  	v28 =	vld [tilespmem:s17+$0x9220]  }
0x19e: {  	v29 =	vld [tilespmem:s17+$0xB220]  }
0x19f: {  	v30 =	vld [tilespmem:s17+$0x9230]  }
0x1a0: {  	v31 =	vld [tilespmem:s17+$0xB230]  }
0x1a1: {  	v0 =	vsub.f32 v0, v25;
	v32 =	vsub.f32 v26, v27;
	_ =	sdelay $0x1  }
0x1a2: {  	v33 =	vsub.f32 v28, v29;
	v0 =	vmul.f32 v0, v0;
	v1 =	vmul.f32 v32, v32;
	_ =	sdelay $0x1  }
0x1a3: {  	v35 =	vsub.f32 v30, v31;
	v34 =	vmul.f32 v33, v33;
	v0 =	vadd.f32 v1, v0;
	_ =	sdelay $0x1  }
0x1a4: {  	v36 =	vmul.f32 v35, v35;
	v0 =	vadd.f32 v34, v0;
	_ =	sdelay $0x1  }
0x1a5: {  	v0 =	vadd.f32 v36, v0;
	_ =	sdelay $0x1  }
0x1a6: {  	[tilespmem:s15+$0x0] =	vst v0  }
0x1a7: {  	v0 =	vld [tilespmem:s17+$0x9240]  }
0x1a8: {  	v37 =	vld [tilespmem:s17+$0xB240]  }
0x1a9: {  	v38 =	vld [tilespmem:s17+$0x9250]  }
0x1aa: {  	v39 =	vld [tilespmem:s17+$0xB250]  }
0x1ab: {  	v40 =	vld [tilespmem:s17+$0x9260]  }
0x1ac: {  	v41 =	vld [tilespmem:s17+$0xB260]  }
0x1ad: {  	v42 =	vld [tilespmem:s17+$0x9270]  }
0x1ae: {  	v43 =	vld [tilespmem:s17+$0xB270]  }
0x1af: {  	v0 =	vsub.f32 v0, v37;
	v44 =	vsub.f32 v38, v39;
	_ =	sdelay $0x1  }
0x1b0: {  	v45 =	vsub.f32 v40, v41;
	v0 =	vmul.f32 v0, v0;
	v1 =	vmul.f32 v44, v44;
	_ =	sdelay $0x1  }
0x1b1: {  	v47 =	vsub.f32 v42, v43;
	v46 =	vmul.f32 v45, v45;
	v0 =	vadd.f32 v1, v0;
	_ =	sdelay $0x1  }
0x1b2: {  	v48 =	vmul.f32 v47, v47;
	v0 =	vadd.f32 v46, v0;
	_ =	sdelay $0x1  }
0x1b3: {  	v0 =	vadd.f32 v48, v0;
	_ =	sdelay $0x1  }
0x1b4: {  	[tilespmem:s15+$0x10] =	vst v0  }
0x1b5: {  	v0 =	vld [tilespmem:s17+$0x9280]  }
0x1b6: {  	v49 =	vld [tilespmem:s17+$0xB280]  }
0x1b7: {  	v50 =	vld [tilespmem:s17+$0x9290]  }
0x1b8: {  	v51 =	vld [tilespmem:s17+$0xB290]  }
0x1b9: {  	v52 =	vld [tilespmem:s17+$0x92A0]  }
0x1ba: {  	v53 =	vld [tilespmem:s17+$0xB2A0]  }
0x1bb: {  	v54 =	vld [tilespmem:s17+$0x92B0]  }
0x1bc: {  	v55 =	vld [tilespmem:s17+$0xB2B0]  }
0x1bd: {  	v0 =	vsub.f32 v0, v49;
	v56 =	vsub.f32 v50, v51;
	_ =	sdelay $0x1  }
0x1be: {  	v57 =	vsub.f32 v52, v53;
	v0 =	vmul.f32 v0, v0;
	v1 =	vmul.f32 v56, v56;
	_ =	sdelay $0x1  }
0x1bf: {  	v59 =	vsub.f32 v54, v55;
	v58 =	vmul.f32 v57, v57;
	v0 =	vadd.f32 v1, v0;
	_ =	sdelay $0x1  }
0x1c0: {  	v60 =	vmul.f32 v59, v59;
	v0 =	vadd.f32 v58, v0;
	_ =	sdelay $0x1  }
0x1c1: {  	v0 =	vadd.f32 v60, v0;
	_ =	sdelay $0x1  }
0x1c2: {  	[tilespmem:s15+$0x20] =	vst v0  }
0x1c3: {  	v0 =	vld [tilespmem:s17+$0x92C0]  }
0x1c4: {  	v61 =	vld [tilespmem:s17+$0xB2C0]  }
0x1c5: {  	v62 =	vld [tilespmem:s17+$0x92D0]  }
0x1c6: {  	v63 =	vld [tilespmem:s17+$0xB2D0]  }
0x1c7: {  	v9 =	vld [tilespmem:s17+$0x92E0]  }
0x1c8: {  	v10 =	vld [tilespmem:s17+$0xB2E0]  }
0x1c9: {  	v11 =	vld [tilespmem:s17+$0x92F0]  }
0x1ca: {  	v12 =	vld [tilespmem:s17+$0xB2F0]  }
0x1cb: {  	v0 =	vsub.f32 v0, v61;
	v13 =	vsub.f32 v62, v63;
	_ =	sdelay $0x1  }
0x1cc: {  	v14 =	vsub.f32 v9, v10;
	v0 =	vmul.f32 v0, v0;
	v1 =	vmul.f32 v13, v13;
	_ =	sdelay $0x1  }
0x1cd: {  	v16 =	vsub.f32 v11, v12;
	v15 =	vmul.f32 v14, v14;
	v0 =	vadd.f32 v1, v0;
	_ =	sdelay $0x1  }
0x1ce: {  	v17 =	vmul.f32 v16, v16;
	v0 =	vadd.f32 v15, v0;
	_ =	sdelay $0x1  }
0x1cf: {  	v0 =	vadd.f32 v17, v0;
	_ =	sdelay $0x1  }
0x1d0: {  	[tilespmem:s15+$0x30] =	vst v0  }
0x1d1: {  	v0 =	vld [tilespmem:s17+$0x9300]  }
0x1d2: {  	v18 =	vld [tilespmem:s17+$0xB300]  }
0x1d3: {  	v19 =	vld [tilespmem:s17+$0x9310]  }
0x1d4: {  	v20 =	vld [tilespmem:s17+$0xB310]  }
0x1d5: {  	v21 =	vld [tilespmem:s17+$0x9320]  }
0x1d6: {  	v22 =	vld [tilespmem:s17+$0xB320]  }
0x1d7: {  	v23 =	vld [tilespmem:s17+$0x9330]  }
0x1d8: {  	v24 =	vld [tilespmem:s17+$0xB330]  }
0x1d9: {  	v0 =	vsub.f32 v0, v18;
	v25 =	vsub.f32 v19, v20;
	_ =	sdelay $0x1  }
0x1da: {  	v26 =	vsub.f32 v21, v22;
	v0 =	vmul.f32 v0, v0;
	v1 =	vmul.f32 v25, v25;
	_ =	sdelay $0x1  }
0x1db: {  	v28 =	vsub.f32 v23, v24;
	v27 =	vmul.f32 v26, v26;
	v0 =	vadd.f32 v1, v0;
	_ =	sdelay $0x1  }
0x1dc: {  	v29 =	vmul.f32 v28, v28;
	v0 =	vadd.f32 v27, v0;
	_ =	sdelay $0x1  }
0x1dd: {  	v0 =	vadd.f32 v29, v0;
	_ =	sdelay $0x1  }
0x1de: {  	[tilespmem:s15+$0x40] =	vst v0  }
0x1df: {  	v0 =	vld [tilespmem:s17+$0x9340]  }
0x1e0: {  	v30 =	vld [tilespmem:s17+$0xB340]  }
0x1e1: {  	v31 =	vld [tilespmem:s17+$0x9350]  }
0x1e2: {  	v32 =	vld [tilespmem:s17+$0xB350]  }
0x1e3: {  	v33 =	vld [tilespmem:s17+$0x9360]  }
0x1e4: {  	v34 =	vld [tilespmem:s17+$0xB360]  }
0x1e5: {  	v35 =	vld [tilespmem:s17+$0x9370]  }
0x1e6: {  	v36 =	vld [tilespmem:s17+$0xB370]  }
0x1e7: {  	v0 =	vsub.f32 v0, v30;
	v37 =	vsub.f32 v31, v32;
	_ =	sdelay $0x1  }
0x1e8: {  	v38 =	vsub.f32 v33, v34;
	v0 =	vmul.f32 v0, v0;
	v1 =	vmul.f32 v37, v37;
	_ =	sdelay $0x1  }
0x1e9: {  	v40 =	vsub.f32 v35, v36;
	v39 =	vmul.f32 v38, v38;
	v0 =	vadd.f32 v1, v0;
	_ =	sdelay $0x1  }
0x1ea: {  	v41 =	vmul.f32 v40, v40;
	v0 =	vadd.f32 v39, v0;
	_ =	sdelay $0x1  }
0x1eb: {  	v0 =	vadd.f32 v41, v0;
	_ =	sdelay $0x1  }
0x1ec: {  	[tilespmem:s15+$0x50] =	vst v0  }
0x1ed: {  	v0 =	vld [tilespmem:s17+$0x9380]  }
0x1ee: {  	v42 =	vld [tilespmem:s17+$0xB380]  }
0x1ef: {  	v43 =	vld [tilespmem:s17+$0x9390]  }
0x1f0: {  	v44 =	vld [tilespmem:s17+$0xB390]  }
0x1f1: {  	v45 =	vld [tilespmem:s17+$0x93A0]  }
0x1f2: {  	v46 =	vld [tilespmem:s17+$0xB3A0]  }
0x1f3: {  	v47 =	vld [tilespmem:s17+$0x93B0]  }
0x1f4: {  	v48 =	vld [tilespmem:s17+$0xB3B0]  }
0x1f5: {  	v0 =	vsub.f32 v0, v42;
	v49 =	vsub.f32 v43, v44;
	_ =	sdelay $0x1  }
0x1f6: {  	v50 =	vsub.f32 v45, v46;
	v0 =	vmul.f32 v0, v0;
	v1 =	vmul.f32 v49, v49;
	_ =	sdelay $0x1  }
0x1f7: {  	v52 =	vsub.f32 v47, v48;
	v51 =	vmul.f32 v50, v50;
	v0 =	vadd.f32 v1, v0;
	_ =	sdelay $0x1  }
0x1f8: {  	v53 =	vmul.f32 v52, v52;
	v0 =	vadd.f32 v51, v0;
	_ =	sdelay $0x1  }
0x1f9: {  	v0 =	vadd.f32 v53, v0;
	_ =	sdelay $0x1  }
0x1fa: {  	[tilespmem:s15+$0x60] =	vst v0  }
0x1fb: {  	v0 =	vld [tilespmem:s17+$0x93C0]  }
0x1fc: {  	v54 =	vld [tilespmem:s17+$0xB3C0]  }
0x1fd: {  	v55 =	vld [tilespmem:s17+$0x93D0]  }
0x1fe: {  	v56 =	vld [tilespmem:s17+$0xB3D0]  }
0x1ff: {  	v57 =	vld [tilespmem:s17+$0x93E0]  }
0x200: {  	v58 =	vld [tilespmem:s17+$0xB3E0]  }
0x201: {  	v59 =	vld [tilespmem:s17+$0x93F0]  }
0x202: {  	v60 =	vld [tilespmem:s17+$0xB3F0]  }
0x203: {  	v0 =	vsub.f32 v0, v54;
	v61 =	vsub.f32 v55, v56;
	_ =	sdelay $0x1  }
0x204: {  	v62 =	vsub.f32 v57, v58;
	v0 =	vmul.f32 v0, v0;
	v1 =	vmul.f32 v61, v61;
	_ =	sdelay $0x1  }
0x205: {  	v63 =	vsub.f32 v59, v60;
	v2 =	vmul.f32 v62, v62;
	v0 =	vadd.f32 v1, v0  }
0x206: {  	p0 =	sne.s32 s1, $0x7000  }
.Ltmp1:
0x207: {  	v1 =	vmul.f32 v63, v63;
	v0 =	vadd.f32 v2, v0;
	(pc) =	sbr.rel @p0 .LBB2_5-.Ltmp1, $3  }
0x208: {  	_ = 	snop  }
0x209: {  	v0 =	vadd.f32 v1, v0;
	_ =	sdelay $0x1  }
0x20a: {  	s1 =	sadd.s32 $0x1000, s1;
	[tilespmem:s15+$0x70] =	vst v0;
	s15 =	sadd.s32 $0x100, s15  }
0x20b: {  	p0 =	sne.s32 s0, $0x28  }
.Ltmp2:
0x20c: {  	s1 =	sadd.s32 s31, s10;
	(pc) =	sbr.rel @p0 .LBB2_2-.Ltmp2, $4  }
0x20d: {  	s1 =	sshll.u32 s1, $0x1  }
0x20e: {  	s1 =	sand.u32 $0x1FFFFF00, s1  }
0x20f: {  	s1 =	sadd.s32 s4, s1  }
0x210: {  	[hbm4b:s1+s2] =	stream.linear.scatter [tilespmem:s26], [sflag:$0x6], $0x800, $0x38;
	[tilespmem:$0xE000] =	vst v63  }
0x211: {  	s30 =	sadd.s32 $0x1, s30  }
0x212: {  	_ =	swait.ge [sflag:s28], $0x800;
	p0 =	sne.s32 s30, s11  }
.Ltmp3:
0x213: {  	[sflag:s28] =	ssyncset.done $0x0;
	(pc) =	sbr.rel @p0 .LBB2_1-.Ltmp3, $4  }
0x214: {  	[sflag:s28] =	ssyncadd.s32 $0xFFFFF800  }
0x215: {  	_ =	swait.ge [sflag:s29], $0x800  }
0x216: {  	[sflag:s29] =	ssyncset.done $0x0  }
0x217: {  	[sflag:s29] =	ssyncadd.s32 $0xFFFFF800  }
0x218: {  	_ =	sfence.sel $0x180000  }
0x219: {  	[bflag:$0x0] =	sbarrier.arrive $0xFFFF  }
0x21a: {  	_ =	strace $0x90000047  }
0x21b: {  	s0 =	stileid.u32;
	[bflag:$0x2] =	sbarrier.arrive $0xFFFF  }
0x21c: {  	p0 =	sne.s32 s0, $0x0;
	s0 =	rddreg [dreg:$0x5]  }
0x21d: {  	s0 =	sadd.s32 @!p0 $0x100000, s0  }
0x21e: {  	[sflag:s0] =	ssyncadd.tile.s32 @!p0 $0x1;
	_ =	shalt  }
.Lfunc_end2:
_tile_overlayer_lowered:
.L_overlay_start_2:
0x21f: {  	(tag) =	ssettag $0x2  }
0x220: {  	s0 =	rddreg [dreg:$0x0];
	s2 =	stileid.u32  }
0x221: {  	s1 =	rddreg [dreg:$0x1];
	p0 =	sne.s32 s2, $0x0  }
0x222: {  	s3 =	rddreg [dreg:$0x2];
	[bflag:$0x3] =	sbarrier.arrive $0xFFFF;
	s2 =	simm.s32 @!p0 $0x1C07  }
0x223: {  	[timem:s3], [sflag:s2] =	dma.local @!p0 [hbm:s0], s1  }
0x224: {  	s0 =	simm.s32 @!p0 $0x7  }
0x225: {  	_ =	swait.ge @!p0 [sflag:s0], s1  }
0x226: {  	s1 =	ssub.s32 @!p0 $0x0, s1;
	[sflag:s0] =	ssyncset.done @!p0 $0x0  }
0x227: {  	[sflag:s0] =	ssyncadd.s32 @!p0 s1  }
0x228: {  	[bflag:$0x3] =	sbarrier.arrive $0xFFFF  }
0x229: {  	_ =	shalt  }

</sc_bundles>
